<compile_context>
chip_gen: v7x
topology: tpu7x:2x2x1
jax: 0.10.2.dev20260603
libtpu: 0.0.44.dev20260713+nightly
codegen_flags: <defaults>
</compile_context>

<pallas_src>
import functools

import jax
import jax.numpy as jnp
from jax import lax
from jax.experimental import pallas as pl
from jax.experimental.pallas import tpu as pltpu
from jax.experimental.pallas import tpu_sc as plsc

N = 10000
E = 320000
D = 128
NC = 2
NS = 16
NW = NC * NS
EPT = E // NW
K = 100
CH = EPT // K
NBUF = 2
PASSES = 2
CPP = CH // PASSES
NP = 10240
RPS = NP // NS



@functools.cache
def _get_sc_kernels():
    mesh = plsc.VectorSubcoreMesh(core_axis_name="c", subcore_axis_name="s")

    @functools.partial(
        pl.kernel,
        out_type=jax.ShapeDtypeStruct((NC, NP, D), jnp.float32),
        mesh=mesh,
        scratch_types=[
            pltpu.VMEM((CH, K), jnp.int32),
            pltpu.VMEM((K, D), jnp.float32),
            pltpu.VMEM_SHARED((NP, D), jnp.float32),
            [pltpu.SemaphoreType.DMA] * 2,
        ],
    )
    def _sc_degree(row_hbm, ones_hbm, zero_hbm, out_hbm, row_v, ones_v, acc,
                   sems):
        c = lax.axis_index("c")
        s = lax.axis_index("s")
        cid = c * NS + s
        pltpu.sync_copy(zero_hbm, acc.at[pl.ds(s * RPS, RPS)])
        pltpu.sync_copy(ones_hbm, ones_v)
        pltpu.sync_copy(row_hbm.at[cid], row_v)
        plsc.subcore_barrier()

        for b in range(2):
            pltpu.async_copy(ones_v, acc.at[row_v.at[b]], sems[b], add=True)

        def body(t, _):
            for b in range(2):
                jn = 2 * t + b + 2
                pltpu.make_async_copy(
                    ones_v, acc.at[row_v.at[jn]], sems[b]).wait()
                pltpu.async_copy(ones_v, acc.at[row_v.at[jn]], sems[b],
                                 add=True)
            return ()

        lax.fori_loop(0, (CH - 2) // 2, body, (), unroll=False)
        for b in range(2):
            pltpu.make_async_copy(
                ones_v, acc.at[row_v.at[b]], sems[b]).wait()
        plsc.subcore_barrier()
        pltpu.sync_copy(acc.at[pl.ds(s * RPS, RPS)],
                        out_hbm.at[c, pl.ds(s * RPS, RPS)])

    @functools.partial(
        pl.kernel,
        out_type=jax.ShapeDtypeStruct((NC, NP, D), jnp.float32),
        mesh=mesh,
        scratch_types=[
            pltpu.VMEM((CPP, K), jnp.int32),
            pltpu.VMEM((CPP, K), jnp.int32),
            pltpu.VMEM((NBUF, K, D), jnp.float32),
            pltpu.VMEM_SHARED((NP, D), jnp.float32),
            [pltpu.SemaphoreType.DMA] * NBUF,
        ],
    )
    def _sc_messages(hsc_hbm, col0_hbm, col1_hbm, row0_hbm, row1_hbm,
                     zero_hbm, out_hbm, col_v, row_v, rows_v, acc, sems):
        c = lax.axis_index("c")
        s = lax.axis_index("s")
        cid = c * NS + s
        pltpu.sync_copy(zero_hbm, acc.at[pl.ds(s * RPS, RPS)])
        plsc.subcore_barrier()

        for col_hbm, row_hbm in ((col0_hbm, row0_hbm), (col1_hbm, row1_hbm)):
            pltpu.sync_copy(col_hbm.at[cid], col_v)
            pltpu.sync_copy(row_hbm.at[cid], row_v)

            for b in range(NBUF):
                pltpu.async_copy(hsc_hbm.at[col_v.at[b]], rows_v.at[b],
                                 sems[b])

            def body(t, _):
                for b in range(NBUF):
                    j = t * NBUF + b
                    pltpu.make_async_copy(
                        hsc_hbm.at[col_v.at[b]], rows_v.at[b], sems[b]).wait()
                    pltpu.async_copy(
                        rows_v.at[b], acc.at[row_v.at[j]], sems[b], add=True
                    ).wait()
                    jn = (j + NBUF) % CPP
                    pltpu.async_copy(
                        hsc_hbm.at[col_v.at[jn]], rows_v.at[b], sems[b])
                return ()

            lax.fori_loop(0, CPP // NBUF, body, (), unroll=False)
            for b in range(NBUF):
                pltpu.make_async_copy(
                    hsc_hbm.at[col_v.at[b]], rows_v.at[b], sems[b]).wait()
        plsc.subcore_barrier()
        pltpu.sync_copy(acc.at[pl.ds(s * RPS, RPS)],
                        out_hbm.at[c, pl.ds(s * RPS, RPS)])

    return _sc_degree, _sc_messages



BLK = 2000
GRID = N // BLK


def _tc_input_body(x_ref, w_ref, b_ref, dp_ref, h_ref, hsc_ref, mean_ref, acc):
    i = pl.program_id(0)
    h = jnp.dot(x_ref[...], w_ref[...],
                preferred_element_type=jnp.float32) + b_ref[...]
    deg = dp_ref[0, :, 0:1] + dp_ref[1, :, 0:1] + 1.0
    dis = lax.rsqrt(deg)
    h_ref[...] = h
    hsc_ref[...] = h * dis

    @pl.when(i == 0)
    def _():
        acc[...] = jnp.zeros_like(acc)

    acc[...] += jnp.sum(h, axis=0, keepdims=True)

    @pl.when(i == GRID - 1)
    def _():
        mean_ref[...] = acc[...] * (1.0 / N)


def _tc_layer_body(h_ref, mp_ref, dp_ref, mean_ref, gw_ref, gb_ref,
                   w_ref, b_ref, gamma_ref, beta_ref,
                   hn_ref, hsc_ref, mean_out_ref, acc):
    i = pl.program_id(0)
    deg = dp_ref[0, :, 0:1] + dp_ref[1, :, 0:1] + 1.0
    dis = lax.rsqrt(deg)
    msgs = (mp_ref[0] + mp_ref[1]) * dis
    ctx = jnp.dot(mean_ref[...], gw_ref[...],
                  preferred_element_type=jnp.float32) + gb_ref[...]
    z = jnp.dot(h_ref[...] + msgs, w_ref[...],
                preferred_element_type=jnp.float32) + b_ref[...] + ctx
    z = jnp.maximum(z, 0.0)
    mu = jnp.mean(z, axis=-1, keepdims=True)
    var = jnp.mean(jnp.square(z - mu), axis=-1, keepdims=True)
    hn = (z - mu) * lax.rsqrt(var + 1e-5) * gamma_ref[...] + beta_ref[...]
    hn_ref[...] = hn
    hsc_ref[...] = hn * dis

    @pl.when(i == 0)
    def _():
        acc[...] = jnp.zeros_like(acc)

    acc[...] += jnp.sum(hn, axis=0, keepdims=True)

    @pl.when(i == GRID - 1)
    def _():
        mean_out_ref[...] = acc[...] * (1.0 / N)


_row_spec = pl.BlockSpec((BLK, D), lambda i: (i, 0))
_full_spec = pl.BlockSpec((D, D), lambda i: (0, 0))
_vec_spec = pl.BlockSpec((1, D), lambda i: (0, 0))
_dp_spec = pl.BlockSpec((NC, BLK, D), lambda i: (0, i, 0))
_mp_spec = pl.BlockSpec((NC, BLK, D), lambda i: (0, i, 0))

_tc_input = pl.pallas_call(
    _tc_input_body,
    grid=(GRID,),
    in_specs=[_row_spec, _full_spec, _vec_spec, _dp_spec],
    out_specs=[_row_spec, _row_spec, _vec_spec],
    out_shape=[
        jax.ShapeDtypeStruct((N, D), jnp.float32),
        jax.ShapeDtypeStruct((N, D), jnp.float32),
        jax.ShapeDtypeStruct((1, D), jnp.float32),
    ],
    scratch_shapes=[pltpu.VMEM((1, D), jnp.float32)],
)

_tc_layer = pl.pallas_call(
    _tc_layer_body,
    grid=(GRID,),
    in_specs=[_row_spec, _mp_spec, _dp_spec, _vec_spec, _full_spec, _vec_spec,
              _full_spec, _vec_spec, _vec_spec, _vec_spec],
    out_specs=[_row_spec, _row_spec, _vec_spec],
    out_shape=[
        jax.ShapeDtypeStruct((N, D), jnp.float32),
        jax.ShapeDtypeStruct((N, D), jnp.float32),
        jax.ShapeDtypeStruct((1, D), jnp.float32),
    ],
    scratch_shapes=[pltpu.VMEM((1, D), jnp.float32)],
)



def kernel(x, edge_index, W_in, b_in, layers_W, layers_b, glob_W, glob_b,
           gamma, beta):
    row = edge_index[0].reshape(NW, CH, K)
    rowp = edge_index[0].reshape(PASSES, NW, CPP, K)
    colp = edge_index[1].reshape(PASSES, NW, CPP, K)
    row0, row1 = rowp[0], rowp[1]
    col0, col1 = colp[0], colp[1]
    onesD = jnp.ones((K, D), jnp.float32)
    zeroD = jnp.zeros((RPS, D), jnp.float32)

    _sc_degree, _sc_messages = _get_sc_kernels()
    degp = _sc_degree(row, onesD, zeroD)
    h, hsc, hmean = _tc_input(x, W_in, b_in.reshape(1, D), degp)

    num_layers = layers_W.shape[0]
    for l in range(num_layers):
        msgp = _sc_messages(hsc, col0, col1, row0, row1, zeroD)
        h, hsc, hmean = _tc_layer(
            h, msgp, degp, hmean,
            glob_W[l], glob_b[l].reshape(1, D),
            layers_W[l], layers_b[l].reshape(1, D),
            gamma[l].reshape(1, D), beta[l].reshape(1, D))
    return h

# --- scband reference (transcript-rebuilt; emitter-appended) ---
"""Pipeline reference for scband-quranic-gnn-36756330119965 (READ-ONLY COPY).

The authoritative reference and input builder live on the scoring server;
editing this copy changes nothing except your own understanding.
"""

import jax, jax.numpy as jnp
import numpy as np

N = 10000
E = 320000
IN_DIM = 128
HID = 128
L = 2


def setup_inputs(seed: int = 0) -> dict:
    key = jax.random.key(seed)
    ks = jax.random.split(key, 8)
    x = jax.random.normal(ks[0], (N, IN_DIM), dtype=jnp.float32)
    edge_index = jax.random.randint(ks[1], (2, E), 0, N, dtype=jnp.int32)
    W_in = jax.random.normal(ks[2], (IN_DIM, HID), dtype=jnp.float32) * 0.05
    b_in = jnp.zeros((HID,), dtype=jnp.float32)
    layers_W = jax.random.normal(ks[3], (L, HID, HID), dtype=jnp.float32) * 0.05
    layers_b = jnp.zeros((L, HID), dtype=jnp.float32)
    glob_W = jax.random.normal(ks[4], (L, HID, HID), dtype=jnp.float32) * 0.05
    glob_b = jnp.zeros((L, HID), dtype=jnp.float32)
    gamma = jnp.ones((L, HID), dtype=jnp.float32)
    beta = jnp.zeros((L, HID), dtype=jnp.float32)
    return {"x": x, "edge_index": edge_index, "W_in": W_in, "b_in": b_in,
            "layers_W": layers_W, "layers_b": layers_b,
            "glob_W": glob_W, "glob_b": glob_b, "gamma": gamma, "beta": beta}


def reference(x, edge_index, W_in, b_in, layers_W, layers_b, glob_W, glob_b, gamma, beta):
    n = x.shape[0]
    row = edge_index[0]  # dst
    col = edge_index[1]  # src
    ones = jnp.ones((row.shape[0],), dtype=x.dtype)
    degree = jax.ops.segment_sum(ones, row, num_segments=n) + 1.0
    deg_inv_sqrt = 1.0 / jnp.sqrt(degree)
    h = x @ W_in + b_in
    num_layers = layers_W.shape[0]
    for l in range(num_layers):
        h_scaled = h * deg_inv_sqrt[:, None]
        messages = jax.ops.segment_sum(h_scaled[col], row, num_segments=n)
        messages = messages * deg_inv_sqrt[:, None]
        global_ctx = jnp.mean(h, axis=0, keepdims=True) @ glob_W[l] + glob_b[l]
        z = jax.nn.relu((h + messages) @ layers_W[l] + layers_b[l] + global_ctx)
        mu = jnp.mean(z, axis=-1, keepdims=True)
        var = jnp.mean((z - mu) ** 2, axis=-1, keepdims=True)
        h = (z - mu) / jnp.sqrt(var + 1e-5) * gamma[l] + beta[l]
    return h

if __name__ == "__main__":
    import jax
    _d = setup_inputs()
    print(jax.jit(kernel)(*tuple(_d.values())))

</pallas_src>

<mosaic_0001>
#map = affine_map<(d0, d1) -> (0, 0)>
#map1 = affine_map<(d0, d1) -> (0, 0, 0)>
module attributes {stable_mosaic.version = 14 : i64} {
  func.func @_sc_messages(%arg0: i32, %arg1: i32, %arg2: memref<10000x128xf32, #tpu.memory_space<hbm>>, %arg3: memref<32x50x100xi32, #tpu.memory_space<hbm>>, %arg4: memref<32x50x100xi32, #tpu.memory_space<hbm>>, %arg5: memref<32x50x100xi32, #tpu.memory_space<hbm>>, %arg6: memref<32x50x100xi32, #tpu.memory_space<hbm>>, %arg7: memref<640x128xf32, #tpu.memory_space<hbm>>, %arg8: memref<2x10240x128xf32, #tpu.memory_space<hbm>>, %arg9: memref<50x100xi32, #tpu.memory_space<vmem>>, %arg10: memref<50x100xi32, #tpu.memory_space<vmem>>, %arg11: memref<2x100x128xf32, #tpu.memory_space<vmem>>, %arg12: memref<10240x128xf32, #tpu.memory_space<vmem_shared>>, %arg13: memref<!tpu.dma_semaphore, #tpu.memory_space<semaphore_mem>>, %arg14: memref<!tpu.dma_semaphore, #tpu.memory_space<semaphore_mem>>) attributes {dimension_semantics = [#tpu.dimension_semantics<core_parallel>, #tpu.dimension_semantics<subcore_parallel>], iteration_bounds = array<i64: 2, 16>, scalar_prefetch = 0 : i64, scratch_operands = 6 : i64, tpu.core_type = #tpu.core_type<sc_vector_subcore>, window_params = [{transform_indices = #map}, {transform_indices = #map1}, {transform_indices = #map1}, {transform_indices = #map1}, {transform_indices = #map1}, {transform_indices = #map}, {transform_indices = #map1}]} {
    %mul3A = arith.constant 16 : i32
    %mul3A_0 = arith.muli %arg0, %mul3A : i32
    %add3A = arith.addi %mul3A_0, %arg1 : i32
    %mul3A_1 = arith.constant 640 : i32
    %mul3A_2 = arith.muli %arg1, %mul3A_1 : i32
    "tpu.region"() ({
      %run_scoped3A = tpu.sem_alloc : memref<!tpu.dma_semaphore, #tpu.memory_space<semaphore_mem>>
      %dma_start3A_111 = arith.constant 0 : i32
      %dma_start3A_112 = tpu.memref_slice %arg12[%mul3A_2, %dma_start3A_111] : memref<10240x128xf32, #tpu.memory_space<vmem_shared>> -> memref<640x128xf32, #tpu.memory_space<vmem_shared>>
      tpu.enqueue_dma source(%arg7 : memref<640x128xf32, #tpu.memory_space<hbm>>) target(%dma_start3A_112 : memref<640x128xf32, #tpu.memory_space<vmem_shared>>) target_semaphore(%run_scoped3A : memref<!tpu.dma_semaphore, #tpu.memory_space<semaphore_mem>>)
      %dma_wait3A_113 = arith.constant 0 : i32
      %dma_wait3A_114 = tpu.memref_slice %arg12[%mul3A_2, %dma_wait3A_113] : memref<10240x128xf32, #tpu.memory_space<vmem_shared>> -> memref<640x128xf32, #tpu.memory_space<vmem_shared>>
      tpu.wait_dma2 semaphore(%run_scoped3A : memref<!tpu.dma_semaphore, #tpu.memory_space<semaphore_mem>>) src(%arg7 : memref<640x128xf32, #tpu.memory_space<hbm>>) dst(%dma_wait3A_114 : memref<640x128xf32, #tpu.memory_space<vmem_shared>>)
      tpu.yield
    }) : () -> ()
    %barrier3A = arith.constant 0 : index
    tpu.barrier barrier_id(%barrier3A)
    "tpu.region"() ({
      %run_scoped3A = tpu.sem_alloc : memref<!tpu.dma_semaphore, #tpu.memory_space<semaphore_mem>>
      %dma_start3A_111 = arith.constant 0 : i32
      %dma_start3A_112 = arith.constant 0 : i32
      %dma_start3A_113 = tpu.memref_slice %arg3[%add3A, %dma_start3A_111, %dma_start3A_112] : memref<32x50x100xi32, #tpu.memory_space<hbm>> -> memref<1x50x100xi32, #tpu.memory_space<hbm>>
      %dma_start3A_114 = tpu.memref_squeeze %dma_start3A_113 : memref<1x50x100xi32, #tpu.memory_space<hbm>> -> memref<50x100xi32, #tpu.memory_space<hbm>>
      %dma_start3A_115 = arith.constant 0 : i32
      %dma_start3A_116 = arith.constant 0 : i32
      %dma_start3A_117 = tpu.memref_slice %arg3[%add3A, %dma_start3A_115, %dma_start3A_116] : memref<32x50x100xi32, #tpu.memory_space<hbm>> -> memref<1x50x100xi32, #tpu.memory_space<hbm>>
      %dma_start3A_118 = tpu.memref_squeeze %dma_start3A_117 : memref<1x50x100xi32, #tpu.memory_space<hbm>> -> memref<50x100xi32, #tpu.memory_space<hbm>>
      tpu.enqueue_dma source(%dma_start3A_118 : memref<50x100xi32, #tpu.memory_space<hbm>>) target(%arg9 : memref<50x100xi32, #tpu.memory_space<vmem>>) target_semaphore(%run_scoped3A : memref<!tpu.dma_semaphore, #tpu.memory_space<semaphore_mem>>)
      %dma_wait3A_119 = arith.constant 0 : i32
      %dma_wait3A_120 = arith.constant 0 : i32
      %dma_wait3A_121 = tpu.memref_slice %arg3[%add3A, %dma_wait3A_119, %dma_wait3A_120] : memref<32x50x100xi32, #tpu.memory_space<hbm>> -> memref<1x50x100xi32, #tpu.memory_space<hbm>>
      %dma_wait3A_122 = tpu.memref_squeeze %dma_wait3A_121 : memref<1x50x100xi32, #tpu.memory_space<hbm>> -> memref<50x100xi32, #tpu.memory_space<hbm>>
      %dma_wait3A_123 = arith.constant 0 : i32
      %dma_wait3A_124 = arith.constant 0 : i32
      %dma_wait3A_125 = tpu.memref_slice %arg3[%add3A, %dma_wait3A_123, %dma_wait3A_124] : memref<32x50x100xi32, #tpu.memory_space<hbm>> -> memref<1x50x100xi32, #tpu.memory_space<hbm>>
      %dma_wait3A_126 = tpu.memref_squeeze %dma_wait3A_125 : memref<1x50x100xi32, #tpu.memory_space<hbm>> -> memref<50x100xi32, #tpu.memory_space<hbm>>
      tpu.wait_dma2 semaphore(%run_scoped3A : memref<!tpu.dma_semaphore, #tpu.memory_space<semaphore_mem>>) src(%dma_wait3A_126 : memref<50x100xi32, #tpu.memory_space<hbm>>) dst(%arg9 : memref<50x100xi32, #tpu.memory_space<vmem>>)
      tpu.yield
    }) : () -> ()
    "tpu.region"() ({
      %run_scoped3A = tpu.sem_alloc : memref<!tpu.dma_semaphore, #tpu.memory_space<semaphore_mem>>
      %dma_start3A_111 = arith.constant 0 : i32
      %dma_start3A_112 = arith.constant 0 : i32
      %dma_start3A_113 = tpu.memref_slice %arg5[%add3A, %dma_start3A_111, %dma_start3A_112] : memref<32x50x100xi32, #tpu.memory_space<hbm>> -> memref<1x50x100xi32, #tpu.memory_space<hbm>>
      %dma_start3A_114 = tpu.memref_squeeze %dma_start3A_113 : memref<1x50x100xi32, #tpu.memory_space<hbm>> -> memref<50x100xi32, #tpu.memory_space<hbm>>
      %dma_start3A_115 = arith.constant 0 : i32
      %dma_start3A_116 = arith.constant 0 : i32
      %dma_start3A_117 = tpu.memref_slice %arg5[%add3A, %dma_start3A_115, %dma_start3A_116] : memref<32x50x100xi32, #tpu.memory_space<hbm>> -> memref<1x50x100xi32, #tpu.memory_space<hbm>>
      %dma_start3A_118 = tpu.memref_squeeze %dma_start3A_117 : memref<1x50x100xi32, #tpu.memory_space<hbm>> -> memref<50x100xi32, #tpu.memory_space<hbm>>
      tpu.enqueue_dma source(%dma_start3A_118 : memref<50x100xi32, #tpu.memory_space<hbm>>) target(%arg10 : memref<50x100xi32, #tpu.memory_space<vmem>>) target_semaphore(%run_scoped3A : memref<!tpu.dma_semaphore, #tpu.memory_space<semaphore_mem>>)
      %dma_wait3A_119 = arith.constant 0 : i32
      %dma_wait3A_120 = arith.constant 0 : i32
      %dma_wait3A_121 = tpu.memref_slice %arg5[%add3A, %dma_wait3A_119, %dma_wait3A_120] : memref<32x50x100xi32, #tpu.memory_space<hbm>> -> memref<1x50x100xi32, #tpu.memory_space<hbm>>
      %dma_wait3A_122 = tpu.memref_squeeze %dma_wait3A_121 : memref<1x50x100xi32, #tpu.memory_space<hbm>> -> memref<50x100xi32, #tpu.memory_space<hbm>>
      %dma_wait3A_123 = arith.constant 0 : i32
      %dma_wait3A_124 = arith.constant 0 : i32
      %dma_wait3A_125 = tpu.memref_slice %arg5[%add3A, %dma_wait3A_123, %dma_wait3A_124] : memref<32x50x100xi32, #tpu.memory_space<hbm>> -> memref<1x50x100xi32, #tpu.memory_space<hbm>>
      %dma_wait3A_126 = tpu.memref_squeeze %dma_wait3A_125 : memref<1x50x100xi32, #tpu.memory_space<hbm>> -> memref<50x100xi32, #tpu.memory_space<hbm>>
      tpu.wait_dma2 semaphore(%run_scoped3A : memref<!tpu.dma_semaphore, #tpu.memory_space<semaphore_mem>>) src(%dma_wait3A_126 : memref<50x100xi32, #tpu.memory_space<hbm>>) dst(%arg10 : memref<50x100xi32, #tpu.memory_space<vmem>>)
      tpu.yield
    }) : () -> ()
    %dma_start3A = arith.constant 0 : i32
    %dma_start3A_3 = arith.constant 0 : i32
    %dma_start3A_4 = arith.constant 0 : i32
    %dma_start3A_5 = arith.constant 0 : i32
    %dma_start3A_6 = tpu.memref_slice %arg11[%dma_start3A_3, %dma_start3A_4, %dma_start3A_5] : memref<2x100x128xf32, #tpu.memory_space<vmem>> -> memref<1x100x128xf32, #tpu.memory_space<vmem>>
    %dma_start3A_7 = tpu.memref_squeeze %dma_start3A_6 : memref<1x100x128xf32, #tpu.memory_space<vmem>> -> memref<100x128xf32, #tpu.memory_space<vmem>>
    %dma_start3A_8 = arith.constant 0 : i32
    %dma_start3A_9 = tpu.memref_slice %arg9[%dma_start3A, %dma_start3A_8] : memref<50x100xi32, #tpu.memory_space<vmem>> -> memref<1x100xi32, #tpu.memory_space<vmem>>
    %dma_start3A_10 = tpu.memref_squeeze %dma_start3A_9 : memref<1x100xi32, #tpu.memory_space<vmem>> -> memref<100xi32, #tpu.memory_space<vmem>>
    %dma_start3A_11 = arith.constant 0 : i32
    %dma_start3A_12 = arith.constant 0 : i32
    %dma_start3A_13 = tpu.memref_slice %arg2[%dma_start3A_11, %dma_start3A_12] : memref<10000x128xf32, #tpu.memory_space<hbm>> -> memref<10000x128xf32, #tpu.memory_space<hbm>>
    tpu.enqueue_indirect_dma source(%dma_start3A_13 : memref<10000x128xf32, #tpu.memory_space<hbm>>) target(%dma_start3A_7 : memref<100x128xf32, #tpu.memory_space<vmem>>) offsets(%dma_start3A_10 : memref<100xi32, #tpu.memory_space<vmem>>) semaphore(%arg13 : memref<!tpu.dma_semaphore, #tpu.memory_space<semaphore_mem>>)
    %dma_start3A_14 = arith.constant 1 : i32
    %dma_start3A_15 = arith.constant 1 : i32
    %dma_start3A_16 = arith.constant 0 : i32
    %dma_start3A_17 = arith.constant 0 : i32
    %dma_start3A_18 = tpu.memref_slice %arg11[%dma_start3A_15, %dma_start3A_16, %dma_start3A_17] : memref<2x100x128xf32, #tpu.memory_space<vmem>> -> memref<1x100x128xf32, #tpu.memory_space<vmem>>
    %dma_start3A_19 = tpu.memref_squeeze %dma_start3A_18 : memref<1x100x128xf32, #tpu.memory_space<vmem>> -> memref<100x128xf32, #tpu.memory_space<vmem>>
    %dma_start3A_20 = arith.constant 0 : i32
    %dma_start3A_21 = tpu.memref_slice %arg9[%dma_start3A_14, %dma_start3A_20] : memref<50x100xi32, #tpu.memory_space<vmem>> -> memref<1x100xi32, #tpu.memory_space<vmem>>
    %dma_start3A_22 = tpu.memref_squeeze %dma_start3A_21 : memref<1x100xi32, #tpu.memory_space<vmem>> -> memref<100xi32, #tpu.memory_space<vmem>>
    %dma_start3A_23 = arith.constant 0 : i32
    %dma_start3A_24 = arith.constant 0 : i32
    %dma_start3A_25 = tpu.memref_slice %arg2[%dma_start3A_23, %dma_start3A_24] : memref<10000x128xf32, #tpu.memory_space<hbm>> -> memref<10000x128xf32, #tpu.memory_space<hbm>>
    tpu.enqueue_indirect_dma source(%dma_start3A_25 : memref<10000x128xf32, #tpu.memory_space<hbm>>) target(%dma_start3A_19 : memref<100x128xf32, #tpu.memory_space<vmem>>) offsets(%dma_start3A_22 : memref<100xi32, #tpu.memory_space<vmem>>) semaphore(%arg14 : memref<!tpu.dma_semaphore, #tpu.memory_space<semaphore_mem>>)
    %scan3A = arith.constant 0 : i32
    %scan3A_26 = arith.constant 25 : i32
    %scan3A_27 = arith.addi %scan3A, %scan3A_26 : i32
    %scan3A_28 = arith.constant 1 : i32
    scf.for %scan3A_111 = %scan3A to %scan3A_27 step %scan3A_28  : i32 {
      %mul3A_112 = arith.constant 2 : i32
      %mul3A_113 = arith.muli %scan3A_111, %mul3A_112 : i32
      %add3A_114 = arith.constant 0 : i32
      %add3A_115 = arith.addi %mul3A_113, %add3A_114 : i32
      %dma_wait3A_116 = arith.constant 0 : i32
      %dma_wait3A_117 = arith.constant 0 : i32
      %dma_wait3A_118 = arith.constant 0 : i32
      %dma_wait3A_119 = arith.constant 0 : i32
      %dma_wait3A_120 = tpu.memref_slice %arg11[%dma_wait3A_117, %dma_wait3A_118, %dma_wait3A_119] : memref<2x100x128xf32, #tpu.memory_space<vmem>> -> memref<1x100x128xf32, #tpu.memory_space<vmem>>
      %dma_wait3A_121 = tpu.memref_squeeze %dma_wait3A_120 : memref<1x100x128xf32, #tpu.memory_space<vmem>> -> memref<100x128xf32, #tpu.memory_space<vmem>>
      %dma_wait3A_122 = arith.constant 0 : i32
      %dma_wait3A_123 = tpu.memref_slice %arg9[%dma_wait3A_116, %dma_wait3A_122] : memref<50x100xi32, #tpu.memory_space<vmem>> -> memref<1x100xi32, #tpu.memory_space<vmem>>
      %dma_wait3A_124 = tpu.memref_squeeze %dma_wait3A_123 : memref<1x100xi32, #tpu.memory_space<vmem>> -> memref<100xi32, #tpu.memory_space<vmem>>
      %dma_wait3A_125 = arith.constant 0 : i32
      %dma_wait3A_126 = arith.constant 0 : i32
      %dma_wait3A_127 = tpu.memref_slice %arg2[%dma_wait3A_125, %dma_wait3A_126] : memref<10000x128xf32, #tpu.memory_space<hbm>> -> memref<10000x128xf32, #tpu.memory_space<hbm>>
      tpu.wait_indirect_dma semaphore(%arg13 : memref<!tpu.dma_semaphore, #tpu.memory_space<semaphore_mem>>) src(%dma_wait3A_127 : memref<10000x128xf32, #tpu.memory_space<hbm>>) dst(%dma_wait3A_121 : memref<100x128xf32, #tpu.memory_space<vmem>>)
      %dma_start3A_128 = arith.constant 0 : i32
      %dma_start3A_129 = arith.constant 0 : i32
      %dma_start3A_130 = arith.constant 0 : i32
      %dma_start3A_131 = tpu.memref_slice %arg11[%dma_start3A_128, %dma_start3A_129, %dma_start3A_130] : memref<2x100x128xf32, #tpu.memory_space<vmem>> -> memref<1x100x128xf32, #tpu.memory_space<vmem>>
      %dma_start3A_132 = tpu.memref_squeeze %dma_start3A_131 : memref<1x100x128xf32, #tpu.memory_space<vmem>> -> memref<100x128xf32, #tpu.memory_space<vmem>>
      %dma_start3A_133 = arith.constant 0 : i32
      %dma_start3A_134 = tpu.memref_slice %arg10[%add3A_115, %dma_start3A_133] : memref<50x100xi32, #tpu.memory_space<vmem>> -> memref<1x100xi32, #tpu.memory_space<vmem>>
      %dma_start3A_135 = tpu.memref_squeeze %dma_start3A_134 : memref<1x100xi32, #tpu.memory_space<vmem>> -> memref<100xi32, #tpu.memory_space<vmem>>
      %dma_start3A_136 = arith.constant 0 : i32
      %dma_start3A_137 = arith.constant 0 : i32
      %dma_start3A_138 = tpu.memref_slice %arg12[%dma_start3A_136, %dma_start3A_137] : memref<10240x128xf32, #tpu.memory_space<vmem_shared>> -> memref<10240x128xf32, #tpu.memory_space<vmem_shared>>
      tpu.enqueue_indirect_dma source(%dma_start3A_132 : memref<100x128xf32, #tpu.memory_space<vmem>>) target(%dma_start3A_138 : memref<10240x128xf32, #tpu.memory_space<vmem_shared>>) offsets(%dma_start3A_135 : memref<100xi32, #tpu.memory_space<vmem>>) semaphore(%arg13 : memref<!tpu.dma_semaphore, #tpu.memory_space<semaphore_mem>>) {add = true}
      %dma_wait3A_139 = arith.constant 0 : i32
      %dma_wait3A_140 = arith.constant 0 : i32
      %dma_wait3A_141 = arith.constant 0 : i32
      %dma_wait3A_142 = tpu.memref_slice %arg11[%dma_wait3A_139, %dma_wait3A_140, %dma_wait3A_141] : memref<2x100x128xf32, #tpu.memory_space<vmem>> -> memref<1x100x128xf32, #tpu.memory_space<vmem>>
      %dma_wait3A_143 = tpu.memref_squeeze %dma_wait3A_142 : memref<1x100x128xf32, #tpu.memory_space<vmem>> -> memref<100x128xf32, #tpu.memory_space<vmem>>
      %dma_wait3A_144 = arith.constant 0 : i32
      %dma_wait3A_145 = tpu.memref_slice %arg10[%add3A_115, %dma_wait3A_144] : memref<50x100xi32, #tpu.memory_space<vmem>> -> memref<1x100xi32, #tpu.memory_space<vmem>>
      %dma_wait3A_146 = tpu.memref_squeeze %dma_wait3A_145 : memref<1x100xi32, #tpu.memory_space<vmem>> -> memref<100xi32, #tpu.memory_space<vmem>>
      %dma_wait3A_147 = arith.constant 0 : i32
      %dma_wait3A_148 = arith.constant 0 : i32
      %dma_wait3A_149 = tpu.memref_slice %arg12[%dma_wait3A_147, %dma_wait3A_148] : memref<10240x128xf32, #tpu.memory_space<vmem_shared>> -> memref<10240x128xf32, #tpu.memory_space<vmem_shared>>
      tpu.wait_indirect_dma semaphore(%arg13 : memref<!tpu.dma_semaphore, #tpu.memory_space<semaphore_mem>>) src(%dma_wait3A_143 : memref<100x128xf32, #tpu.memory_space<vmem>>) dst(%dma_wait3A_149 : memref<10240x128xf32, #tpu.memory_space<vmem_shared>>)
      %add3A_150 = arith.constant 2 : i32
      %add3A_151 = arith.addi %add3A_115, %add3A_150 : i32
      %jit3A = arith.constant 50 : i32
      %eq3A = arith.constant 0 : i32
      %eq3A_152 = arith.cmpi eq, %jit3A, %eq3A : i32
      %jit3A_153 = arith.constant 1 : i32
      %select_n3A = arith.select %eq3A_152, %jit3A_153, %jit3A : i32
      %rem3A = arith.remsi %add3A_151, %select_n3A : i32
      %ne3A = arith.constant 0 : i32
      %ne3A_154 = arith.cmpi ne, %rem3A, %ne3A : i32
      %lt3A = arith.constant 0 : i32
      %lt3A_155 = arith.cmpi slt, %rem3A, %lt3A : i32
      %lt3A_156 = arith.constant 0 : i32
      %lt3A_157 = arith.cmpi slt, %select_n3A, %lt3A_156 : i32
      %ne3A_158 = arith.xori %lt3A_155, %lt3A_157 : i1
      %and3A = arith.andi %ne3A_158, %ne3A_154 : i1
      %add3A_159 = arith.addi %rem3A, %select_n3A : i32
      %select_n3A_160 = arith.select %and3A, %add3A_159, %rem3A : i32
      %dma_start3A_161 = arith.constant 0 : i32
      %dma_start3A_162 = arith.constant 0 : i32
      %dma_start3A_163 = arith.constant 0 : i32
      %dma_start3A_164 = tpu.memref_slice %arg11[%dma_start3A_161, %dma_start3A_162, %dma_start3A_163] : memref<2x100x128xf32, #tpu.memory_space<vmem>> -> memref<1x100x128xf32, #tpu.memory_space<vmem>>
      %dma_start3A_165 = tpu.memref_squeeze %dma_start3A_164 : memref<1x100x128xf32, #tpu.memory_space<vmem>> -> memref<100x128xf32, #tpu.memory_space<vmem>>
      %dma_start3A_166 = arith.constant 0 : i32
      %dma_start3A_167 = tpu.memref_slice %arg9[%select_n3A_160, %dma_start3A_166] : memref<50x100xi32, #tpu.memory_space<vmem>> -> memref<1x100xi32, #tpu.memory_space<vmem>>
      %dma_start3A_168 = tpu.memref_squeeze %dma_start3A_167 : memref<1x100xi32, #tpu.memory_space<vmem>> -> memref<100xi32, #tpu.memory_space<vmem>>
      %dma_start3A_169 = arith.constant 0 : i32
      %dma_start3A_170 = arith.constant 0 : i32
      %dma_start3A_171 = tpu.memref_slice %arg2[%dma_start3A_169, %dma_start3A_170] : memref<10000x128xf32, #tpu.memory_space<hbm>> -> memref<10000x128xf32, #tpu.memory_space<hbm>>
      tpu.enqueue_indirect_dma source(%dma_start3A_171 : memref<10000x128xf32, #tpu.memory_space<hbm>>) target(%dma_start3A_165 : memref<100x128xf32, #tpu.memory_space<vmem>>) offsets(%dma_start3A_168 : memref<100xi32, #tpu.memory_space<vmem>>) semaphore(%arg13 : memref<!tpu.dma_semaphore, #tpu.memory_space<semaphore_mem>>)
      %mul3A_172 = arith.constant 2 : i32
      %mul3A_173 = arith.muli %scan3A_111, %mul3A_172 : i32
      %add3A_174 = arith.constant 1 : i32
      %add3A_175 = arith.addi %mul3A_173, %add3A_174 : i32
      %dma_wait3A_176 = arith.constant 1 : i32
      %dma_wait3A_177 = arith.constant 1 : i32
      %dma_wait3A_178 = arith.constant 0 : i32
      %dma_wait3A_179 = arith.constant 0 : i32
      %dma_wait3A_180 = tpu.memref_slice %arg11[%dma_wait3A_177, %dma_wait3A_178, %dma_wait3A_179] : memref<2x100x128xf32, #tpu.memory_space<vmem>> -> memref<1x100x128xf32, #tpu.memory_space<vmem>>
      %dma_wait3A_181 = tpu.memref_squeeze %dma_wait3A_180 : memref<1x100x128xf32, #tpu.memory_space<vmem>> -> memref<100x128xf32, #tpu.memory_space<vmem>>
      %dma_wait3A_182 = arith.constant 0 : i32
      %dma_wait3A_183 = tpu.memref_slice %arg9[%dma_wait3A_176, %dma_wait3A_182] : memref<50x100xi32, #tpu.memory_space<vmem>> -> memref<1x100xi32, #tpu.memory_space<vmem>>
      %dma_wait3A_184 = tpu.memref_squeeze %dma_wait3A_183 : memref<1x100xi32, #tpu.memory_space<vmem>> -> memref<100xi32, #tpu.memory_space<vmem>>
      %dma_wait3A_185 = arith.constant 0 : i32
      %dma_wait3A_186 = arith.constant 0 : i32
      %dma_wait3A_187 = tpu.memref_slice %arg2[%dma_wait3A_185, %dma_wait3A_186] : memref<10000x128xf32, #tpu.memory_space<hbm>> -> memref<10000x128xf32, #tpu.memory_space<hbm>>
      tpu.wait_indirect_dma semaphore(%arg14 : memref<!tpu.dma_semaphore, #tpu.memory_space<semaphore_mem>>) src(%dma_wait3A_187 : memref<10000x128xf32, #tpu.memory_space<hbm>>) dst(%dma_wait3A_181 : memref<100x128xf32, #tpu.memory_space<vmem>>)
      %dma_start3A_188 = arith.constant 1 : i32
      %dma_start3A_189 = arith.constant 0 : i32
      %dma_start3A_190 = arith.constant 0 : i32
      %dma_start3A_191 = tpu.memref_slice %arg11[%dma_start3A_188, %dma_start3A_189, %dma_start3A_190] : memref<2x100x128xf32, #tpu.memory_space<vmem>> -> memref<1x100x128xf32, #tpu.memory_space<vmem>>
      %dma_start3A_192 = tpu.memref_squeeze %dma_start3A_191 : memref<1x100x128xf32, #tpu.memory_space<vmem>> -> memref<100x128xf32, #tpu.memory_space<vmem>>
      %dma_start3A_193 = arith.constant 0 : i32
      %dma_start3A_194 = tpu.memref_slice %arg10[%add3A_175, %dma_start3A_193] : memref<50x100xi32, #tpu.memory_space<vmem>> -> memref<1x100xi32, #tpu.memory_space<vmem>>
      %dma_start3A_195 = tpu.memref_squeeze %dma_start3A_194 : memref<1x100xi32, #tpu.memory_space<vmem>> -> memref<100xi32, #tpu.memory_space<vmem>>
      %dma_start3A_196 = arith.constant 0 : i32
      %dma_start3A_197 = arith.constant 0 : i32
      %dma_start3A_198 = tpu.memref_slice %arg12[%dma_start3A_196, %dma_start3A_197] : memref<10240x128xf32, #tpu.memory_space<vmem_shared>> -> memref<10240x128xf32, #tpu.memory_space<vmem_shared>>
      tpu.enqueue_indirect_dma source(%dma_start3A_192 : memref<100x128xf32, #tpu.memory_space<vmem>>) target(%dma_start3A_198 : memref<10240x128xf32, #tpu.memory_space<vmem_shared>>) offsets(%dma_start3A_195 : memref<100xi32, #tpu.memory_space<vmem>>) semaphore(%arg14 : memref<!tpu.dma_semaphore, #tpu.memory_space<semaphore_mem>>) {add = true}
      %dma_wait3A_199 = arith.constant 1 : i32
      %dma_wait3A_200 = arith.constant 0 : i32
      %dma_wait3A_201 = arith.constant 0 : i32
      %dma_wait3A_202 = tpu.memref_slice %arg11[%dma_wait3A_199, %dma_wait3A_200, %dma_wait3A_201] : memref<2x100x128xf32, #tpu.memory_space<vmem>> -> memref<1x100x128xf32, #tpu.memory_space<vmem>>
      %dma_wait3A_203 = tpu.memref_squeeze %dma_wait3A_202 : memref<1x100x128xf32, #tpu.memory_space<vmem>> -> memref<100x128xf32, #tpu.memory_space<vmem>>
      %dma_wait3A_204 = arith.constant 0 : i32
      %dma_wait3A_205 = tpu.memref_slice %arg10[%add3A_175, %dma_wait3A_204] : memref<50x100xi32, #tpu.memory_space<vmem>> -> memref<1x100xi32, #tpu.memory_space<vmem>>
      %dma_wait3A_206 = tpu.memref_squeeze %dma_wait3A_205 : memref<1x100xi32, #tpu.memory_space<vmem>> -> memref<100xi32, #tpu.memory_space<vmem>>
      %dma_wait3A_207 = arith.constant 0 : i32
      %dma_wait3A_208 = arith.constant 0 : i32
      %dma_wait3A_209 = tpu.memref_slice %arg12[%dma_wait3A_207, %dma_wait3A_208] : memref<10240x128xf32, #tpu.memory_space<vmem_shared>> -> memref<10240x128xf32, #tpu.memory_space<vmem_shared>>
      tpu.wait_indirect_dma semaphore(%arg14 : memref<!tpu.dma_semaphore, #tpu.memory_space<semaphore_mem>>) src(%dma_wait3A_203 : memref<100x128xf32, #tpu.memory_space<vmem>>) dst(%dma_wait3A_209 : memref<10240x128xf32, #tpu.memory_space<vmem_shared>>)
      %add3A_210 = arith.constant 2 : i32
      %add3A_211 = arith.addi %add3A_175, %add3A_210 : i32
      %jit3A_212 = arith.constant 50 : i32
      %eq3A_213 = arith.constant 0 : i32
      %eq3A_214 = arith.cmpi eq, %jit3A_212, %eq3A_213 : i32
      %jit3A_215 = arith.constant 1 : i32
      %select_n3A_216 = arith.select %eq3A_214, %jit3A_215, %jit3A_212 : i32
      %rem3A_217 = arith.remsi %add3A_211, %select_n3A_216 : i32
      %ne3A_218 = arith.constant 0 : i32
      %ne3A_219 = arith.cmpi ne, %rem3A_217, %ne3A_218 : i32
      %lt3A_220 = arith.constant 0 : i32
      %lt3A_221 = arith.cmpi slt, %rem3A_217, %lt3A_220 : i32
      %lt3A_222 = arith.constant 0 : i32
      %lt3A_223 = arith.cmpi slt, %select_n3A_216, %lt3A_222 : i32
      %ne3A_224 = arith.xori %lt3A_221, %lt3A_223 : i1
      %and3A_225 = arith.andi %ne3A_224, %ne3A_219 : i1
      %add3A_226 = arith.addi %rem3A_217, %select_n3A_216 : i32
      %select_n3A_227 = arith.select %and3A_225, %add3A_226, %rem3A_217 : i32
      %dma_start3A_228 = arith.constant 1 : i32
      %dma_start3A_229 = arith.constant 0 : i32
      %dma_start3A_230 = arith.constant 0 : i32
      %dma_start3A_231 = tpu.memref_slice %arg11[%dma_start3A_228, %dma_start3A_229, %dma_start3A_230] : memref<2x100x128xf32, #tpu.memory_space<vmem>> -> memref<1x100x128xf32, #tpu.memory_space<vmem>>
      %dma_start3A_232 = tpu.memref_squeeze %dma_start3A_231 : memref<1x100x128xf32, #tpu.memory_space<vmem>> -> memref<100x128xf32, #tpu.memory_space<vmem>>
      %dma_start3A_233 = arith.constant 0 : i32
      %dma_start3A_234 = tpu.memref_slice %arg9[%select_n3A_227, %dma_start3A_233] : memref<50x100xi32, #tpu.memory_space<vmem>> -> memref<1x100xi32, #tpu.memory_space<vmem>>
      %dma_start3A_235 = tpu.memref_squeeze %dma_start3A_234 : memref<1x100xi32, #tpu.memory_space<vmem>> -> memref<100xi32, #tpu.memory_space<vmem>>
      %dma_start3A_236 = arith.constant 0 : i32
      %dma_start3A_237 = arith.constant 0 : i32
      %dma_start3A_238 = tpu.memref_slice %arg2[%dma_start3A_236, %dma_start3A_237] : memref<10000x128xf32, #tpu.memory_space<hbm>> -> memref<10000x128xf32, #tpu.memory_space<hbm>>
      tpu.enqueue_indirect_dma source(%dma_start3A_238 : memref<10000x128xf32, #tpu.memory_space<hbm>>) target(%dma_start3A_232 : memref<100x128xf32, #tpu.memory_space<vmem>>) offsets(%dma_start3A_235 : memref<100xi32, #tpu.memory_space<vmem>>) semaphore(%arg14 : memref<!tpu.dma_semaphore, #tpu.memory_space<semaphore_mem>>)
    }
    %scan3A_29 = arith.constant 25 : i32
    %dma_wait3A = arith.constant 0 : i32
    %dma_wait3A_30 = arith.constant 0 : i32
    %dma_wait3A_31 = arith.constant 0 : i32
    %dma_wait3A_32 = arith.constant 0 : i32
    %dma_wait3A_33 = tpu.memref_slice %arg11[%dma_wait3A_30, %dma_wait3A_31, %dma_wait3A_32] : memref<2x100x128xf32, #tpu.memory_space<vmem>> -> memref<1x100x128xf32, #tpu.memory_space<vmem>>
    %dma_wait3A_34 = tpu.memref_squeeze %dma_wait3A_33 : memref<1x100x128xf32, #tpu.memory_space<vmem>> -> memref<100x128xf32, #tpu.memory_space<vmem>>
    %dma_wait3A_35 = arith.constant 0 : i32
    %dma_wait3A_36 = tpu.memref_slice %arg9[%dma_wait3A, %dma_wait3A_35] : memref<50x100xi32, #tpu.memory_space<vmem>> -> memref<1x100xi32, #tpu.memory_space<vmem>>
    %dma_wait3A_37 = tpu.memref_squeeze %dma_wait3A_36 : memref<1x100xi32, #tpu.memory_space<vmem>> -> memref<100xi32, #tpu.memory_space<vmem>>
    %dma_wait3A_38 = arith.constant 0 : i32
    %dma_wait3A_39 = arith.constant 0 : i32
    %dma_wait3A_40 = tpu.memref_slice %arg2[%dma_wait3A_38, %dma_wait3A_39] : memref<10000x128xf32, #tpu.memory_space<hbm>> -> memref<10000x128xf32, #tpu.memory_space<hbm>>
    tpu.wait_indirect_dma semaphore(%arg13 : memref<!tpu.dma_semaphore, #tpu.memory_space<semaphore_mem>>) src(%dma_wait3A_40 : memref<10000x128xf32, #tpu.memory_space<hbm>>) dst(%dma_wait3A_34 : memref<100x128xf32, #tpu.memory_space<vmem>>)
    %dma_wait3A_41 = arith.constant 1 : i32
    %dma_wait3A_42 = arith.constant 1 : i32
    %dma_wait3A_43 = arith.constant 0 : i32
    %dma_wait3A_44 = arith.constant 0 : i32
    %dma_wait3A_45 = tpu.memref_slice %arg11[%dma_wait3A_42, %dma_wait3A_43, %dma_wait3A_44] : memref<2x100x128xf32, #tpu.memory_space<vmem>> -> memref<1x100x128xf32, #tpu.memory_space<vmem>>
    %dma_wait3A_46 = tpu.memref_squeeze %dma_wait3A_45 : memref<1x100x128xf32, #tpu.memory_space<vmem>> -> memref<100x128xf32, #tpu.memory_space<vmem>>
    %dma_wait3A_47 = arith.constant 0 : i32
    %dma_wait3A_48 = tpu.memref_slice %arg9[%dma_wait3A_41, %dma_wait3A_47] : memref<50x100xi32, #tpu.memory_space<vmem>> -> memref<1x100xi32, #tpu.memory_space<vmem>>
    %dma_wait3A_49 = tpu.memref_squeeze %dma_wait3A_48 : memref<1x100xi32, #tpu.memory_space<vmem>> -> memref<100xi32, #tpu.memory_space<vmem>>
    %dma_wait3A_50 = arith.constant 0 : i32
    %dma_wait3A_51 = arith.constant 0 : i32
    %dma_wait3A_52 = tpu.memref_slice %arg2[%dma_wait3A_50, %dma_wait3A_51] : memref<10000x128xf32, #tpu.memory_space<hbm>> -> memref<10000x128xf32, #tpu.memory_space<hbm>>
    tpu.wait_indirect_dma semaphore(%arg14 : memref<!tpu.dma_semaphore, #tpu.memory_space<semaphore_mem>>) src(%dma_wait3A_52 : memref<10000x128xf32, #tpu.memory_space<hbm>>) dst(%dma_wait3A_46 : memref<100x128xf32, #tpu.memory_space<vmem>>)
    "tpu.region"() ({
      %run_scoped3A = tpu.sem_alloc : memref<!tpu.dma_semaphore, #tpu.memory_space<semaphore_mem>>
      %dma_start3A_111 = arith.constant 0 : i32
      %dma_start3A_112 = arith.constant 0 : i32
      %dma_start3A_113 = tpu.memref_slice %arg4[%add3A, %dma_start3A_111, %dma_start3A_112] : memref<32x50x100xi32, #tpu.memory_space<hbm>> -> memref<1x50x100xi32, #tpu.memory_space<hbm>>
      %dma_start3A_114 = tpu.memref_squeeze %dma_start3A_113 : memref<1x50x100xi32, #tpu.memory_space<hbm>> -> memref<50x100xi32, #tpu.memory_space<hbm>>
      %dma_start3A_115 = arith.constant 0 : i32
      %dma_start3A_116 = arith.constant 0 : i32
      %dma_start3A_117 = tpu.memref_slice %arg4[%add3A, %dma_start3A_115, %dma_start3A_116] : memref<32x50x100xi32, #tpu.memory_space<hbm>> -> memref<1x50x100xi32, #tpu.memory_space<hbm>>
      %dma_start3A_118 = tpu.memref_squeeze %dma_start3A_117 : memref<1x50x100xi32, #tpu.memory_space<hbm>> -> memref<50x100xi32, #tpu.memory_space<hbm>>
      tpu.enqueue_dma source(%dma_start3A_118 : memref<50x100xi32, #tpu.memory_space<hbm>>) target(%arg9 : memref<50x100xi32, #tpu.memory_space<vmem>>) target_semaphore(%run_scoped3A : memref<!tpu.dma_semaphore, #tpu.memory_space<semaphore_mem>>)
      %dma_wait3A_119 = arith.constant 0 : i32
      %dma_wait3A_120 = arith.constant 0 : i32
      %dma_wait3A_121 = tpu.memref_slice %arg4[%add3A, %dma_wait3A_119, %dma_wait3A_120] : memref<32x50x100xi32, #tpu.memory_space<hbm>> -> memref<1x50x100xi32, #tpu.memory_space<hbm>>
      %dma_wait3A_122 = tpu.memref_squeeze %dma_wait3A_121 : memref<1x50x100xi32, #tpu.memory_space<hbm>> -> memref<50x100xi32, #tpu.memory_space<hbm>>
      %dma_wait3A_123 = arith.constant 0 : i32
      %dma_wait3A_124 = arith.constant 0 : i32
      %dma_wait3A_125 = tpu.memref_slice %arg4[%add3A, %dma_wait3A_123, %dma_wait3A_124] : memref<32x50x100xi32, #tpu.memory_space<hbm>> -> memref<1x50x100xi32, #tpu.memory_space<hbm>>
      %dma_wait3A_126 = tpu.memref_squeeze %dma_wait3A_125 : memref<1x50x100xi32, #tpu.memory_space<hbm>> -> memref<50x100xi32, #tpu.memory_space<hbm>>
      tpu.wait_dma2 semaphore(%run_scoped3A : memref<!tpu.dma_semaphore, #tpu.memory_space<semaphore_mem>>) src(%dma_wait3A_126 : memref<50x100xi32, #tpu.memory_space<hbm>>) dst(%arg9 : memref<50x100xi32, #tpu.memory_space<vmem>>)
      tpu.yield
    }) : () -> ()
    "tpu.region"() ({
      %run_scoped3A = tpu.sem_alloc : memref<!tpu.dma_semaphore, #tpu.memory_space<semaphore_mem>>
      %dma_start3A_111 = arith.constant 0 : i32
      %dma_start3A_112 = arith.constant 0 : i32
      %dma_start3A_113 = tpu.memref_slice %arg6[%add3A, %dma_start3A_111, %dma_start3A_112] : memref<32x50x100xi32, #tpu.memory_space<hbm>> -> memref<1x50x100xi32, #tpu.memory_space<hbm>>
      %dma_start3A_114 = tpu.memref_squeeze %dma_start3A_113 : memref<1x50x100xi32, #tpu.memory_space<hbm>> -> memref<50x100xi32, #tpu.memory_space<hbm>>
      %dma_start3A_115 = arith.constant 0 : i32
      %dma_start3A_116 = arith.constant 0 : i32
      %dma_start3A_117 = tpu.memref_slice %arg6[%add3A, %dma_start3A_115, %dma_start3A_116] : memref<32x50x100xi32, #tpu.memory_space<hbm>> -> memref<1x50x100xi32, #tpu.memory_space<hbm>>
      %dma_start3A_118 = tpu.memref_squeeze %dma_start3A_117 : memref<1x50x100xi32, #tpu.memory_space<hbm>> -> memref<50x100xi32, #tpu.memory_space<hbm>>
      tpu.enqueue_dma source(%dma_start3A_118 : memref<50x100xi32, #tpu.memory_space<hbm>>) target(%arg10 : memref<50x100xi32, #tpu.memory_space<vmem>>) target_semaphore(%run_scoped3A : memref<!tpu.dma_semaphore, #tpu.memory_space<semaphore_mem>>)
      %dma_wait3A_119 = arith.constant 0 : i32
      %dma_wait3A_120 = arith.constant 0 : i32
      %dma_wait3A_121 = tpu.memref_slice %arg6[%add3A, %dma_wait3A_119, %dma_wait3A_120] : memref<32x50x100xi32, #tpu.memory_space<hbm>> -> memref<1x50x100xi32, #tpu.memory_space<hbm>>
      %dma_wait3A_122 = tpu.memref_squeeze %dma_wait3A_121 : memref<1x50x100xi32, #tpu.memory_space<hbm>> -> memref<50x100xi32, #tpu.memory_space<hbm>>
      %dma_wait3A_123 = arith.constant 0 : i32
      %dma_wait3A_124 = arith.constant 0 : i32
      %dma_wait3A_125 = tpu.memref_slice %arg6[%add3A, %dma_wait3A_123, %dma_wait3A_124] : memref<32x50x100xi32, #tpu.memory_space<hbm>> -> memref<1x50x100xi32, #tpu.memory_space<hbm>>
      %dma_wait3A_126 = tpu.memref_squeeze %dma_wait3A_125 : memref<1x50x100xi32, #tpu.memory_space<hbm>> -> memref<50x100xi32, #tpu.memory_space<hbm>>
      tpu.wait_dma2 semaphore(%run_scoped3A : memref<!tpu.dma_semaphore, #tpu.memory_space<semaphore_mem>>) src(%dma_wait3A_126 : memref<50x100xi32, #tpu.memory_space<hbm>>) dst(%arg10 : memref<50x100xi32, #tpu.memory_space<vmem>>)
      tpu.yield
    }) : () -> ()
    %dma_start3A_53 = arith.constant 0 : i32
    %dma_start3A_54 = arith.constant 0 : i32
    %dma_start3A_55 = arith.constant 0 : i32
    %dma_start3A_56 = arith.constant 0 : i32
    %dma_start3A_57 = tpu.memref_slice %arg11[%dma_start3A_54, %dma_start3A_55, %dma_start3A_56] : memref<2x100x128xf32, #tpu.memory_space<vmem>> -> memref<1x100x128xf32, #tpu.memory_space<vmem>>
    %dma_start3A_58 = tpu.memref_squeeze %dma_start3A_57 : memref<1x100x128xf32, #tpu.memory_space<vmem>> -> memref<100x128xf32, #tpu.memory_space<vmem>>
    %dma_start3A_59 = arith.constant 0 : i32
    %dma_start3A_60 = tpu.memref_slice %arg9[%dma_start3A_53, %dma_start3A_59] : memref<50x100xi32, #tpu.memory_space<vmem>> -> memref<1x100xi32, #tpu.memory_space<vmem>>
    %dma_start3A_61 = tpu.memref_squeeze %dma_start3A_60 : memref<1x100xi32, #tpu.memory_space<vmem>> -> memref<100xi32, #tpu.memory_space<vmem>>
    %dma_start3A_62 = arith.constant 0 : i32
    %dma_start3A_63 = arith.constant 0 : i32
    %dma_start3A_64 = tpu.memref_slice %arg2[%dma_start3A_62, %dma_start3A_63] : memref<10000x128xf32, #tpu.memory_space<hbm>> -> memref<10000x128xf32, #tpu.memory_space<hbm>>
    tpu.enqueue_indirect_dma source(%dma_start3A_64 : memref<10000x128xf32, #tpu.memory_space<hbm>>) target(%dma_start3A_58 : memref<100x128xf32, #tpu.memory_space<vmem>>) offsets(%dma_start3A_61 : memref<100xi32, #tpu.memory_space<vmem>>) semaphore(%arg13 : memref<!tpu.dma_semaphore, #tpu.memory_space<semaphore_mem>>)
    %dma_start3A_65 = arith.constant 1 : i32
    %dma_start3A_66 = arith.constant 1 : i32
    %dma_start3A_67 = arith.constant 0 : i32
    %dma_start3A_68 = arith.constant 0 : i32
    %dma_start3A_69 = tpu.memref_slice %arg11[%dma_start3A_66, %dma_start3A_67, %dma_start3A_68] : memref<2x100x128xf32, #tpu.memory_space<vmem>> -> memref<1x100x128xf32, #tpu.memory_space<vmem>>
    %dma_start3A_70 = tpu.memref_squeeze %dma_start3A_69 : memref<1x100x128xf32, #tpu.memory_space<vmem>> -> memref<100x128xf32, #tpu.memory_space<vmem>>
    %dma_start3A_71 = arith.constant 0 : i32
    %dma_start3A_72 = tpu.memref_slice %arg9[%dma_start3A_65, %dma_start3A_71] : memref<50x100xi32, #tpu.memory_space<vmem>> -> memref<1x100xi32, #tpu.memory_space<vmem>>
    %dma_start3A_73 = tpu.memref_squeeze %dma_start3A_72 : memref<1x100xi32, #tpu.memory_space<vmem>> -> memref<100xi32, #tpu.memory_space<vmem>>
    %dma_start3A_74 = arith.constant 0 : i32
    %dma_start3A_75 = arith.constant 0 : i32
    %dma_start3A_76 = tpu.memref_slice %arg2[%dma_start3A_74, %dma_start3A_75] : memref<10000x128xf32, #tpu.memory_space<hbm>> -> memref<10000x128xf32, #tpu.memory_space<hbm>>
    tpu.enqueue_indirect_dma source(%dma_start3A_76 : memref<10000x128xf32, #tpu.memory_space<hbm>>) target(%dma_start3A_70 : memref<100x128xf32, #tpu.memory_space<vmem>>) offsets(%dma_start3A_73 : memref<100xi32, #tpu.memory_space<vmem>>) semaphore(%arg14 : memref<!tpu.dma_semaphore, #tpu.memory_space<semaphore_mem>>)
    %scan3A_77 = arith.constant 0 : i32
    %scan3A_78 = arith.constant 25 : i32
    %scan3A_79 = arith.addi %scan3A_77, %scan3A_78 : i32
    %scan3A_80 = arith.constant 1 : i32
    scf.for %scan3A_111 = %scan3A_77 to %scan3A_79 step %scan3A_80  : i32 {
      %mul3A_112 = arith.constant 2 : i32
      %mul3A_113 = arith.muli %scan3A_111, %mul3A_112 : i32
      %add3A_114 = arith.constant 0 : i32
      %add3A_115 = arith.addi %mul3A_113, %add3A_114 : i32
      %dma_wait3A_116 = arith.constant 0 : i32
      %dma_wait3A_117 = arith.constant 0 : i32
      %dma_wait3A_118 = arith.constant 0 : i32
      %dma_wait3A_119 = arith.constant 0 : i32
      %dma_wait3A_120 = tpu.memref_slice %arg11[%dma_wait3A_117, %dma_wait3A_118, %dma_wait3A_119] : memref<2x100x128xf32, #tpu.memory_space<vmem>> -> memref<1x100x128xf32, #tpu.memory_space<vmem>>
      %dma_wait3A_121 = tpu.memref_squeeze %dma_wait3A_120 : memref<1x100x128xf32, #tpu.memory_space<vmem>> -> memref<100x128xf32, #tpu.memory_space<vmem>>
      %dma_wait3A_122 = arith.constant 0 : i32
      %dma_wait3A_123 = tpu.memref_slice %arg9[%dma_wait3A_116, %dma_wait3A_122] : memref<50x100xi32, #tpu.memory_space<vmem>> -> memref<1x100xi32, #tpu.memory_space<vmem>>
      %dma_wait3A_124 = tpu.memref_squeeze %dma_wait3A_123 : memref<1x100xi32, #tpu.memory_space<vmem>> -> memref<100xi32, #tpu.memory_space<vmem>>
      %dma_wait3A_125 = arith.constant 0 : i32
      %dma_wait3A_126 = arith.constant 0 : i32
      %dma_wait3A_127 = tpu.memref_slice %arg2[%dma_wait3A_125, %dma_wait3A_126] : memref<10000x128xf32, #tpu.memory_space<hbm>> -> memref<10000x128xf32, #tpu.memory_space<hbm>>
      tpu.wait_indirect_dma semaphore(%arg13 : memref<!tpu.dma_semaphore, #tpu.memory_space<semaphore_mem>>) src(%dma_wait3A_127 : memref<10000x128xf32, #tpu.memory_space<hbm>>) dst(%dma_wait3A_121 : memref<100x128xf32, #tpu.memory_space<vmem>>)
      %dma_start3A_128 = arith.constant 0 : i32
      %dma_start3A_129 = arith.constant 0 : i32
      %dma_start3A_130 = arith.constant 0 : i32
      %dma_start3A_131 = tpu.memref_slice %arg11[%dma_start3A_128, %dma_start3A_129, %dma_start3A_130] : memref<2x100x128xf32, #tpu.memory_space<vmem>> -> memref<1x100x128xf32, #tpu.memory_space<vmem>>
      %dma_start3A_132 = tpu.memref_squeeze %dma_start3A_131 : memref<1x100x128xf32, #tpu.memory_space<vmem>> -> memref<100x128xf32, #tpu.memory_space<vmem>>
      %dma_start3A_133 = arith.constant 0 : i32
      %dma_start3A_134 = tpu.memref_slice %arg10[%add3A_115, %dma_start3A_133] : memref<50x100xi32, #tpu.memory_space<vmem>> -> memref<1x100xi32, #tpu.memory_space<vmem>>
      %dma_start3A_135 = tpu.memref_squeeze %dma_start3A_134 : memref<1x100xi32, #tpu.memory_space<vmem>> -> memref<100xi32, #tpu.memory_space<vmem>>
      %dma_start3A_136 = arith.constant 0 : i32
      %dma_start3A_137 = arith.constant 0 : i32
      %dma_start3A_138 = tpu.memref_slice %arg12[%dma_start3A_136, %dma_start3A_137] : memref<10240x128xf32, #tpu.memory_space<vmem_shared>> -> memref<10240x128xf32, #tpu.memory_space<vmem_shared>>
      tpu.enqueue_indirect_dma source(%dma_start3A_132 : memref<100x128xf32, #tpu.memory_space<vmem>>) target(%dma_start3A_138 : memref<10240x128xf32, #tpu.memory_space<vmem_shared>>) offsets(%dma_start3A_135 : memref<100xi32, #tpu.memory_space<vmem>>) semaphore(%arg13 : memref<!tpu.dma_semaphore, #tpu.memory_space<semaphore_mem>>) {add = true}
      %dma_wait3A_139 = arith.constant 0 : i32
      %dma_wait3A_140 = arith.constant 0 : i32
      %dma_wait3A_141 = arith.constant 0 : i32
      %dma_wait3A_142 = tpu.memref_slice %arg11[%dma_wait3A_139, %dma_wait3A_140, %dma_wait3A_141] : memref<2x100x128xf32, #tpu.memory_space<vmem>> -> memref<1x100x128xf32, #tpu.memory_space<vmem>>
      %dma_wait3A_143 = tpu.memref_squeeze %dma_wait3A_142 : memref<1x100x128xf32, #tpu.memory_space<vmem>> -> memref<100x128xf32, #tpu.memory_space<vmem>>
      %dma_wait3A_144 = arith.constant 0 : i32
      %dma_wait3A_145 = tpu.memref_slice %arg10[%add3A_115, %dma_wait3A_144] : memref<50x100xi32, #tpu.memory_space<vmem>> -> memref<1x100xi32, #tpu.memory_space<vmem>>
      %dma_wait3A_146 = tpu.memref_squeeze %dma_wait3A_145 : memref<1x100xi32, #tpu.memory_space<vmem>> -> memref<100xi32, #tpu.memory_space<vmem>>
      %dma_wait3A_147 = arith.constant 0 : i32
      %dma_wait3A_148 = arith.constant 0 : i32
      %dma_wait3A_149 = tpu.memref_slice %arg12[%dma_wait3A_147, %dma_wait3A_148] : memref<10240x128xf32, #tpu.memory_space<vmem_shared>> -> memref<10240x128xf32, #tpu.memory_space<vmem_shared>>
      tpu.wait_indirect_dma semaphore(%arg13 : memref<!tpu.dma_semaphore, #tpu.memory_space<semaphore_mem>>) src(%dma_wait3A_143 : memref<100x128xf32, #tpu.memory_space<vmem>>) dst(%dma_wait3A_149 : memref<10240x128xf32, #tpu.memory_space<vmem_shared>>)
      %add3A_150 = arith.constant 2 : i32
      %add3A_151 = arith.addi %add3A_115, %add3A_150 : i32
      %jit3A = arith.constant 50 : i32
      %eq3A = arith.constant 0 : i32
      %eq3A_152 = arith.cmpi eq, %jit3A, %eq3A : i32
      %jit3A_153 = arith.constant 1 : i32
      %select_n3A = arith.select %eq3A_152, %jit3A_153, %jit3A : i32
      %rem3A = arith.remsi %add3A_151, %select_n3A : i32
      %ne3A = arith.constant 0 : i32
      %ne3A_154 = arith.cmpi ne, %rem3A, %ne3A : i32
      %lt3A = arith.constant 0 : i32
      %lt3A_155 = arith.cmpi slt, %rem3A, %lt3A : i32
      %lt3A_156 = arith.constant 0 : i32
      %lt3A_157 = arith.cmpi slt, %select_n3A, %lt3A_156 : i32
      %ne3A_158 = arith.xori %lt3A_155, %lt3A_157 : i1
      %and3A = arith.andi %ne3A_158, %ne3A_154 : i1
      %add3A_159 = arith.addi %rem3A, %select_n3A : i32
      %select_n3A_160 = arith.select %and3A, %add3A_159, %rem3A : i32
      %dma_start3A_161 = arith.constant 0 : i32
      %dma_start3A_162 = arith.constant 0 : i32
      %dma_start3A_163 = arith.constant 0 : i32
      %dma_start3A_164 = tpu.memref_slice %arg11[%dma_start3A_161, %dma_start3A_162, %dma_start3A_163] : memref<2x100x128xf32, #tpu.memory_space<vmem>> -> memref<1x100x128xf32, #tpu.memory_space<vmem>>
      %dma_start3A_165 = tpu.memref_squeeze %dma_start3A_164 : memref<1x100x128xf32, #tpu.memory_space<vmem>> -> memref<100x128xf32, #tpu.memory_space<vmem>>
      %dma_start3A_166 = arith.constant 0 : i32
      %dma_start3A_167 = tpu.memref_slice %arg9[%select_n3A_160, %dma_start3A_166] : memref<50x100xi32, #tpu.memory_space<vmem>> -> memref<1x100xi32, #tpu.memory_space<vmem>>
      %dma_start3A_168 = tpu.memref_squeeze %dma_start3A_167 : memref<1x100xi32, #tpu.memory_space<vmem>> -> memref<100xi32, #tpu.memory_space<vmem>>
      %dma_start3A_169 = arith.constant 0 : i32
      %dma_start3A_170 = arith.constant 0 : i32
      %dma_start3A_171 = tpu.memref_slice %arg2[%dma_start3A_169, %dma_start3A_170] : memref<10000x128xf32, #tpu.memory_space<hbm>> -> memref<10000x128xf32, #tpu.memory_space<hbm>>
      tpu.enqueue_indirect_dma source(%dma_start3A_171 : memref<10000x128xf32, #tpu.memory_space<hbm>>) target(%dma_start3A_165 : memref<100x128xf32, #tpu.memory_space<vmem>>) offsets(%dma_start3A_168 : memref<100xi32, #tpu.memory_space<vmem>>) semaphore(%arg13 : memref<!tpu.dma_semaphore, #tpu.memory_space<semaphore_mem>>)
      %mul3A_172 = arith.constant 2 : i32
      %mul3A_173 = arith.muli %scan3A_111, %mul3A_172 : i32
      %add3A_174 = arith.constant 1 : i32
      %add3A_175 = arith.addi %mul3A_173, %add3A_174 : i32
      %dma_wait3A_176 = arith.constant 1 : i32
      %dma_wait3A_177 = arith.constant 1 : i32
      %dma_wait3A_178 = arith.constant 0 : i32
      %dma_wait3A_179 = arith.constant 0 : i32
      %dma_wait3A_180 = tpu.memref_slice %arg11[%dma_wait3A_177, %dma_wait3A_178, %dma_wait3A_179] : memref<2x100x128xf32, #tpu.memory_space<vmem>> -> memref<1x100x128xf32, #tpu.memory_space<vmem>>
      %dma_wait3A_181 = tpu.memref_squeeze %dma_wait3A_180 : memref<1x100x128xf32, #tpu.memory_space<vmem>> -> memref<100x128xf32, #tpu.memory_space<vmem>>
      %dma_wait3A_182 = arith.constant 0 : i32
      %dma_wait3A_183 = tpu.memref_slice %arg9[%dma_wait3A_176, %dma_wait3A_182] : memref<50x100xi32, #tpu.memory_space<vmem>> -> memref<1x100xi32, #tpu.memory_space<vmem>>
      %dma_wait3A_184 = tpu.memref_squeeze %dma_wait3A_183 : memref<1x100xi32, #tpu.memory_space<vmem>> -> memref<100xi32, #tpu.memory_space<vmem>>
      %dma_wait3A_185 = arith.constant 0 : i32
      %dma_wait3A_186 = arith.constant 0 : i32
      %dma_wait3A_187 = tpu.memref_slice %arg2[%dma_wait3A_185, %dma_wait3A_186] : memref<10000x128xf32, #tpu.memory_space<hbm>> -> memref<10000x128xf32, #tpu.memory_space<hbm>>
      tpu.wait_indirect_dma semaphore(%arg14 : memref<!tpu.dma_semaphore, #tpu.memory_space<semaphore_mem>>) src(%dma_wait3A_187 : memref<10000x128xf32, #tpu.memory_space<hbm>>) dst(%dma_wait3A_181 : memref<100x128xf32, #tpu.memory_space<vmem>>)
      %dma_start3A_188 = arith.constant 1 : i32
      %dma_start3A_189 = arith.constant 0 : i32
      %dma_start3A_190 = arith.constant 0 : i32
      %dma_start3A_191 = tpu.memref_slice %arg11[%dma_start3A_188, %dma_start3A_189, %dma_start3A_190] : memref<2x100x128xf32, #tpu.memory_space<vmem>> -> memref<1x100x128xf32, #tpu.memory_space<vmem>>
      %dma_start3A_192 = tpu.memref_squeeze %dma_start3A_191 : memref<1x100x128xf32, #tpu.memory_space<vmem>> -> memref<100x128xf32, #tpu.memory_space<vmem>>
      %dma_start3A_193 = arith.constant 0 : i32
      %dma_start3A_194 = tpu.memref_slice %arg10[%add3A_175, %dma_start3A_193] : memref<50x100xi32, #tpu.memory_space<vmem>> -> memref<1x100xi32, #tpu.memory_space<vmem>>
      %dma_start3A_195 = tpu.memref_squeeze %dma_start3A_194 : memref<1x100xi32, #tpu.memory_space<vmem>> -> memref<100xi32, #tpu.memory_space<vmem>>
      %dma_start3A_196 = arith.constant 0 : i32
      %dma_start3A_197 = arith.constant 0 : i32
      %dma_start3A_198 = tpu.memref_slice %arg12[%dma_start3A_196, %dma_start3A_197] : memref<10240x128xf32, #tpu.memory_space<vmem_shared>> -> memref<10240x128xf32, #tpu.memory_space<vmem_shared>>
      tpu.enqueue_indirect_dma source(%dma_start3A_192 : memref<100x128xf32, #tpu.memory_space<vmem>>) target(%dma_start3A_198 : memref<10240x128xf32, #tpu.memory_space<vmem_shared>>) offsets(%dma_start3A_195 : memref<100xi32, #tpu.memory_space<vmem>>) semaphore(%arg14 : memref<!tpu.dma_semaphore, #tpu.memory_space<semaphore_mem>>) {add = true}
      %dma_wait3A_199 = arith.constant 1 : i32
      %dma_wait3A_200 = arith.constant 0 : i32
      %dma_wait3A_201 = arith.constant 0 : i32
      %dma_wait3A_202 = tpu.memref_slice %arg11[%dma_wait3A_199, %dma_wait3A_200, %dma_wait3A_201] : memref<2x100x128xf32, #tpu.memory_space<vmem>> -> memref<1x100x128xf32, #tpu.memory_space<vmem>>
      %dma_wait3A_203 = tpu.memref_squeeze %dma_wait3A_202 : memref<1x100x128xf32, #tpu.memory_space<vmem>> -> memref<100x128xf32, #tpu.memory_space<vmem>>
      %dma_wait3A_204 = arith.constant 0 : i32
      %dma_wait3A_205 = tpu.memref_slice %arg10[%add3A_175, %dma_wait3A_204] : memref<50x100xi32, #tpu.memory_space<vmem>> -> memref<1x100xi32, #tpu.memory_space<vmem>>
      %dma_wait3A_206 = tpu.memref_squeeze %dma_wait3A_205 : memref<1x100xi32, #tpu.memory_space<vmem>> -> memref<100xi32, #tpu.memory_space<vmem>>
      %dma_wait3A_207 = arith.constant 0 : i32
      %dma_wait3A_208 = arith.constant 0 : i32
      %dma_wait3A_209 = tpu.memref_slice %arg12[%dma_wait3A_207, %dma_wait3A_208] : memref<10240x128xf32, #tpu.memory_space<vmem_shared>> -> memref<10240x128xf32, #tpu.memory_space<vmem_shared>>
      tpu.wait_indirect_dma semaphore(%arg14 : memref<!tpu.dma_semaphore, #tpu.memory_space<semaphore_mem>>) src(%dma_wait3A_203 : memref<100x128xf32, #tpu.memory_space<vmem>>) dst(%dma_wait3A_209 : memref<10240x128xf32, #tpu.memory_space<vmem_shared>>)
      %add3A_210 = arith.constant 2 : i32
      %add3A_211 = arith.addi %add3A_175, %add3A_210 : i32
      %jit3A_212 = arith.constant 50 : i32
      %eq3A_213 = arith.constant 0 : i32
      %eq3A_214 = arith.cmpi eq, %jit3A_212, %eq3A_213 : i32
      %jit3A_215 = arith.constant 1 : i32
      %select_n3A_216 = arith.select %eq3A_214, %jit3A_215, %jit3A_212 : i32
      %rem3A_217 = arith.remsi %add3A_211, %select_n3A_216 : i32
      %ne3A_218 = arith.constant 0 : i32
      %ne3A_219 = arith.cmpi ne, %rem3A_217, %ne3A_218 : i32
      %lt3A_220 = arith.constant 0 : i32
      %lt3A_221 = arith.cmpi slt, %rem3A_217, %lt3A_220 : i32
      %lt3A_222 = arith.constant 0 : i32
      %lt3A_223 = arith.cmpi slt, %select_n3A_216, %lt3A_222 : i32
      %ne3A_224 = arith.xori %lt3A_221, %lt3A_223 : i1
      %and3A_225 = arith.andi %ne3A_224, %ne3A_219 : i1
      %add3A_226 = arith.addi %rem3A_217, %select_n3A_216 : i32
      %select_n3A_227 = arith.select %and3A_225, %add3A_226, %rem3A_217 : i32
      %dma_start3A_228 = arith.constant 1 : i32
      %dma_start3A_229 = arith.constant 0 : i32
      %dma_start3A_230 = arith.constant 0 : i32
      %dma_start3A_231 = tpu.memref_slice %arg11[%dma_start3A_228, %dma_start3A_229, %dma_start3A_230] : memref<2x100x128xf32, #tpu.memory_space<vmem>> -> memref<1x100x128xf32, #tpu.memory_space<vmem>>
      %dma_start3A_232 = tpu.memref_squeeze %dma_start3A_231 : memref<1x100x128xf32, #tpu.memory_space<vmem>> -> memref<100x128xf32, #tpu.memory_space<vmem>>
      %dma_start3A_233 = arith.constant 0 : i32
      %dma_start3A_234 = tpu.memref_slice %arg9[%select_n3A_227, %dma_start3A_233] : memref<50x100xi32, #tpu.memory_space<vmem>> -> memref<1x100xi32, #tpu.memory_space<vmem>>
      %dma_start3A_235 = tpu.memref_squeeze %dma_start3A_234 : memref<1x100xi32, #tpu.memory_space<vmem>> -> memref<100xi32, #tpu.memory_space<vmem>>
      %dma_start3A_236 = arith.constant 0 : i32
      %dma_start3A_237 = arith.constant 0 : i32
      %dma_start3A_238 = tpu.memref_slice %arg2[%dma_start3A_236, %dma_start3A_237] : memref<10000x128xf32, #tpu.memory_space<hbm>> -> memref<10000x128xf32, #tpu.memory_space<hbm>>
      tpu.enqueue_indirect_dma source(%dma_start3A_238 : memref<10000x128xf32, #tpu.memory_space<hbm>>) target(%dma_start3A_232 : memref<100x128xf32, #tpu.memory_space<vmem>>) offsets(%dma_start3A_235 : memref<100xi32, #tpu.memory_space<vmem>>) semaphore(%arg14 : memref<!tpu.dma_semaphore, #tpu.memory_space<semaphore_mem>>)
    }
    %scan3A_81 = arith.constant 25 : i32
    %dma_wait3A_82 = arith.constant 0 : i32
    %dma_wait3A_83 = arith.constant 0 : i32
    %dma_wait3A_84 = arith.constant 0 : i32
    %dma_wait3A_85 = arith.constant 0 : i32
    %dma_wait3A_86 = tpu.memref_slice %arg11[%dma_wait3A_83, %dma_wait3A_84, %dma_wait3A_85] : memref<2x100x128xf32, #tpu.memory_space<vmem>> -> memref<1x100x128xf32, #tpu.memory_space<vmem>>
    %dma_wait3A_87 = tpu.memref_squeeze %dma_wait3A_86 : memref<1x100x128xf32, #tpu.memory_space<vmem>> -> memref<100x128xf32, #tpu.memory_space<vmem>>
    %dma_wait3A_88 = arith.constant 0 : i32
    %dma_wait3A_89 = tpu.memref_slice %arg9[%dma_wait3A_82, %dma_wait3A_88] : memref<50x100xi32, #tpu.memory_space<vmem>> -> memref<1x100xi32, #tpu.memory_space<vmem>>
    %dma_wait3A_90 = tpu.memref_squeeze %dma_wait3A_89 : memref<1x100xi32, #tpu.memory_space<vmem>> -> memref<100xi32, #tpu.memory_space<vmem>>
    %dma_wait3A_91 = arith.constant 0 : i32
    %dma_wait3A_92 = arith.constant 0 : i32
    %dma_wait3A_93 = tpu.memref_slice %arg2[%dma_wait3A_91, %dma_wait3A_92] : memref<10000x128xf32, #tpu.memory_space<hbm>> -> memref<10000x128xf32, #tpu.memory_space<hbm>>
    tpu.wait_indirect_dma semaphore(%arg13 : memref<!tpu.dma_semaphore, #tpu.memory_space<semaphore_mem>>) src(%dma_wait3A_93 : memref<10000x128xf32, #tpu.memory_space<hbm>>) dst(%dma_wait3A_87 : memref<100x128xf32, #tpu.memory_space<vmem>>)
    %dma_wait3A_94 = arith.constant 1 : i32
    %dma_wait3A_95 = arith.constant 1 : i32
    %dma_wait3A_96 = arith.constant 0 : i32
    %dma_wait3A_97 = arith.constant 0 : i32
    %dma_wait3A_98 = tpu.memref_slice %arg11[%dma_wait3A_95, %dma_wait3A_96, %dma_wait3A_97] : memref<2x100x128xf32, #tpu.memory_space<vmem>> -> memref<1x100x128xf32, #tpu.memory_space<vmem>>
    %dma_wait3A_99 = tpu.memref_squeeze %dma_wait3A_98 : memref<1x100x128xf32, #tpu.memory_space<vmem>> -> memref<100x128xf32, #tpu.memory_space<vmem>>
    %dma_wait3A_100 = arith.constant 0 : i32
    %dma_wait3A_101 = tpu.memref_slice %arg9[%dma_wait3A_94, %dma_wait3A_100] : memref<50x100xi32, #tpu.memory_space<vmem>> -> memref<1x100xi32, #tpu.memory_space<vmem>>
    %dma_wait3A_102 = tpu.memref_squeeze %dma_wait3A_101 : memref<1x100xi32, #tpu.memory_space<vmem>> -> memref<100xi32, #tpu.memory_space<vmem>>
    %dma_wait3A_103 = arith.constant 0 : i32
    %dma_wait3A_104 = arith.constant 0 : i32
    %dma_wait3A_105 = tpu.memref_slice %arg2[%dma_wait3A_103, %dma_wait3A_104] : memref<10000x128xf32, #tpu.memory_space<hbm>> -> memref<10000x128xf32, #tpu.memory_space<hbm>>
    tpu.wait_indirect_dma semaphore(%arg14 : memref<!tpu.dma_semaphore, #tpu.memory_space<semaphore_mem>>) src(%dma_wait3A_105 : memref<10000x128xf32, #tpu.memory_space<hbm>>) dst(%dma_wait3A_99 : memref<100x128xf32, #tpu.memory_space<vmem>>)
    %barrier3A_106 = arith.constant 0 : index
    tpu.barrier barrier_id(%barrier3A_106)
    %mul3A_107 = arith.constant 640 : i32
    %mul3A_108 = arith.muli %arg1, %mul3A_107 : i32
    %mul3A_109 = arith.constant 640 : i32
    %mul3A_110 = arith.muli %arg1, %mul3A_109 : i32
    "tpu.region"() ({
      %run_scoped3A = tpu.sem_alloc : memref<!tpu.dma_semaphore, #tpu.memory_space<semaphore_mem>>
      %dma_start3A_111 = arith.constant 0 : i32
      %dma_start3A_112 = tpu.memref_slice %arg8[%arg0, %mul3A_110, %dma_start3A_111] : memref<2x10240x128xf32, #tpu.memory_space<hbm>> -> memref<1x640x128xf32, #tpu.memory_space<hbm>>
      %dma_start3A_113 = tpu.memref_squeeze %dma_start3A_112 : memref<1x640x128xf32, #tpu.memory_space<hbm>> -> memref<640x128xf32, #tpu.memory_space<hbm>>
      %dma_start3A_114 = arith.constant 0 : i32
      %dma_start3A_115 = tpu.memref_slice %arg12[%mul3A_108, %dma_start3A_114] : memref<10240x128xf32, #tpu.memory_space<vmem_shared>> -> memref<640x128xf32, #tpu.memory_space<vmem_shared>>
      tpu.enqueue_dma source(%dma_start3A_115 : memref<640x128xf32, #tpu.memory_space<vmem_shared>>) target(%dma_start3A_113 : memref<640x128xf32, #tpu.memory_space<hbm>>) target_semaphore(%run_scoped3A : memref<!tpu.dma_semaphore, #tpu.memory_space<semaphore_mem>>)
      %dma_wait3A_116 = arith.constant 0 : i32
      %dma_wait3A_117 = tpu.memref_slice %arg8[%arg0, %mul3A_110, %dma_wait3A_116] : memref<2x10240x128xf32, #tpu.memory_space<hbm>> -> memref<1x640x128xf32, #tpu.memory_space<hbm>>
      %dma_wait3A_118 = tpu.memref_squeeze %dma_wait3A_117 : memref<1x640x128xf32, #tpu.memory_space<hbm>> -> memref<640x128xf32, #tpu.memory_space<hbm>>
      %dma_wait3A_119 = arith.constant 0 : i32
      %dma_wait3A_120 = tpu.memref_slice %arg12[%mul3A_108, %dma_wait3A_119] : memref<10240x128xf32, #tpu.memory_space<vmem_shared>> -> memref<640x128xf32, #tpu.memory_space<vmem_shared>>
      tpu.wait_dma2 semaphore(%run_scoped3A : memref<!tpu.dma_semaphore, #tpu.memory_space<semaphore_mem>>) src(%dma_wait3A_120 : memref<640x128xf32, #tpu.memory_space<vmem_shared>>) dst(%dma_wait3A_118 : memref<640x128xf32, #tpu.memory_space<hbm>>)
      tpu.yield
    }) : () -> ()
    return
  }
}

#map = affine_map<(d0, d1) -> (0, 0, 0)>
#map1 = affine_map<(d0, d1) -> (0, 0)>
module attributes {stable_mosaic.version = 14 : i64} {
  func.func @_sc_degree(%arg0: i32, %arg1: i32, %arg2: memref<32x100x100xi32, #tpu.memory_space<hbm>>, %arg3: memref<100x128xf32, #tpu.memory_space<hbm>>, %arg4: memref<640x128xf32, #tpu.memory_space<hbm>>, %arg5: memref<2x10240x128xf32, #tpu.memory_space<hbm>>, %arg6: memref<100x100xi32, #tpu.memory_space<vmem>>, %arg7: memref<100x128xf32, #tpu.memory_space<vmem>>, %arg8: memref<10240x128xf32, #tpu.memory_space<vmem_shared>>, %arg9: memref<!tpu.dma_semaphore, #tpu.memory_space<semaphore_mem>>, %arg10: memref<!tpu.dma_semaphore, #tpu.memory_space<semaphore_mem>>) attributes {dimension_semantics = [#tpu.dimension_semantics<core_parallel>, #tpu.dimension_semantics<subcore_parallel>], iteration_bounds = array<i64: 2, 16>, scalar_prefetch = 0 : i64, scratch_operands = 5 : i64, tpu.core_type = #tpu.core_type<sc_vector_subcore>, window_params = [{transform_indices = #map}, {transform_indices = #map1}, {transform_indices = #map1}, {transform_indices = #map}]} {
    %mul3A = arith.constant 16 : i32
    %mul3A_0 = arith.muli %arg0, %mul3A : i32
    %add3A = arith.addi %mul3A_0, %arg1 : i32
    %mul3A_1 = arith.constant 640 : i32
    %mul3A_2 = arith.muli %arg1, %mul3A_1 : i32
    "tpu.region"() ({
      %run_scoped3A = tpu.sem_alloc : memref<!tpu.dma_semaphore, #tpu.memory_space<semaphore_mem>>
      %dma_start3A_38 = arith.constant 0 : i32
      %dma_start3A_39 = tpu.memref_slice %arg8[%mul3A_2, %dma_start3A_38] : memref<10240x128xf32, #tpu.memory_space<vmem_shared>> -> memref<640x128xf32, #tpu.memory_space<vmem_shared>>
      tpu.enqueue_dma source(%arg4 : memref<640x128xf32, #tpu.memory_space<hbm>>) target(%dma_start3A_39 : memref<640x128xf32, #tpu.memory_space<vmem_shared>>) target_semaphore(%run_scoped3A : memref<!tpu.dma_semaphore, #tpu.memory_space<semaphore_mem>>)
      %dma_wait3A_40 = arith.constant 0 : i32
      %dma_wait3A_41 = tpu.memref_slice %arg8[%mul3A_2, %dma_wait3A_40] : memref<10240x128xf32, #tpu.memory_space<vmem_shared>> -> memref<640x128xf32, #tpu.memory_space<vmem_shared>>
      tpu.wait_dma2 semaphore(%run_scoped3A : memref<!tpu.dma_semaphore, #tpu.memory_space<semaphore_mem>>) src(%arg4 : memref<640x128xf32, #tpu.memory_space<hbm>>) dst(%dma_wait3A_41 : memref<640x128xf32, #tpu.memory_space<vmem_shared>>)
      tpu.yield
    }) : () -> ()
    "tpu.region"() ({
      %run_scoped3A = tpu.sem_alloc : memref<!tpu.dma_semaphore, #tpu.memory_space<semaphore_mem>>
      tpu.enqueue_dma source(%arg3 : memref<100x128xf32, #tpu.memory_space<hbm>>) target(%arg7 : memref<100x128xf32, #tpu.memory_space<vmem>>) target_semaphore(%run_scoped3A : memref<!tpu.dma_semaphore, #tpu.memory_space<semaphore_mem>>)
      tpu.wait_dma2 semaphore(%run_scoped3A : memref<!tpu.dma_semaphore, #tpu.memory_space<semaphore_mem>>) src(%arg3 : memref<100x128xf32, #tpu.memory_space<hbm>>) dst(%arg7 : memref<100x128xf32, #tpu.memory_space<vmem>>)
      tpu.yield
    }) : () -> ()
    "tpu.region"() ({
      %run_scoped3A = tpu.sem_alloc : memref<!tpu.dma_semaphore, #tpu.memory_space<semaphore_mem>>
      %dma_start3A_38 = arith.constant 0 : i32
      %dma_start3A_39 = arith.constant 0 : i32
      %dma_start3A_40 = tpu.memref_slice %arg2[%add3A, %dma_start3A_38, %dma_start3A_39] : memref<32x100x100xi32, #tpu.memory_space<hbm>> -> memref<1x100x100xi32, #tpu.memory_space<hbm>>
      %dma_start3A_41 = tpu.memref_squeeze %dma_start3A_40 : memref<1x100x100xi32, #tpu.memory_space<hbm>> -> memref<100x100xi32, #tpu.memory_space<hbm>>
      %dma_start3A_42 = arith.constant 0 : i32
      %dma_start3A_43 = arith.constant 0 : i32
      %dma_start3A_44 = tpu.memref_slice %arg2[%add3A, %dma_start3A_42, %dma_start3A_43] : memref<32x100x100xi32, #tpu.memory_space<hbm>> -> memref<1x100x100xi32, #tpu.memory_space<hbm>>
      %dma_start3A_45 = tpu.memref_squeeze %dma_start3A_44 : memref<1x100x100xi32, #tpu.memory_space<hbm>> -> memref<100x100xi32, #tpu.memory_space<hbm>>
      tpu.enqueue_dma source(%dma_start3A_45 : memref<100x100xi32, #tpu.memory_space<hbm>>) target(%arg6 : memref<100x100xi32, #tpu.memory_space<vmem>>) target_semaphore(%run_scoped3A : memref<!tpu.dma_semaphore, #tpu.memory_space<semaphore_mem>>)
      %dma_wait3A_46 = arith.constant 0 : i32
      %dma_wait3A_47 = arith.constant 0 : i32
      %dma_wait3A_48 = tpu.memref_slice %arg2[%add3A, %dma_wait3A_46, %dma_wait3A_47] : memref<32x100x100xi32, #tpu.memory_space<hbm>> -> memref<1x100x100xi32, #tpu.memory_space<hbm>>
      %dma_wait3A_49 = tpu.memref_squeeze %dma_wait3A_48 : memref<1x100x100xi32, #tpu.memory_space<hbm>> -> memref<100x100xi32, #tpu.memory_space<hbm>>
      %dma_wait3A_50 = arith.constant 0 : i32
      %dma_wait3A_51 = arith.constant 0 : i32
      %dma_wait3A_52 = tpu.memref_slice %arg2[%add3A, %dma_wait3A_50, %dma_wait3A_51] : memref<32x100x100xi32, #tpu.memory_space<hbm>> -> memref<1x100x100xi32, #tpu.memory_space<hbm>>
      %dma_wait3A_53 = tpu.memref_squeeze %dma_wait3A_52 : memref<1x100x100xi32, #tpu.memory_space<hbm>> -> memref<100x100xi32, #tpu.memory_space<hbm>>
      tpu.wait_dma2 semaphore(%run_scoped3A : memref<!tpu.dma_semaphore, #tpu.memory_space<semaphore_mem>>) src(%dma_wait3A_53 : memref<100x100xi32, #tpu.memory_space<hbm>>) dst(%arg6 : memref<100x100xi32, #tpu.memory_space<vmem>>)
      tpu.yield
    }) : () -> ()
    %barrier3A = arith.constant 0 : index
    tpu.barrier barrier_id(%barrier3A)
    %dma_start3A = arith.constant 0 : i32
    %dma_start3A_3 = arith.constant 0 : i32
    %dma_start3A_4 = tpu.memref_slice %arg6[%dma_start3A, %dma_start3A_3] : memref<100x100xi32, #tpu.memory_space<vmem>> -> memref<1x100xi32, #tpu.memory_space<vmem>>
    %dma_start3A_5 = tpu.memref_squeeze %dma_start3A_4 : memref<1x100xi32, #tpu.memory_space<vmem>> -> memref<100xi32, #tpu.memory_space<vmem>>
    %dma_start3A_6 = arith.constant 0 : i32
    %dma_start3A_7 = arith.constant 0 : i32
    %dma_start3A_8 = tpu.memref_slice %arg8[%dma_start3A_6, %dma_start3A_7] : memref<10240x128xf32, #tpu.memory_space<vmem_shared>> -> memref<10240x128xf32, #tpu.memory_space<vmem_shared>>
    tpu.enqueue_indirect_dma source(%arg7 : memref<100x128xf32, #tpu.memory_space<vmem>>) target(%dma_start3A_8 : memref<10240x128xf32, #tpu.memory_space<vmem_shared>>) offsets(%dma_start3A_5 : memref<100xi32, #tpu.memory_space<vmem>>) semaphore(%arg9 : memref<!tpu.dma_semaphore, #tpu.memory_space<semaphore_mem>>) {add = true}
    %dma_start3A_9 = arith.constant 1 : i32
    %dma_start3A_10 = arith.constant 0 : i32
    %dma_start3A_11 = tpu.memref_slice %arg6[%dma_start3A_9, %dma_start3A_10] : memref<100x100xi32, #tpu.memory_space<vmem>> -> memref<1x100xi32, #tpu.memory_space<vmem>>
    %dma_start3A_12 = tpu.memref_squeeze %dma_start3A_11 : memref<1x100xi32, #tpu.memory_space<vmem>> -> memref<100xi32, #tpu.memory_space<vmem>>
    %dma_start3A_13 = arith.constant 0 : i32
    %dma_start3A_14 = arith.constant 0 : i32
    %dma_start3A_15 = tpu.memref_slice %arg8[%dma_start3A_13, %dma_start3A_14] : memref<10240x128xf32, #tpu.memory_space<vmem_shared>> -> memref<10240x128xf32, #tpu.memory_space<vmem_shared>>
    tpu.enqueue_indirect_dma source(%arg7 : memref<100x128xf32, #tpu.memory_space<vmem>>) target(%dma_start3A_15 : memref<10240x128xf32, #tpu.memory_space<vmem_shared>>) offsets(%dma_start3A_12 : memref<100xi32, #tpu.memory_space<vmem>>) semaphore(%arg10 : memref<!tpu.dma_semaphore, #tpu.memory_space<semaphore_mem>>) {add = true}
    %scan3A = arith.constant 0 : i32
    %scan3A_16 = arith.constant 49 : i32
    %scan3A_17 = arith.addi %scan3A, %scan3A_16 : i32
    %scan3A_18 = arith.constant 1 : i32
    scf.for %scan3A_38 = %scan3A to %scan3A_17 step %scan3A_18  : i32 {
      %mul3A_39 = arith.constant 2 : i32
      %mul3A_40 = arith.muli %mul3A_39, %scan3A_38 : i32
      %add3A_41 = arith.constant 0 : i32
      %add3A_42 = arith.addi %mul3A_40, %add3A_41 : i32
      %add3A_43 = arith.constant 2 : i32
      %add3A_44 = arith.addi %add3A_42, %add3A_43 : i32
      %dma_wait3A_45 = arith.constant 0 : i32
      %dma_wait3A_46 = tpu.memref_slice %arg6[%add3A_44, %dma_wait3A_45] : memref<100x100xi32, #tpu.memory_space<vmem>> -> memref<1x100xi32, #tpu.memory_space<vmem>>
      %dma_wait3A_47 = tpu.memref_squeeze %dma_wait3A_46 : memref<1x100xi32, #tpu.memory_space<vmem>> -> memref<100xi32, #tpu.memory_space<vmem>>
      %dma_wait3A_48 = arith.constant 0 : i32
      %dma_wait3A_49 = arith.constant 0 : i32
      %dma_wait3A_50 = tpu.memref_slice %arg8[%dma_wait3A_48, %dma_wait3A_49] : memref<10240x128xf32, #tpu.memory_space<vmem_shared>> -> memref<10240x128xf32, #tpu.memory_space<vmem_shared>>
      tpu.wait_indirect_dma semaphore(%arg9 : memref<!tpu.dma_semaphore, #tpu.memory_space<semaphore_mem>>) src(%arg7 : memref<100x128xf32, #tpu.memory_space<vmem>>) dst(%dma_wait3A_50 : memref<10240x128xf32, #tpu.memory_space<vmem_shared>>)
      %dma_start3A_51 = arith.constant 0 : i32
      %dma_start3A_52 = tpu.memref_slice %arg6[%add3A_44, %dma_start3A_51] : memref<100x100xi32, #tpu.memory_space<vmem>> -> memref<1x100xi32, #tpu.memory_space<vmem>>
      %dma_start3A_53 = tpu.memref_squeeze %dma_start3A_52 : memref<1x100xi32, #tpu.memory_space<vmem>> -> memref<100xi32, #tpu.memory_space<vmem>>
      %dma_start3A_54 = arith.constant 0 : i32
      %dma_start3A_55 = arith.constant 0 : i32
      %dma_start3A_56 = tpu.memref_slice %arg8[%dma_start3A_54, %dma_start3A_55] : memref<10240x128xf32, #tpu.memory_space<vmem_shared>> -> memref<10240x128xf32, #tpu.memory_space<vmem_shared>>
      tpu.enqueue_indirect_dma source(%arg7 : memref<100x128xf32, #tpu.memory_space<vmem>>) target(%dma_start3A_56 : memref<10240x128xf32, #tpu.memory_space<vmem_shared>>) offsets(%dma_start3A_53 : memref<100xi32, #tpu.memory_space<vmem>>) semaphore(%arg9 : memref<!tpu.dma_semaphore, #tpu.memory_space<semaphore_mem>>) {add = true}
      %mul3A_57 = arith.constant 2 : i32
      %mul3A_58 = arith.muli %mul3A_57, %scan3A_38 : i32
      %add3A_59 = arith.constant 1 : i32
      %add3A_60 = arith.addi %mul3A_58, %add3A_59 : i32
      %add3A_61 = arith.constant 2 : i32
      %add3A_62 = arith.addi %add3A_60, %add3A_61 : i32
      %dma_wait3A_63 = arith.constant 0 : i32
      %dma_wait3A_64 = tpu.memref_slice %arg6[%add3A_62, %dma_wait3A_63] : memref<100x100xi32, #tpu.memory_space<vmem>> -> memref<1x100xi32, #tpu.memory_space<vmem>>
      %dma_wait3A_65 = tpu.memref_squeeze %dma_wait3A_64 : memref<1x100xi32, #tpu.memory_space<vmem>> -> memref<100xi32, #tpu.memory_space<vmem>>
      %dma_wait3A_66 = arith.constant 0 : i32
      %dma_wait3A_67 = arith.constant 0 : i32
      %dma_wait3A_68 = tpu.memref_slice %arg8[%dma_wait3A_66, %dma_wait3A_67] : memref<10240x128xf32, #tpu.memory_space<vmem_shared>> -> memref<10240x128xf32, #tpu.memory_space<vmem_shared>>
      tpu.wait_indirect_dma semaphore(%arg10 : memref<!tpu.dma_semaphore, #tpu.memory_space<semaphore_mem>>) src(%arg7 : memref<100x128xf32, #tpu.memory_space<vmem>>) dst(%dma_wait3A_68 : memref<10240x128xf32, #tpu.memory_space<vmem_shared>>)
      %dma_start3A_69 = arith.constant 0 : i32
      %dma_start3A_70 = tpu.memref_slice %arg6[%add3A_62, %dma_start3A_69] : memref<100x100xi32, #tpu.memory_space<vmem>> -> memref<1x100xi32, #tpu.memory_space<vmem>>
      %dma_start3A_71 = tpu.memref_squeeze %dma_start3A_70 : memref<1x100xi32, #tpu.memory_space<vmem>> -> memref<100xi32, #tpu.memory_space<vmem>>
      %dma_start3A_72 = arith.constant 0 : i32
      %dma_start3A_73 = arith.constant 0 : i32
      %dma_start3A_74 = tpu.memref_slice %arg8[%dma_start3A_72, %dma_start3A_73] : memref<10240x128xf32, #tpu.memory_space<vmem_shared>> -> memref<10240x128xf32, #tpu.memory_space<vmem_shared>>
      tpu.enqueue_indirect_dma source(%arg7 : memref<100x128xf32, #tpu.memory_space<vmem>>) target(%dma_start3A_74 : memref<10240x128xf32, #tpu.memory_space<vmem_shared>>) offsets(%dma_start3A_71 : memref<100xi32, #tpu.memory_space<vmem>>) semaphore(%arg10 : memref<!tpu.dma_semaphore, #tpu.memory_space<semaphore_mem>>) {add = true}
    }
    %scan3A_19 = arith.constant 49 : i32
    %dma_wait3A = arith.constant 0 : i32
    %dma_wait3A_20 = arith.constant 0 : i32
    %dma_wait3A_21 = tpu.memref_slice %arg6[%dma_wait3A, %dma_wait3A_20] : memref<100x100xi32, #tpu.memory_space<vmem>> -> memref<1x100xi32, #tpu.memory_space<vmem>>
    %dma_wait3A_22 = tpu.memref_squeeze %dma_wait3A_21 : memref<1x100xi32, #tpu.memory_space<vmem>> -> memref<100xi32, #tpu.memory_space<vmem>>
    %dma_wait3A_23 = arith.constant 0 : i32
    %dma_wait3A_24 = arith.constant 0 : i32
    %dma_wait3A_25 = tpu.memref_slice %arg8[%dma_wait3A_23, %dma_wait3A_24] : memref<10240x128xf32, #tpu.memory_space<vmem_shared>> -> memref<10240x128xf32, #tpu.memory_space<vmem_shared>>
    tpu.wait_indirect_dma semaphore(%arg9 : memref<!tpu.dma_semaphore, #tpu.memory_space<semaphore_mem>>) src(%arg7 : memref<100x128xf32, #tpu.memory_space<vmem>>) dst(%dma_wait3A_25 : memref<10240x128xf32, #tpu.memory_space<vmem_shared>>)
    %dma_wait3A_26 = arith.constant 1 : i32
    %dma_wait3A_27 = arith.constant 0 : i32
    %dma_wait3A_28 = tpu.memref_slice %arg6[%dma_wait3A_26, %dma_wait3A_27] : memref<100x100xi32, #tpu.memory_space<vmem>> -> memref<1x100xi32, #tpu.memory_space<vmem>>
    %dma_wait3A_29 = tpu.memref_squeeze %dma_wait3A_28 : memref<1x100xi32, #tpu.memory_space<vmem>> -> memref<100xi32, #tpu.memory_space<vmem>>
    %dma_wait3A_30 = arith.constant 0 : i32
    %dma_wait3A_31 = arith.constant 0 : i32
    %dma_wait3A_32 = tpu.memref_slice %arg8[%dma_wait3A_30, %dma_wait3A_31] : memref<10240x128xf32, #tpu.memory_space<vmem_shared>> -> memref<10240x128xf32, #tpu.memory_space<vmem_shared>>
    tpu.wait_indirect_dma semaphore(%arg10 : memref<!tpu.dma_semaphore, #tpu.memory_space<semaphore_mem>>) src(%arg7 : memref<100x128xf32, #tpu.memory_space<vmem>>) dst(%dma_wait3A_32 : memref<10240x128xf32, #tpu.memory_space<vmem_shared>>)
    %barrier3A_33 = arith.constant 0 : index
    tpu.barrier barrier_id(%barrier3A_33)
    %mul3A_34 = arith.constant 640 : i32
    %mul3A_35 = arith.muli %arg1, %mul3A_34 : i32
    %mul3A_36 = arith.constant 640 : i32
    %mul3A_37 = arith.muli %arg1, %mul3A_36 : i32
    "tpu.region"() ({
      %run_scoped3A = tpu.sem_alloc : memref<!tpu.dma_semaphore, #tpu.memory_space<semaphore_mem>>
      %dma_start3A_38 = arith.constant 0 : i32
      %dma_start3A_39 = tpu.memref_slice %arg5[%arg0, %mul3A_37, %dma_start3A_38] : memref<2x10240x128xf32, #tpu.memory_space<hbm>> -> memref<1x640x128xf32, #tpu.memory_space<hbm>>
      %dma_start3A_40 = tpu.memref_squeeze %dma_start3A_39 : memref<1x640x128xf32, #tpu.memory_space<hbm>> -> memref<640x128xf32, #tpu.memory_space<hbm>>
      %dma_start3A_41 = arith.constant 0 : i32
      %dma_start3A_42 = tpu.memref_slice %arg8[%mul3A_35, %dma_start3A_41] : memref<10240x128xf32, #tpu.memory_space<vmem_shared>> -> memref<640x128xf32, #tpu.memory_space<vmem_shared>>
      tpu.enqueue_dma source(%dma_start3A_42 : memref<640x128xf32, #tpu.memory_space<vmem_shared>>) target(%dma_start3A_40 : memref<640x128xf32, #tpu.memory_space<hbm>>) target_semaphore(%run_scoped3A : memref<!tpu.dma_semaphore, #tpu.memory_space<semaphore_mem>>)
      %dma_wait3A_43 = arith.constant 0 : i32
      %dma_wait3A_44 = tpu.memref_slice %arg5[%arg0, %mul3A_37, %dma_wait3A_43] : memref<2x10240x128xf32, #tpu.memory_space<hbm>> -> memref<1x640x128xf32, #tpu.memory_space<hbm>>
      %dma_wait3A_45 = tpu.memref_squeeze %dma_wait3A_44 : memref<1x640x128xf32, #tpu.memory_space<hbm>> -> memref<640x128xf32, #tpu.memory_space<hbm>>
      %dma_wait3A_46 = arith.constant 0 : i32
      %dma_wait3A_47 = tpu.memref_slice %arg8[%mul3A_35, %dma_wait3A_46] : memref<10240x128xf32, #tpu.memory_space<vmem_shared>> -> memref<640x128xf32, #tpu.memory_space<vmem_shared>>
      tpu.wait_dma2 semaphore(%run_scoped3A : memref<!tpu.dma_semaphore, #tpu.memory_space<semaphore_mem>>) src(%dma_wait3A_47 : memref<640x128xf32, #tpu.memory_space<vmem_shared>>) dst(%dma_wait3A_45 : memref<640x128xf32, #tpu.memory_space<hbm>>)
      tpu.yield
    }) : () -> ()
    return
  }
}

#map = affine_map<(d0, d1) -> (0, 0)>
#map1 = affine_map<(d0, d1) -> (0, 0, 0)>
module attributes {stable_mosaic.version = 14 : i64} {
  func.func @_sc_messages(%arg0: i32, %arg1: i32, %arg2: memref<10000x128xf32, #tpu.memory_space<hbm>>, %arg3: memref<32x50x100xi32, #tpu.memory_space<hbm>>, %arg4: memref<32x50x100xi32, #tpu.memory_space<hbm>>, %arg5: memref<32x50x100xi32, #tpu.memory_space<hbm>>, %arg6: memref<32x50x100xi32, #tpu.memory_space<hbm>>, %arg7: memref<640x128xf32, #tpu.memory_space<hbm>>, %arg8: memref<2x10240x128xf32, #tpu.memory_space<hbm>>, %arg9: memref<50x100xi32, #tpu.memory_space<vmem>>, %arg10: memref<50x100xi32, #tpu.memory_space<vmem>>, %arg11: memref<2x100x128xf32, #tpu.memory_space<vmem>>, %arg12: memref<10240x128xf32, #tpu.memory_space<vmem_shared>>, %arg13: memref<!tpu.dma_semaphore, #tpu.memory_space<semaphore_mem>>, %arg14: memref<!tpu.dma_semaphore, #tpu.memory_space<semaphore_mem>>) attributes {dimension_semantics = [#tpu.dimension_semantics<core_parallel>, #tpu.dimension_semantics<subcore_parallel>], iteration_bounds = array<i64: 2, 16>, scalar_prefetch = 0 : i64, scratch_operands = 6 : i64, tpu.core_type = #tpu.core_type<sc_vector_subcore>, window_params = [{transform_indices = #map}, {transform_indices = #map1}, {transform_indices = #map1}, {transform_indices = #map1}, {transform_indices = #map1}, {transform_indices = #map}, {transform_indices = #map1}]} {
    %mul3A = arith.constant 16 : i32
    %mul3A_0 = arith.muli %arg0, %mul3A : i32
    %add3A = arith.addi %mul3A_0, %arg1 : i32
    %mul3A_1 = arith.constant 640 : i32
    %mul3A_2 = arith.muli %arg1, %mul3A_1 : i32
    "tpu.region"() ({
      %run_scoped3A = tpu.sem_alloc : memref<!tpu.dma_semaphore, #tpu.memory_space<semaphore_mem>>
      %dma_start3A_111 = arith.constant 0 : i32
      %dma_start3A_112 = tpu.memref_slice %arg12[%mul3A_2, %dma_start3A_111] : memref<10240x128xf32, #tpu.memory_space<vmem_shared>> -> memref<640x128xf32, #tpu.memory_space<vmem_shared>>
      tpu.enqueue_dma source(%arg7 : memref<640x128xf32, #tpu.memory_space<hbm>>) target(%dma_start3A_112 : memref<640x128xf32, #tpu.memory_space<vmem_shared>>) target_semaphore(%run_scoped3A : memref<!tpu.dma_semaphore, #tpu.memory_space<semaphore_mem>>)
      %dma_wait3A_113 = arith.constant 0 : i32
      %dma_wait3A_114 = tpu.memref_slice %arg12[%mul3A_2, %dma_wait3A_113] : memref<10240x128xf32, #tpu.memory_space<vmem_shared>> -> memref<640x128xf32, #tpu.memory_space<vmem_shared>>
      tpu.wait_dma2 semaphore(%run_scoped3A : memref<!tpu.dma_semaphore, #tpu.memory_space<semaphore_mem>>) src(%arg7 : memref<640x128xf32, #tpu.memory_space<hbm>>) dst(%dma_wait3A_114 : memref<640x128xf32, #tpu.memory_space<vmem_shared>>)
      tpu.yield
    }) : () -> ()
    %barrier3A = arith.constant 0 : index
    tpu.barrier barrier_id(%barrier3A)
    "tpu.region"() ({
      %run_scoped3A = tpu.sem_alloc : memref<!tpu.dma_semaphore, #tpu.memory_space<semaphore_mem>>
      %dma_start3A_111 = arith.constant 0 : i32
      %dma_start3A_112 = arith.constant 0 : i32
      %dma_start3A_113 = tpu.memref_slice %arg3[%add3A, %dma_start3A_111, %dma_start3A_112] : memref<32x50x100xi32, #tpu.memory_space<hbm>> -> memref<1x50x100xi32, #tpu.memory_space<hbm>>
      %dma_start3A_114 = tpu.memref_squeeze %dma_start3A_113 : memref<1x50x100xi32, #tpu.memory_space<hbm>> -> memref<50x100xi32, #tpu.memory_space<hbm>>
      %dma_start3A_115 = arith.constant 0 : i32
      %dma_start3A_116 = arith.constant 0 : i32
      %dma_start3A_117 = tpu.memref_slice %arg3[%add3A, %dma_start3A_115, %dma_start3A_116] : memref<32x50x100xi32, #tpu.memory_space<hbm>> -> memref<1x50x100xi32, #tpu.memory_space<hbm>>
      %dma_start3A_118 = tpu.memref_squeeze %dma_start3A_117 : memref<1x50x100xi32, #tpu.memory_space<hbm>> -> memref<50x100xi32, #tpu.memory_space<hbm>>
      tpu.enqueue_dma source(%dma_start3A_118 : memref<50x100xi32, #tpu.memory_space<hbm>>) target(%arg9 : memref<50x100xi32, #tpu.memory_space<vmem>>) target_semaphore(%run_scoped3A : memref<!tpu.dma_semaphore, #tpu.memory_space<semaphore_mem>>)
      %dma_wait3A_119 = arith.constant 0 : i32
      %dma_wait3A_120 = arith.constant 0 : i32
      %dma_wait3A_121 = tpu.memref_slice %arg3[%add3A, %dma_wait3A_119, %dma_wait3A_120] : memref<32x50x100xi32, #tpu.memory_space<hbm>> -> memref<1x50x100xi32, #tpu.memory_space<hbm>>
      %dma_wait3A_122 = tpu.memref_squeeze %dma_wait3A_121 : memref<1x50x100xi32, #tpu.memory_space<hbm>> -> memref<50x100xi32, #tpu.memory_space<hbm>>
      %dma_wait3A_123 = arith.constant 0 : i32
      %dma_wait3A_124 = arith.constant 0 : i32
      %dma_wait3A_125 = tpu.memref_slice %arg3[%add3A, %dma_wait3A_123, %dma_wait3A_124] : memref<32x50x100xi32, #tpu.memory_space<hbm>> -> memref<1x50x100xi32, #tpu.memory_space<hbm>>
      %dma_wait3A_126 = tpu.memref_squeeze %dma_wait3A_125 : memref<1x50x100xi32, #tpu.memory_space<hbm>> -> memref<50x100xi32, #tpu.memory_space<hbm>>
      tpu.wait_dma2 semaphore(%run_scoped3A : memref<!tpu.dma_semaphore, #tpu.memory_space<semaphore_mem>>) src(%dma_wait3A_126 : memref<50x100xi32, #tpu.memory_space<hbm>>) dst(%arg9 : memref<50x100xi32, #tpu.memory_space<vmem>>)
      tpu.yield
    }) : () -> ()
    "tpu.region"() ({
      %run_scoped3A = tpu.sem_alloc : memref<!tpu.dma_semaphore, #tpu.memory_space<semaphore_mem>>
      %dma_start3A_111 = arith.constant 0 : i32
      %dma_start3A_112 = arith.constant 0 : i32
      %dma_start3A_113 = tpu.memref_slice %arg5[%add3A, %dma_start3A_111, %dma_start3A_112] : memref<32x50x100xi32, #tpu.memory_space<hbm>> -> memref<1x50x100xi32, #tpu.memory_space<hbm>>
      %dma_start3A_114 = tpu.memref_squeeze %dma_start3A_113 : memref<1x50x100xi32, #tpu.memory_space<hbm>> -> memref<50x100xi32, #tpu.memory_space<hbm>>
      %dma_start3A_115 = arith.constant 0 : i32
      %dma_start3A_116 = arith.constant 0 : i32
      %dma_start3A_117 = tpu.memref_slice %arg5[%add3A, %dma_start3A_115, %dma_start3A_116] : memref<32x50x100xi32, #tpu.memory_space<hbm>> -> memref<1x50x100xi32, #tpu.memory_space<hbm>>
      %dma_start3A_118 = tpu.memref_squeeze %dma_start3A_117 : memref<1x50x100xi32, #tpu.memory_space<hbm>> -> memref<50x100xi32, #tpu.memory_space<hbm>>
      tpu.enqueue_dma source(%dma_start3A_118 : memref<50x100xi32, #tpu.memory_space<hbm>>) target(%arg10 : memref<50x100xi32, #tpu.memory_space<vmem>>) target_semaphore(%run_scoped3A : memref<!tpu.dma_semaphore, #tpu.memory_space<semaphore_mem>>)
      %dma_wait3A_119 = arith.constant 0 : i32
      %dma_wait3A_120 = arith.constant 0 : i32
      %dma_wait3A_121 = tpu.memref_slice %arg5[%add3A, %dma_wait3A_119, %dma_wait3A_120] : memref<32x50x100xi32, #tpu.memory_space<hbm>> -> memref<1x50x100xi32, #tpu.memory_space<hbm>>
      %dma_wait3A_122 = tpu.memref_squeeze %dma_wait3A_121 : memref<1x50x100xi32, #tpu.memory_space<hbm>> -> memref<50x100xi32, #tpu.memory_space<hbm>>
      %dma_wait3A_123 = arith.constant 0 : i32
      %dma_wait3A_124 = arith.constant 0 : i32
      %dma_wait3A_125 = tpu.memref_slice %arg5[%add3A, %dma_wait3A_123, %dma_wait3A_124] : memref<32x50x100xi32, #tpu.memory_space<hbm>> -> memref<1x50x100xi32, #tpu.memory_space<hbm>>
      %dma_wait3A_126 = tpu.memref_squeeze %dma_wait3A_125 : memref<1x50x100xi32, #tpu.memory_space<hbm>> -> memref<50x100xi32, #tpu.memory_space<hbm>>
      tpu.wait_dma2 semaphore(%run_scoped3A : memref<!tpu.dma_semaphore, #tpu.memory_space<semaphore_mem>>) src(%dma_wait3A_126 : memref<50x100xi32, #tpu.memory_space<hbm>>) dst(%arg10 : memref<50x100xi32, #tpu.memory_space<vmem>>)
      tpu.yield
    }) : () -> ()
    %dma_start3A = arith.constant 0 : i32
    %dma_start3A_3 = arith.constant 0 : i32
    %dma_start3A_4 = arith.constant 0 : i32
    %dma_start3A_5 = arith.constant 0 : i32
    %dma_start3A_6 = tpu.memref_slice %arg11[%dma_start3A_3, %dma_start3A_4, %dma_start3A_5] : memref<2x100x128xf32, #tpu.memory_space<vmem>> -> memref<1x100x128xf32, #tpu.memory_space<vmem>>
    %dma_start3A_7 = tpu.memref_squeeze %dma_start3A_6 : memref<1x100x128xf32, #tpu.memory_space<vmem>> -> memref<100x128xf32, #tpu.memory_space<vmem>>
    %dma_start3A_8 = arith.constant 0 : i32
    %dma_start3A_9 = tpu.memref_slice %arg9[%dma_start3A, %dma_start3A_8] : memref<50x100xi32, #tpu.memory_space<vmem>> -> memref<1x100xi32, #tpu.memory_space<vmem>>
    %dma_start3A_10 = tpu.memref_squeeze %dma_start3A_9 : memref<1x100xi32, #tpu.memory_space<vmem>> -> memref<100xi32, #tpu.memory_space<vmem>>
    %dma_start3A_11 = arith.constant 0 : i32
    %dma_start3A_12 = arith.constant 0 : i32
    %dma_start3A_13 = tpu.memref_slice %arg2[%dma_start3A_11, %dma_start3A_12] : memref<10000x128xf32, #tpu.memory_space<hbm>> -> memref<10000x128xf32, #tpu.memory_space<hbm>>
    tpu.enqueue_indirect_dma source(%dma_start3A_13 : memref<10000x128xf32, #tpu.memory_space<hbm>>) target(%dma_start3A_7 : memref<100x128xf32, #tpu.memory_space<vmem>>) offsets(%dma_start3A_10 : memref<100xi32, #tpu.memory_space<vmem>>) semaphore(%arg13 : memref<!tpu.dma_semaphore, #tpu.memory_space<semaphore_mem>>)
    %dma_start3A_14 = arith.constant 1 : i32
    %dma_start3A_15 = arith.constant 1 : i32
    %dma_start3A_16 = arith.constant 0 : i32
    %dma_start3A_17 = arith.constant 0 : i32
    %dma_start3A_18 = tpu.memref_slice %arg11[%dma_start3A_15, %dma_start3A_16, %dma_start3A_17] : memref<2x100x128xf32, #tpu.memory_space<vmem>> -> memref<1x100x128xf32, #tpu.memory_space<vmem>>
    %dma_start3A_19 = tpu.memref_squeeze %dma_start3A_18 : memref<1x100x128xf32, #tpu.memory_space<vmem>> -> memref<100x128xf32, #tpu.memory_space<vmem>>
    %dma_start3A_20 = arith.constant 0 : i32
    %dma_start3A_21 = tpu.memref_slice %arg9[%dma_start3A_14, %dma_start3A_20] : memref<50x100xi32, #tpu.memory_space<vmem>> -> memref<1x100xi32, #tpu.memory_space<vmem>>
    %dma_start3A_22 = tpu.memref_squeeze %dma_start3A_21 : memref<1x100xi32, #tpu.memory_space<vmem>> -> memref<100xi32, #tpu.memory_space<vmem>>
    %dma_start3A_23 = arith.constant 0 : i32
    %dma_start3A_24 = arith.constant 0 : i32
    %dma_start3A_25 = tpu.memref_slice %arg2[%dma_start3A_23, %dma_start3A_24] : memref<10000x128xf32, #tpu.memory_space<hbm>> -> memref<10000x128xf32, #tpu.memory_space<hbm>>
    tpu.enqueue_indirect_dma source(%dma_start3A_25 : memref<10000x128xf32, #tpu.memory_space<hbm>>) target(%dma_start3A_19 : memref<100x128xf32, #tpu.memory_space<vmem>>) offsets(%dma_start3A_22 : memref<100xi32, #tpu.memory_space<vmem>>) semaphore(%arg14 : memref<!tpu.dma_semaphore, #tpu.memory_space<semaphore_mem>>)
    %scan3A = arith.constant 0 : i32
    %scan3A_26 = arith.constant 25 : i32
    %scan3A_27 = arith.addi %scan3A, %scan3A_26 : i32
    %scan3A_28 = arith.constant 1 : i32
    scf.for %scan3A_111 = %scan3A to %scan3A_27 step %scan3A_28  : i32 {
      %mul3A_112 = arith.constant 2 : i32
      %mul3A_113 = arith.muli %scan3A_111, %mul3A_112 : i32
      %add3A_114 = arith.constant 0 : i32
      %add3A_115 = arith.addi %mul3A_113, %add3A_114 : i32
      %dma_wait3A_116 = arith.constant 0 : i32
      %dma_wait3A_117 = arith.constant 0 : i32
      %dma_wait3A_118 = arith.constant 0 : i32
      %dma_wait3A_119 = arith.constant 0 : i32
      %dma_wait3A_120 = tpu.memref_slice %arg11[%dma_wait3A_117, %dma_wait3A_118, %dma_wait3A_119] : memref<2x100x128xf32, #tpu.memory_space<vmem>> -> memref<1x100x128xf32, #tpu.memory_space<vmem>>
      %dma_wait3A_121 = tpu.memref_squeeze %dma_wait3A_120 : memref<1x100x128xf32, #tpu.memory_space<vmem>> -> memref<100x128xf32, #tpu.memory_space<vmem>>
      %dma_wait3A_122 = arith.constant 0 : i32
      %dma_wait3A_123 = tpu.memref_slice %arg9[%dma_wait3A_116, %dma_wait3A_122] : memref<50x100xi32, #tpu.memory_space<vmem>> -> memref<1x100xi32, #tpu.memory_space<vmem>>
      %dma_wait3A_124 = tpu.memref_squeeze %dma_wait3A_123 : memref<1x100xi32, #tpu.memory_space<vmem>> -> memref<100xi32, #tpu.memory_space<vmem>>
      %dma_wait3A_125 = arith.constant 0 : i32
      %dma_wait3A_126 = arith.constant 0 : i32
      %dma_wait3A_127 = tpu.memref_slice %arg2[%dma_wait3A_125, %dma_wait3A_126] : memref<10000x128xf32, #tpu.memory_space<hbm>> -> memref<10000x128xf32, #tpu.memory_space<hbm>>
      tpu.wait_indirect_dma semaphore(%arg13 : memref<!tpu.dma_semaphore, #tpu.memory_space<semaphore_mem>>) src(%dma_wait3A_127 : memref<10000x128xf32, #tpu.memory_space<hbm>>) dst(%dma_wait3A_121 : memref<100x128xf32, #tpu.memory_space<vmem>>)
      %dma_start3A_128 = arith.constant 0 : i32
      %dma_start3A_129 = arith.constant 0 : i32
      %dma_start3A_130 = arith.constant 0 : i32
      %dma_start3A_131 = tpu.memref_slice %arg11[%dma_start3A_128, %dma_start3A_129, %dma_start3A_130] : memref<2x100x128xf32, #tpu.memory_space<vmem>> -> memref<1x100x128xf32, #tpu.memory_space<vmem>>
      %dma_start3A_132 = tpu.memref_squeeze %dma_start3A_131 : memref<1x100x128xf32, #tpu.memory_space<vmem>> -> memref<100x128xf32, #tpu.memory_space<vmem>>
      %dma_start3A_133 = arith.constant 0 : i32
      %dma_start3A_134 = tpu.memref_slice %arg10[%add3A_115, %dma_start3A_133] : memref<50x100xi32, #tpu.memory_space<vmem>> -> memref<1x100xi32, #tpu.memory_space<vmem>>
      %dma_start3A_135 = tpu.memref_squeeze %dma_start3A_134 : memref<1x100xi32, #tpu.memory_space<vmem>> -> memref<100xi32, #tpu.memory_space<vmem>>
      %dma_start3A_136 = arith.constant 0 : i32
      %dma_start3A_137 = arith.constant 0 : i32
      %dma_start3A_138 = tpu.memref_slice %arg12[%dma_start3A_136, %dma_start3A_137] : memref<10240x128xf32, #tpu.memory_space<vmem_shared>> -> memref<10240x128xf32, #tpu.memory_space<vmem_shared>>
      tpu.enqueue_indirect_dma source(%dma_start3A_132 : memref<100x128xf32, #tpu.memory_space<vmem>>) target(%dma_start3A_138 : memref<10240x128xf32, #tpu.memory_space<vmem_shared>>) offsets(%dma_start3A_135 : memref<100xi32, #tpu.memory_space<vmem>>) semaphore(%arg13 : memref<!tpu.dma_semaphore, #tpu.memory_space<semaphore_mem>>) {add = true}
      %dma_wait3A_139 = arith.constant 0 : i32
      %dma_wait3A_140 = arith.constant 0 : i32
      %dma_wait3A_141 = arith.constant 0 : i32
      %dma_wait3A_142 = tpu.memref_slice %arg11[%dma_wait3A_139, %dma_wait3A_140, %dma_wait3A_141] : memref<2x100x128xf32, #tpu.memory_space<vmem>> -> memref<1x100x128xf32, #tpu.memory_space<vmem>>
      %dma_wait3A_143 = tpu.memref_squeeze %dma_wait3A_142 : memref<1x100x128xf32, #tpu.memory_space<vmem>> -> memref<100x128xf32, #tpu.memory_space<vmem>>
      %dma_wait3A_144 = arith.constant 0 : i32
      %dma_wait3A_145 = tpu.memref_slice %arg10[%add3A_115, %dma_wait3A_144] : memref<50x100xi32, #tpu.memory_space<vmem>> -> memref<1x100xi32, #tpu.memory_space<vmem>>
      %dma_wait3A_146 = tpu.memref_squeeze %dma_wait3A_145 : memref<1x100xi32, #tpu.memory_space<vmem>> -> memref<100xi32, #tpu.memory_space<vmem>>
      %dma_wait3A_147 = arith.constant 0 : i32
      %dma_wait3A_148 = arith.constant 0 : i32
      %dma_wait3A_149 = tpu.memref_slice %arg12[%dma_wait3A_147, %dma_wait3A_148] : memref<10240x128xf32, #tpu.memory_space<vmem_shared>> -> memref<10240x128xf32, #tpu.memory_space<vmem_shared>>
      tpu.wait_indirect_dma semaphore(%arg13 : memref<!tpu.dma_semaphore, #tpu.memory_space<semaphore_mem>>) src(%dma_wait3A_143 : memref<100x128xf32, #tpu.memory_space<vmem>>) dst(%dma_wait3A_149 : memref<10240x128xf32, #tpu.memory_space<vmem_shared>>)
      %add3A_150 = arith.constant 2 : i32
      %add3A_151 = arith.addi %add3A_115, %add3A_150 : i32
      %jit3A = arith.constant 50 : i32
      %eq3A = arith.constant 0 : i32
      %eq3A_152 = arith.cmpi eq, %jit3A, %eq3A : i32
      %jit3A_153 = arith.constant 1 : i32
      %select_n3A = arith.select %eq3A_152, %jit3A_153, %jit3A : i32
      %rem3A = arith.remsi %add3A_151, %select_n3A : i32
      %ne3A = arith.constant 0 : i32
      %ne3A_154 = arith.cmpi ne, %rem3A, %ne3A : i32
      %lt3A = arith.constant 0 : i32
      %lt3A_155 = arith.cmpi slt, %rem3A, %lt3A : i32
      %lt3A_156 = arith.constant 0 : i32
      %lt3A_157 = arith.cmpi slt, %select_n3A, %lt3A_156 : i32
      %ne3A_158 = arith.xori %lt3A_155, %lt3A_157 : i1
      %and3A = arith.andi %ne3A_158, %ne3A_154 : i1
      %add3A_159 = arith.addi %rem3A, %select_n3A : i32
      %select_n3A_160 = arith.select %and3A, %add3A_159, %rem3A : i32
      %dma_start3A_161 = arith.constant 0 : i32
      %dma_start3A_162 = arith.constant 0 : i32
      %dma_start3A_163 = arith.constant 0 : i32
      %dma_start3A_164 = tpu.memref_slice %arg11[%dma_start3A_161, %dma_start3A_162, %dma_start3A_163] : memref<2x100x128xf32, #tpu.memory_space<vmem>> -> memref<1x100x128xf32, #tpu.memory_space<vmem>>
      %dma_start3A_165 = tpu.memref_squeeze %dma_start3A_164 : memref<1x100x128xf32, #tpu.memory_space<vmem>> -> memref<100x128xf32, #tpu.memory_space<vmem>>
      %dma_start3A_166 = arith.constant 0 : i32
      %dma_start3A_167 = tpu.memref_slice %arg9[%select_n3A_160, %dma_start3A_166] : memref<50x100xi32, #tpu.memory_space<vmem>> -> memref<1x100xi32, #tpu.memory_space<vmem>>
      %dma_start3A_168 = tpu.memref_squeeze %dma_start3A_167 : memref<1x100xi32, #tpu.memory_space<vmem>> -> memref<100xi32, #tpu.memory_space<vmem>>
      %dma_start3A_169 = arith.constant 0 : i32
      %dma_start3A_170 = arith.constant 0 : i32
      %dma_start3A_171 = tpu.memref_slice %arg2[%dma_start3A_169, %dma_start3A_170] : memref<10000x128xf32, #tpu.memory_space<hbm>> -> memref<10000x128xf32, #tpu.memory_space<hbm>>
      tpu.enqueue_indirect_dma source(%dma_start3A_171 : memref<10000x128xf32, #tpu.memory_space<hbm>>) target(%dma_start3A_165 : memref<100x128xf32, #tpu.memory_space<vmem>>) offsets(%dma_start3A_168 : memref<100xi32, #tpu.memory_space<vmem>>) semaphore(%arg13 : memref<!tpu.dma_semaphore, #tpu.memory_space<semaphore_mem>>)
      %mul3A_172 = arith.constant 2 : i32
      %mul3A_173 = arith.muli %scan3A_111, %mul3A_172 : i32
      %add3A_174 = arith.constant 1 : i32
      %add3A_175 = arith.addi %mul3A_173, %add3A_174 : i32
      %dma_wait3A_176 = arith.constant 1 : i32
      %dma_wait3A_177 = arith.constant 1 : i32
      %dma_wait3A_178 = arith.constant 0 : i32
      %dma_wait3A_179 = arith.constant 0 : i32
      %dma_wait3A_180 = tpu.memref_slice %arg11[%dma_wait3A_177, %dma_wait3A_178, %dma_wait3A_179] : memref<2x100x128xf32, #tpu.memory_space<vmem>> -> memref<1x100x128xf32, #tpu.memory_space<vmem>>
      %dma_wait3A_181 = tpu.memref_squeeze %dma_wait3A_180 : memref<1x100x128xf32, #tpu.memory_space<vmem>> -> memref<100x128xf32, #tpu.memory_space<vmem>>
      %dma_wait3A_182 = arith.constant 0 : i32
      %dma_wait3A_183 = tpu.memref_slice %arg9[%dma_wait3A_176, %dma_wait3A_182] : memref<50x100xi32, #tpu.memory_space<vmem>> -> memref<1x100xi32, #tpu.memory_space<vmem>>
      %dma_wait3A_184 = tpu.memref_squeeze %dma_wait3A_183 : memref<1x100xi32, #tpu.memory_space<vmem>> -> memref<100xi32, #tpu.memory_space<vmem>>
      %dma_wait3A_185 = arith.constant 0 : i32
      %dma_wait3A_186 = arith.constant 0 : i32
      %dma_wait3A_187 = tpu.memref_slice %arg2[%dma_wait3A_185, %dma_wait3A_186] : memref<10000x128xf32, #tpu.memory_space<hbm>> -> memref<10000x128xf32, #tpu.memory_space<hbm>>
      tpu.wait_indirect_dma semaphore(%arg14 : memref<!tpu.dma_semaphore, #tpu.memory_space<semaphore_mem>>) src(%dma_wait3A_187 : memref<10000x128xf32, #tpu.memory_space<hbm>>) dst(%dma_wait3A_181 : memref<100x128xf32, #tpu.memory_space<vmem>>)
      %dma_start3A_188 = arith.constant 1 : i32
      %dma_start3A_189 = arith.constant 0 : i32
      %dma_start3A_190 = arith.constant 0 : i32
      %dma_start3A_191 = tpu.memref_slice %arg11[%dma_start3A_188, %dma_start3A_189, %dma_start3A_190] : memref<2x100x128xf32, #tpu.memory_space<vmem>> -> memref<1x100x128xf32, #tpu.memory_space<vmem>>
      %dma_start3A_192 = tpu.memref_squeeze %dma_start3A_191 : memref<1x100x128xf32, #tpu.memory_space<vmem>> -> memref<100x128xf32, #tpu.memory_space<vmem>>
      %dma_start3A_193 = arith.constant 0 : i32
      %dma_start3A_194 = tpu.memref_slice %arg10[%add3A_175, %dma_start3A_193] : memref<50x100xi32, #tpu.memory_space<vmem>> -> memref<1x100xi32, #tpu.memory_space<vmem>>
      %dma_start3A_195 = tpu.memref_squeeze %dma_start3A_194 : memref<1x100xi32, #tpu.memory_space<vmem>> -> memref<100xi32, #tpu.memory_space<vmem>>
      %dma_start3A_196 = arith.constant 0 : i32
      %dma_start3A_197 = arith.constant 0 : i32
      %dma_start3A_198 = tpu.memref_slice %arg12[%dma_start3A_196, %dma_start3A_197] : memref<10240x128xf32, #tpu.memory_space<vmem_shared>> -> memref<10240x128xf32, #tpu.memory_space<vmem_shared>>
      tpu.enqueue_indirect_dma source(%dma_start3A_192 : memref<100x128xf32, #tpu.memory_space<vmem>>) target(%dma_start3A_198 : memref<10240x128xf32, #tpu.memory_space<vmem_shared>>) offsets(%dma_start3A_195 : memref<100xi32, #tpu.memory_space<vmem>>) semaphore(%arg14 : memref<!tpu.dma_semaphore, #tpu.memory_space<semaphore_mem>>) {add = true}
      %dma_wait3A_199 = arith.constant 1 : i32
      %dma_wait3A_200 = arith.constant 0 : i32
      %dma_wait3A_201 = arith.constant 0 : i32
      %dma_wait3A_202 = tpu.memref_slice %arg11[%dma_wait3A_199, %dma_wait3A_200, %dma_wait3A_201] : memref<2x100x128xf32, #tpu.memory_space<vmem>> -> memref<1x100x128xf32, #tpu.memory_space<vmem>>
      %dma_wait3A_203 = tpu.memref_squeeze %dma_wait3A_202 : memref<1x100x128xf32, #tpu.memory_space<vmem>> -> memref<100x128xf32, #tpu.memory_space<vmem>>
      %dma_wait3A_204 = arith.constant 0 : i32
      %dma_wait3A_205 = tpu.memref_slice %arg10[%add3A_175, %dma_wait3A_204] : memref<50x100xi32, #tpu.memory_space<vmem>> -> memref<1x100xi32, #tpu.memory_space<vmem>>
      %dma_wait3A_206 = tpu.memref_squeeze %dma_wait3A_205 : memref<1x100xi32, #tpu.memory_space<vmem>> -> memref<100xi32, #tpu.memory_space<vmem>>
      %dma_wait3A_207 = arith.constant 0 : i32
      %dma_wait3A_208 = arith.constant 0 : i32
      %dma_wait3A_209 = tpu.memref_slice %arg12[%dma_wait3A_207, %dma_wait3A_208] : memref<10240x128xf32, #tpu.memory_space<vmem_shared>> -> memref<10240x128xf32, #tpu.memory_space<vmem_shared>>
      tpu.wait_indirect_dma semaphore(%arg14 : memref<!tpu.dma_semaphore, #tpu.memory_space<semaphore_mem>>) src(%dma_wait3A_203 : memref<100x128xf32, #tpu.memory_space<vmem>>) dst(%dma_wait3A_209 : memref<10240x128xf32, #tpu.memory_space<vmem_shared>>)
      %add3A_210 = arith.constant 2 : i32
      %add3A_211 = arith.addi %add3A_175, %add3A_210 : i32
      %jit3A_212 = arith.constant 50 : i32
      %eq3A_213 = arith.constant 0 : i32
      %eq3A_214 = arith.cmpi eq, %jit3A_212, %eq3A_213 : i32
      %jit3A_215 = arith.constant 1 : i32
      %select_n3A_216 = arith.select %eq3A_214, %jit3A_215, %jit3A_212 : i32
      %rem3A_217 = arith.remsi %add3A_211, %select_n3A_216 : i32
      %ne3A_218 = arith.constant 0 : i32
      %ne3A_219 = arith.cmpi ne, %rem3A_217, %ne3A_218 : i32
      %lt3A_220 = arith.constant 0 : i32
      %lt3A_221 = arith.cmpi slt, %rem3A_217, %lt3A_220 : i32
      %lt3A_222 = arith.constant 0 : i32
      %lt3A_223 = arith.cmpi slt, %select_n3A_216, %lt3A_222 : i32
      %ne3A_224 = arith.xori %lt3A_221, %lt3A_223 : i1
      %and3A_225 = arith.andi %ne3A_224, %ne3A_219 : i1
      %add3A_226 = arith.addi %rem3A_217, %select_n3A_216 : i32
      %select_n3A_227 = arith.select %and3A_225, %add3A_226, %rem3A_217 : i32
      %dma_start3A_228 = arith.constant 1 : i32
      %dma_start3A_229 = arith.constant 0 : i32
      %dma_start3A_230 = arith.constant 0 : i32
      %dma_start3A_231 = tpu.memref_slice %arg11[%dma_start3A_228, %dma_start3A_229, %dma_start3A_230] : memref<2x100x128xf32, #tpu.memory_space<vmem>> -> memref<1x100x128xf32, #tpu.memory_space<vmem>>
      %dma_start3A_232 = tpu.memref_squeeze %dma_start3A_231 : memref<1x100x128xf32, #tpu.memory_space<vmem>> -> memref<100x128xf32, #tpu.memory_space<vmem>>
      %dma_start3A_233 = arith.constant 0 : i32
      %dma_start3A_234 = tpu.memref_slice %arg9[%select_n3A_227, %dma_start3A_233] : memref<50x100xi32, #tpu.memory_space<vmem>> -> memref<1x100xi32, #tpu.memory_space<vmem>>
      %dma_start3A_235 = tpu.memref_squeeze %dma_start3A_234 : memref<1x100xi32, #tpu.memory_space<vmem>> -> memref<100xi32, #tpu.memory_space<vmem>>
      %dma_start3A_236 = arith.constant 0 : i32
      %dma_start3A_237 = arith.constant 0 : i32
      %dma_start3A_238 = tpu.memref_slice %arg2[%dma_start3A_236, %dma_start3A_237] : memref<10000x128xf32, #tpu.memory_space<hbm>> -> memref<10000x128xf32, #tpu.memory_space<hbm>>
      tpu.enqueue_indirect_dma source(%dma_start3A_238 : memref<10000x128xf32, #tpu.memory_space<hbm>>) target(%dma_start3A_232 : memref<100x128xf32, #tpu.memory_space<vmem>>) offsets(%dma_start3A_235 : memref<100xi32, #tpu.memory_space<vmem>>) semaphore(%arg14 : memref<!tpu.dma_semaphore, #tpu.memory_space<semaphore_mem>>)
    }
    %scan3A_29 = arith.constant 25 : i32
    %dma_wait3A = arith.constant 0 : i32
    %dma_wait3A_30 = arith.constant 0 : i32
    %dma_wait3A_31 = arith.constant 0 : i32
    %dma_wait3A_32 = arith.constant 0 : i32
    %dma_wait3A_33 = tpu.memref_slice %arg11[%dma_wait3A_30, %dma_wait3A_31, %dma_wait3A_32] : memref<2x100x128xf32, #tpu.memory_space<vmem>> -> memref<1x100x128xf32, #tpu.memory_space<vmem>>
    %dma_wait3A_34 = tpu.memref_squeeze %dma_wait3A_33 : memref<1x100x128xf32, #tpu.memory_space<vmem>> -> memref<100x128xf32, #tpu.memory_space<vmem>>
    %dma_wait3A_35 = arith.constant 0 : i32
    %dma_wait3A_36 = tpu.memref_slice %arg9[%dma_wait3A, %dma_wait3A_35] : memref<50x100xi32, #tpu.memory_space<vmem>> -> memref<1x100xi32, #tpu.memory_space<vmem>>
    %dma_wait3A_37 = tpu.memref_squeeze %dma_wait3A_36 : memref<1x100xi32, #tpu.memory_space<vmem>> -> memref<100xi32, #tpu.memory_space<vmem>>
    %dma_wait3A_38 = arith.constant 0 : i32
    %dma_wait3A_39 = arith.constant 0 : i32
    %dma_wait3A_40 = tpu.memref_slice %arg2[%dma_wait3A_38, %dma_wait3A_39] : memref<10000x128xf32, #tpu.memory_space<hbm>> -> memref<10000x128xf32, #tpu.memory_space<hbm>>
    tpu.wait_indirect_dma semaphore(%arg13 : memref<!tpu.dma_semaphore, #tpu.memory_space<semaphore_mem>>) src(%dma_wait3A_40 : memref<10000x128xf32, #tpu.memory_space<hbm>>) dst(%dma_wait3A_34 : memref<100x128xf32, #tpu.memory_space<vmem>>)
    %dma_wait3A_41 = arith.constant 1 : i32
    %dma_wait3A_42 = arith.constant 1 : i32
    %dma_wait3A_43 = arith.constant 0 : i32
    %dma_wait3A_44 = arith.constant 0 : i32
    %dma_wait3A_45 = tpu.memref_slice %arg11[%dma_wait3A_42, %dma_wait3A_43, %dma_wait3A_44] : memref<2x100x128xf32, #tpu.memory_space<vmem>> -> memref<1x100x128xf32, #tpu.memory_space<vmem>>
    %dma_wait3A_46 = tpu.memref_squeeze %dma_wait3A_45 : memref<1x100x128xf32, #tpu.memory_space<vmem>> -> memref<100x128xf32, #tpu.memory_space<vmem>>
    %dma_wait3A_47 = arith.constant 0 : i32
    %dma_wait3A_48 = tpu.memref_slice %arg9[%dma_wait3A_41, %dma_wait3A_47] : memref<50x100xi32, #tpu.memory_space<vmem>> -> memref<1x100xi32, #tpu.memory_space<vmem>>
    %dma_wait3A_49 = tpu.memref_squeeze %dma_wait3A_48 : memref<1x100xi32, #tpu.memory_space<vmem>> -> memref<100xi32, #tpu.memory_space<vmem>>
    %dma_wait3A_50 = arith.constant 0 : i32
    %dma_wait3A_51 = arith.constant 0 : i32
    %dma_wait3A_52 = tpu.memref_slice %arg2[%dma_wait3A_50, %dma_wait3A_51] : memref<10000x128xf32, #tpu.memory_space<hbm>> -> memref<10000x128xf32, #tpu.memory_space<hbm>>
    tpu.wait_indirect_dma semaphore(%arg14 : memref<!tpu.dma_semaphore, #tpu.memory_space<semaphore_mem>>) src(%dma_wait3A_52 : memref<10000x128xf32, #tpu.memory_space<hbm>>) dst(%dma_wait3A_46 : memref<100x128xf32, #tpu.memory_space<vmem>>)
    "tpu.region"() ({
      %run_scoped3A = tpu.sem_alloc : memref<!tpu.dma_semaphore, #tpu.memory_space<semaphore_mem>>
      %dma_start3A_111 = arith.constant 0 : i32
      %dma_start3A_112 = arith.constant 0 : i32
      %dma_start3A_113 = tpu.memref_slice %arg4[%add3A, %dma_start3A_111, %dma_start3A_112] : memref<32x50x100xi32, #tpu.memory_space<hbm>> -> memref<1x50x100xi32, #tpu.memory_space<hbm>>
      %dma_start3A_114 = tpu.memref_squeeze %dma_start3A_113 : memref<1x50x100xi32, #tpu.memory_space<hbm>> -> memref<50x100xi32, #tpu.memory_space<hbm>>
      %dma_start3A_115 = arith.constant 0 : i32
      %dma_start3A_116 = arith.constant 0 : i32
      %dma_start3A_117 = tpu.memref_slice %arg4[%add3A, %dma_start3A_115, %dma_start3A_116] : memref<32x50x100xi32, #tpu.memory_space<hbm>> -> memref<1x50x100xi32, #tpu.memory_space<hbm>>
      %dma_start3A_118 = tpu.memref_squeeze %dma_start3A_117 : memref<1x50x100xi32, #tpu.memory_space<hbm>> -> memref<50x100xi32, #tpu.memory_space<hbm>>
      tpu.enqueue_dma source(%dma_start3A_118 : memref<50x100xi32, #tpu.memory_space<hbm>>) target(%arg9 : memref<50x100xi32, #tpu.memory_space<vmem>>) target_semaphore(%run_scoped3A : memref<!tpu.dma_semaphore, #tpu.memory_space<semaphore_mem>>)
      %dma_wait3A_119 = arith.constant 0 : i32
      %dma_wait3A_120 = arith.constant 0 : i32
      %dma_wait3A_121 = tpu.memref_slice %arg4[%add3A, %dma_wait3A_119, %dma_wait3A_120] : memref<32x50x100xi32, #tpu.memory_space<hbm>> -> memref<1x50x100xi32, #tpu.memory_space<hbm>>
      %dma_wait3A_122 = tpu.memref_squeeze %dma_wait3A_121 : memref<1x50x100xi32, #tpu.memory_space<hbm>> -> memref<50x100xi32, #tpu.memory_space<hbm>>
      %dma_wait3A_123 = arith.constant 0 : i32
      %dma_wait3A_124 = arith.constant 0 : i32
      %dma_wait3A_125 = tpu.memref_slice %arg4[%add3A, %dma_wait3A_123, %dma_wait3A_124] : memref<32x50x100xi32, #tpu.memory_space<hbm>> -> memref<1x50x100xi32, #tpu.memory_space<hbm>>
      %dma_wait3A_126 = tpu.memref_squeeze %dma_wait3A_125 : memref<1x50x100xi32, #tpu.memory_space<hbm>> -> memref<50x100xi32, #tpu.memory_space<hbm>>
      tpu.wait_dma2 semaphore(%run_scoped3A : memref<!tpu.dma_semaphore, #tpu.memory_space<semaphore_mem>>) src(%dma_wait3A_126 : memref<50x100xi32, #tpu.memory_space<hbm>>) dst(%arg9 : memref<50x100xi32, #tpu.memory_space<vmem>>)
      tpu.yield
    }) : () -> ()
    "tpu.region"() ({
      %run_scoped3A = tpu.sem_alloc : memref<!tpu.dma_semaphore, #tpu.memory_space<semaphore_mem>>
      %dma_start3A_111 = arith.constant 0 : i32
      %dma_start3A_112 = arith.constant 0 : i32
      %dma_start3A_113 = tpu.memref_slice %arg6[%add3A, %dma_start3A_111, %dma_start3A_112] : memref<32x50x100xi32, #tpu.memory_space<hbm>> -> memref<1x50x100xi32, #tpu.memory_space<hbm>>
      %dma_start3A_114 = tpu.memref_squeeze %dma_start3A_113 : memref<1x50x100xi32, #tpu.memory_space<hbm>> -> memref<50x100xi32, #tpu.memory_space<hbm>>
      %dma_start3A_115 = arith.constant 0 : i32
      %dma_start3A_116 = arith.constant 0 : i32
      %dma_start3A_117 = tpu.memref_slice %arg6[%add3A, %dma_start3A_115, %dma_start3A_116] : memref<32x50x100xi32, #tpu.memory_space<hbm>> -> memref<1x50x100xi32, #tpu.memory_space<hbm>>
      %dma_start3A_118 = tpu.memref_squeeze %dma_start3A_117 : memref<1x50x100xi32, #tpu.memory_space<hbm>> -> memref<50x100xi32, #tpu.memory_space<hbm>>
      tpu.enqueue_dma source(%dma_start3A_118 : memref<50x100xi32, #tpu.memory_space<hbm>>) target(%arg10 : memref<50x100xi32, #tpu.memory_space<vmem>>) target_semaphore(%run_scoped3A : memref<!tpu.dma_semaphore, #tpu.memory_space<semaphore_mem>>)
      %dma_wait3A_119 = arith.constant 0 : i32
      %dma_wait3A_120 = arith.constant 0 : i32
      %dma_wait3A_121 = tpu.memref_slice %arg6[%add3A, %dma_wait3A_119, %dma_wait3A_120] : memref<32x50x100xi32, #tpu.memory_space<hbm>> -> memref<1x50x100xi32, #tpu.memory_space<hbm>>
      %dma_wait3A_122 = tpu.memref_squeeze %dma_wait3A_121 : memref<1x50x100xi32, #tpu.memory_space<hbm>> -> memref<50x100xi32, #tpu.memory_space<hbm>>
      %dma_wait3A_123 = arith.constant 0 : i32
      %dma_wait3A_124 = arith.constant 0 : i32
      %dma_wait3A_125 = tpu.memref_slice %arg6[%add3A, %dma_wait3A_123, %dma_wait3A_124] : memref<32x50x100xi32, #tpu.memory_space<hbm>> -> memref<1x50x100xi32, #tpu.memory_space<hbm>>
      %dma_wait3A_126 = tpu.memref_squeeze %dma_wait3A_125 : memref<1x50x100xi32, #tpu.memory_space<hbm>> -> memref<50x100xi32, #tpu.memory_space<hbm>>
      tpu.wait_dma2 semaphore(%run_scoped3A : memref<!tpu.dma_semaphore, #tpu.memory_space<semaphore_mem>>) src(%dma_wait3A_126 : memref<50x100xi32, #tpu.memory_space<hbm>>) dst(%arg10 : memref<50x100xi32, #tpu.memory_space<vmem>>)
      tpu.yield
    }) : () -> ()
    %dma_start3A_53 = arith.constant 0 : i32
    %dma_start3A_54 = arith.constant 0 : i32
    %dma_start3A_55 = arith.constant 0 : i32
    %dma_start3A_56 = arith.constant 0 : i32
    %dma_start3A_57 = tpu.memref_slice %arg11[%dma_start3A_54, %dma_start3A_55, %dma_start3A_56] : memref<2x100x128xf32, #tpu.memory_space<vmem>> -> memref<1x100x128xf32, #tpu.memory_space<vmem>>
    %dma_start3A_58 = tpu.memref_squeeze %dma_start3A_57 : memref<1x100x128xf32, #tpu.memory_space<vmem>> -> memref<100x128xf32, #tpu.memory_space<vmem>>
    %dma_start3A_59 = arith.constant 0 : i32
    %dma_start3A_60 = tpu.memref_slice %arg9[%dma_start3A_53, %dma_start3A_59] : memref<50x100xi32, #tpu.memory_space<vmem>> -> memref<1x100xi32, #tpu.memory_space<vmem>>
    %dma_start3A_61 = tpu.memref_squeeze %dma_start3A_60 : memref<1x100xi32, #tpu.memory_space<vmem>> -> memref<100xi32, #tpu.memory_space<vmem>>
    %dma_start3A_62 = arith.constant 0 : i32
    %dma_start3A_63 = arith.constant 0 : i32
    %dma_start3A_64 = tpu.memref_slice %arg2[%dma_start3A_62, %dma_start3A_63] : memref<10000x128xf32, #tpu.memory_space<hbm>> -> memref<10000x128xf32, #tpu.memory_space<hbm>>
    tpu.enqueue_indirect_dma source(%dma_start3A_64 : memref<10000x128xf32, #tpu.memory_space<hbm>>) target(%dma_start3A_58 : memref<100x128xf32, #tpu.memory_space<vmem>>) offsets(%dma_start3A_61 : memref<100xi32, #tpu.memory_space<vmem>>) semaphore(%arg13 : memref<!tpu.dma_semaphore, #tpu.memory_space<semaphore_mem>>)
    %dma_start3A_65 = arith.constant 1 : i32
    %dma_start3A_66 = arith.constant 1 : i32
    %dma_start3A_67 = arith.constant 0 : i32
    %dma_start3A_68 = arith.constant 0 : i32
    %dma_start3A_69 = tpu.memref_slice %arg11[%dma_start3A_66, %dma_start3A_67, %dma_start3A_68] : memref<2x100x128xf32, #tpu.memory_space<vmem>> -> memref<1x100x128xf32, #tpu.memory_space<vmem>>
    %dma_start3A_70 = tpu.memref_squeeze %dma_start3A_69 : memref<1x100x128xf32, #tpu.memory_space<vmem>> -> memref<100x128xf32, #tpu.memory_space<vmem>>
    %dma_start3A_71 = arith.constant 0 : i32
    %dma_start3A_72 = tpu.memref_slice %arg9[%dma_start3A_65, %dma_start3A_71] : memref<50x100xi32, #tpu.memory_space<vmem>> -> memref<1x100xi32, #tpu.memory_space<vmem>>
    %dma_start3A_73 = tpu.memref_squeeze %dma_start3A_72 : memref<1x100xi32, #tpu.memory_space<vmem>> -> memref<100xi32, #tpu.memory_space<vmem>>
    %dma_start3A_74 = arith.constant 0 : i32
    %dma_start3A_75 = arith.constant 0 : i32
    %dma_start3A_76 = tpu.memref_slice %arg2[%dma_start3A_74, %dma_start3A_75] : memref<10000x128xf32, #tpu.memory_space<hbm>> -> memref<10000x128xf32, #tpu.memory_space<hbm>>
    tpu.enqueue_indirect_dma source(%dma_start3A_76 : memref<10000x128xf32, #tpu.memory_space<hbm>>) target(%dma_start3A_70 : memref<100x128xf32, #tpu.memory_space<vmem>>) offsets(%dma_start3A_73 : memref<100xi32, #tpu.memory_space<vmem>>) semaphore(%arg14 : memref<!tpu.dma_semaphore, #tpu.memory_space<semaphore_mem>>)
    %scan3A_77 = arith.constant 0 : i32
    %scan3A_78 = arith.constant 25 : i32
    %scan3A_79 = arith.addi %scan3A_77, %scan3A_78 : i32
    %scan3A_80 = arith.constant 1 : i32
    scf.for %scan3A_111 = %scan3A_77 to %scan3A_79 step %scan3A_80  : i32 {
      %mul3A_112 = arith.constant 2 : i32
      %mul3A_113 = arith.muli %scan3A_111, %mul3A_112 : i32
      %add3A_114 = arith.constant 0 : i32
      %add3A_115 = arith.addi %mul3A_113, %add3A_114 : i32
      %dma_wait3A_116 = arith.constant 0 : i32
      %dma_wait3A_117 = arith.constant 0 : i32
      %dma_wait3A_118 = arith.constant 0 : i32
      %dma_wait3A_119 = arith.constant 0 : i32
      %dma_wait3A_120 = tpu.memref_slice %arg11[%dma_wait3A_117, %dma_wait3A_118, %dma_wait3A_119] : memref<2x100x128xf32, #tpu.memory_space<vmem>> -> memref<1x100x128xf32, #tpu.memory_space<vmem>>
      %dma_wait3A_121 = tpu.memref_squeeze %dma_wait3A_120 : memref<1x100x128xf32, #tpu.memory_space<vmem>> -> memref<100x128xf32, #tpu.memory_space<vmem>>
      %dma_wait3A_122 = arith.constant 0 : i32
      %dma_wait3A_123 = tpu.memref_slice %arg9[%dma_wait3A_116, %dma_wait3A_122] : memref<50x100xi32, #tpu.memory_space<vmem>> -> memref<1x100xi32, #tpu.memory_space<vmem>>
      %dma_wait3A_124 = tpu.memref_squeeze %dma_wait3A_123 : memref<1x100xi32, #tpu.memory_space<vmem>> -> memref<100xi32, #tpu.memory_space<vmem>>
      %dma_wait3A_125 = arith.constant 0 : i32
      %dma_wait3A_126 = arith.constant 0 : i32
      %dma_wait3A_127 = tpu.memref_slice %arg2[%dma_wait3A_125, %dma_wait3A_126] : memref<10000x128xf32, #tpu.memory_space<hbm>> -> memref<10000x128xf32, #tpu.memory_space<hbm>>
      tpu.wait_indirect_dma semaphore(%arg13 : memref<!tpu.dma_semaphore, #tpu.memory_space<semaphore_mem>>) src(%dma_wait3A_127 : memref<10000x128xf32, #tpu.memory_space<hbm>>) dst(%dma_wait3A_121 : memref<100x128xf32, #tpu.memory_space<vmem>>)
      %dma_start3A_128 = arith.constant 0 : i32
      %dma_start3A_129 = arith.constant 0 : i32
      %dma_start3A_130 = arith.constant 0 : i32
      %dma_start3A_131 = tpu.memref_slice %arg11[%dma_start3A_128, %dma_start3A_129, %dma_start3A_130] : memref<2x100x128xf32, #tpu.memory_space<vmem>> -> memref<1x100x128xf32, #tpu.memory_space<vmem>>
      %dma_start3A_132 = tpu.memref_squeeze %dma_start3A_131 : memref<1x100x128xf32, #tpu.memory_space<vmem>> -> memref<100x128xf32, #tpu.memory_space<vmem>>
      %dma_start3A_133 = arith.constant 0 : i32
      %dma_start3A_134 = tpu.memref_slice %arg10[%add3A_115, %dma_start3A_133] : memref<50x100xi32, #tpu.memory_space<vmem>> -> memref<1x100xi32, #tpu.memory_space<vmem>>
      %dma_start3A_135 = tpu.memref_squeeze %dma_start3A_134 : memref<1x100xi32, #tpu.memory_space<vmem>> -> memref<100xi32, #tpu.memory_space<vmem>>
      %dma_start3A_136 = arith.constant 0 : i32
      %dma_start3A_137 = arith.constant 0 : i32
      %dma_start3A_138 = tpu.memref_slice %arg12[%dma_start3A_136, %dma_start3A_137] : memref<10240x128xf32, #tpu.memory_space<vmem_shared>> -> memref<10240x128xf32, #tpu.memory_space<vmem_shared>>
      tpu.enqueue_indirect_dma source(%dma_start3A_132 : memref<100x128xf32, #tpu.memory_space<vmem>>) target(%dma_start3A_138 : memref<10240x128xf32, #tpu.memory_space<vmem_shared>>) offsets(%dma_start3A_135 : memref<100xi32, #tpu.memory_space<vmem>>) semaphore(%arg13 : memref<!tpu.dma_semaphore, #tpu.memory_space<semaphore_mem>>) {add = true}
      %dma_wait3A_139 = arith.constant 0 : i32
      %dma_wait3A_140 = arith.constant 0 : i32
      %dma_wait3A_141 = arith.constant 0 : i32
      %dma_wait3A_142 = tpu.memref_slice %arg11[%dma_wait3A_139, %dma_wait3A_140, %dma_wait3A_141] : memref<2x100x128xf32, #tpu.memory_space<vmem>> -> memref<1x100x128xf32, #tpu.memory_space<vmem>>
      %dma_wait3A_143 = tpu.memref_squeeze %dma_wait3A_142 : memref<1x100x128xf32, #tpu.memory_space<vmem>> -> memref<100x128xf32, #tpu.memory_space<vmem>>
      %dma_wait3A_144 = arith.constant 0 : i32
      %dma_wait3A_145 = tpu.memref_slice %arg10[%add3A_115, %dma_wait3A_144] : memref<50x100xi32, #tpu.memory_space<vmem>> -> memref<1x100xi32, #tpu.memory_space<vmem>>
      %dma_wait3A_146 = tpu.memref_squeeze %dma_wait3A_145 : memref<1x100xi32, #tpu.memory_space<vmem>> -> memref<100xi32, #tpu.memory_space<vmem>>
      %dma_wait3A_147 = arith.constant 0 : i32
      %dma_wait3A_148 = arith.constant 0 : i32
      %dma_wait3A_149 = tpu.memref_slice %arg12[%dma_wait3A_147, %dma_wait3A_148] : memref<10240x128xf32, #tpu.memory_space<vmem_shared>> -> memref<10240x128xf32, #tpu.memory_space<vmem_shared>>
      tpu.wait_indirect_dma semaphore(%arg13 : memref<!tpu.dma_semaphore, #tpu.memory_space<semaphore_mem>>) src(%dma_wait3A_143 : memref<100x128xf32, #tpu.memory_space<vmem>>) dst(%dma_wait3A_149 : memref<10240x128xf32, #tpu.memory_space<vmem_shared>>)
      %add3A_150 = arith.constant 2 : i32
      %add3A_151 = arith.addi %add3A_115, %add3A_150 : i32
      %jit3A = arith.constant 50 : i32
      %eq3A = arith.constant 0 : i32
      %eq3A_152 = arith.cmpi eq, %jit3A, %eq3A : i32
      %jit3A_153 = arith.constant 1 : i32
      %select_n3A = arith.select %eq3A_152, %jit3A_153, %jit3A : i32
      %rem3A = arith.remsi %add3A_151, %select_n3A : i32
      %ne3A = arith.constant 0 : i32
      %ne3A_154 = arith.cmpi ne, %rem3A, %ne3A : i32
      %lt3A = arith.constant 0 : i32
      %lt3A_155 = arith.cmpi slt, %rem3A, %lt3A : i32
      %lt3A_156 = arith.constant 0 : i32
      %lt3A_157 = arith.cmpi slt, %select_n3A, %lt3A_156 : i32
      %ne3A_158 = arith.xori %lt3A_155, %lt3A_157 : i1
      %and3A = arith.andi %ne3A_158, %ne3A_154 : i1
      %add3A_159 = arith.addi %rem3A, %select_n3A : i32
      %select_n3A_160 = arith.select %and3A, %add3A_159, %rem3A : i32
      %dma_start3A_161 = arith.constant 0 : i32
      %dma_start3A_162 = arith.constant 0 : i32
      %dma_start3A_163 = arith.constant 0 : i32
      %dma_start3A_164 = tpu.memref_slice %arg11[%dma_start3A_161, %dma_start3A_162, %dma_start3A_163] : memref<2x100x128xf32, #tpu.memory_space<vmem>> -> memref<1x100x128xf32, #tpu.memory_space<vmem>>
      %dma_start3A_165 = tpu.memref_squeeze %dma_start3A_164 : memref<1x100x128xf32, #tpu.memory_space<vmem>> -> memref<100x128xf32, #tpu.memory_space<vmem>>
      %dma_start3A_166 = arith.constant 0 : i32
      %dma_start3A_167 = tpu.memref_slice %arg9[%select_n3A_160, %dma_start3A_166] : memref<50x100xi32, #tpu.memory_space<vmem>> -> memref<1x100xi32, #tpu.memory_space<vmem>>
      %dma_start3A_168 = tpu.memref_squeeze %dma_start3A_167 : memref<1x100xi32, #tpu.memory_space<vmem>> -> memref<100xi32, #tpu.memory_space<vmem>>
      %dma_start3A_169 = arith.constant 0 : i32
      %dma_start3A_170 = arith.constant 0 : i32
      %dma_start3A_171 = tpu.memref_slice %arg2[%dma_start3A_169, %dma_start3A_170] : memref<10000x128xf32, #tpu.memory_space<hbm>> -> memref<10000x128xf32, #tpu.memory_space<hbm>>
      tpu.enqueue_indirect_dma source(%dma_start3A_171 : memref<10000x128xf32, #tpu.memory_space<hbm>>) target(%dma_start3A_165 : memref<100x128xf32, #tpu.memory_space<vmem>>) offsets(%dma_start3A_168 : memref<100xi32, #tpu.memory_space<vmem>>) semaphore(%arg13 : memref<!tpu.dma_semaphore, #tpu.memory_space<semaphore_mem>>)
      %mul3A_172 = arith.constant 2 : i32
      %mul3A_173 = arith.muli %scan3A_111, %mul3A_172 : i32
      %add3A_174 = arith.constant 1 : i32
      %add3A_175 = arith.addi %mul3A_173, %add3A_174 : i32
      %dma_wait3A_176 = arith.constant 1 : i32
      %dma_wait3A_177 = arith.constant 1 : i32
      %dma_wait3A_178 = arith.constant 0 : i32
      %dma_wait3A_179 = arith.constant 0 : i32
      %dma_wait3A_180 = tpu.memref_slice %arg11[%dma_wait3A_177, %dma_wait3A_178, %dma_wait3A_179] : memref<2x100x128xf32, #tpu.memory_space<vmem>> -> memref<1x100x128xf32, #tpu.memory_space<vmem>>
      %dma_wait3A_181 = tpu.memref_squeeze %dma_wait3A_180 : memref<1x100x128xf32, #tpu.memory_space<vmem>> -> memref<100x128xf32, #tpu.memory_space<vmem>>
      %dma_wait3A_182 = arith.constant 0 : i32
      %dma_wait3A_183 = tpu.memref_slice %arg9[%dma_wait3A_176, %dma_wait3A_182] : memref<50x100xi32, #tpu.memory_space<vmem>> -> memref<1x100xi32, #tpu.memory_space<vmem>>
      %dma_wait3A_184 = tpu.memref_squeeze %dma_wait3A_183 : memref<1x100xi32, #tpu.memory_space<vmem>> -> memref<100xi32, #tpu.memory_space<vmem>>
      %dma_wait3A_185 = arith.constant 0 : i32
      %dma_wait3A_186 = arith.constant 0 : i32
      %dma_wait3A_187 = tpu.memref_slice %arg2[%dma_wait3A_185, %dma_wait3A_186] : memref<10000x128xf32, #tpu.memory_space<hbm>> -> memref<10000x128xf32, #tpu.memory_space<hbm>>
      tpu.wait_indirect_dma semaphore(%arg14 : memref<!tpu.dma_semaphore, #tpu.memory_space<semaphore_mem>>) src(%dma_wait3A_187 : memref<10000x128xf32, #tpu.memory_space<hbm>>) dst(%dma_wait3A_181 : memref<100x128xf32, #tpu.memory_space<vmem>>)
      %dma_start3A_188 = arith.constant 1 : i32
      %dma_start3A_189 = arith.constant 0 : i32
      %dma_start3A_190 = arith.constant 0 : i32
      %dma_start3A_191 = tpu.memref_slice %arg11[%dma_start3A_188, %dma_start3A_189, %dma_start3A_190] : memref<2x100x128xf32, #tpu.memory_space<vmem>> -> memref<1x100x128xf32, #tpu.memory_space<vmem>>
      %dma_start3A_192 = tpu.memref_squeeze %dma_start3A_191 : memref<1x100x128xf32, #tpu.memory_space<vmem>> -> memref<100x128xf32, #tpu.memory_space<vmem>>
      %dma_start3A_193 = arith.constant 0 : i32
      %dma_start3A_194 = tpu.memref_slice %arg10[%add3A_175, %dma_start3A_193] : memref<50x100xi32, #tpu.memory_space<vmem>> -> memref<1x100xi32, #tpu.memory_space<vmem>>
      %dma_start3A_195 = tpu.memref_squeeze %dma_start3A_194 : memref<1x100xi32, #tpu.memory_space<vmem>> -> memref<100xi32, #tpu.memory_space<vmem>>
      %dma_start3A_196 = arith.constant 0 : i32
      %dma_start3A_197 = arith.constant 0 : i32
      %dma_start3A_198 = tpu.memref_slice %arg12[%dma_start3A_196, %dma_start3A_197] : memref<10240x128xf32, #tpu.memory_space<vmem_shared>> -> memref<10240x128xf32, #tpu.memory_space<vmem_shared>>
      tpu.enqueue_indirect_dma source(%dma_start3A_192 : memref<100x128xf32, #tpu.memory_space<vmem>>) target(%dma_start3A_198 : memref<10240x128xf32, #tpu.memory_space<vmem_shared>>) offsets(%dma_start3A_195 : memref<100xi32, #tpu.memory_space<vmem>>) semaphore(%arg14 : memref<!tpu.dma_semaphore, #tpu.memory_space<semaphore_mem>>) {add = true}
      %dma_wait3A_199 = arith.constant 1 : i32
      %dma_wait3A_200 = arith.constant 0 : i32
      %dma_wait3A_201 = arith.constant 0 : i32
      %dma_wait3A_202 = tpu.memref_slice %arg11[%dma_wait3A_199, %dma_wait3A_200, %dma_wait3A_201] : memref<2x100x128xf32, #tpu.memory_space<vmem>> -> memref<1x100x128xf32, #tpu.memory_space<vmem>>
      %dma_wait3A_203 = tpu.memref_squeeze %dma_wait3A_202 : memref<1x100x128xf32, #tpu.memory_space<vmem>> -> memref<100x128xf32, #tpu.memory_space<vmem>>
      %dma_wait3A_204 = arith.constant 0 : i32
      %dma_wait3A_205 = tpu.memref_slice %arg10[%add3A_175, %dma_wait3A_204] : memref<50x100xi32, #tpu.memory_space<vmem>> -> memref<1x100xi32, #tpu.memory_space<vmem>>
      %dma_wait3A_206 = tpu.memref_squeeze %dma_wait3A_205 : memref<1x100xi32, #tpu.memory_space<vmem>> -> memref<100xi32, #tpu.memory_space<vmem>>
      %dma_wait3A_207 = arith.constant 0 : i32
      %dma_wait3A_208 = arith.constant 0 : i32
      %dma_wait3A_209 = tpu.memref_slice %arg12[%dma_wait3A_207, %dma_wait3A_208] : memref<10240x128xf32, #tpu.memory_space<vmem_shared>> -> memref<10240x128xf32, #tpu.memory_space<vmem_shared>>
      tpu.wait_indirect_dma semaphore(%arg14 : memref<!tpu.dma_semaphore, #tpu.memory_space<semaphore_mem>>) src(%dma_wait3A_203 : memref<100x128xf32, #tpu.memory_space<vmem>>) dst(%dma_wait3A_209 : memref<10240x128xf32, #tpu.memory_space<vmem_shared>>)
      %add3A_210 = arith.constant 2 : i32
      %add3A_211 = arith.addi %add3A_175, %add3A_210 : i32
      %jit3A_212 = arith.constant 50 : i32
      %eq3A_213 = arith.constant 0 : i32
      %eq3A_214 = arith.cmpi eq, %jit3A_212, %eq3A_213 : i32
      %jit3A_215 = arith.constant 1 : i32
      %select_n3A_216 = arith.select %eq3A_214, %jit3A_215, %jit3A_212 : i32
      %rem3A_217 = arith.remsi %add3A_211, %select_n3A_216 : i32
      %ne3A_218 = arith.constant 0 : i32
      %ne3A_219 = arith.cmpi ne, %rem3A_217, %ne3A_218 : i32
      %lt3A_220 = arith.constant 0 : i32
      %lt3A_221 = arith.cmpi slt, %rem3A_217, %lt3A_220 : i32
      %lt3A_222 = arith.constant 0 : i32
      %lt3A_223 = arith.cmpi slt, %select_n3A_216, %lt3A_222 : i32
      %ne3A_224 = arith.xori %lt3A_221, %lt3A_223 : i1
      %and3A_225 = arith.andi %ne3A_224, %ne3A_219 : i1
      %add3A_226 = arith.addi %rem3A_217, %select_n3A_216 : i32
      %select_n3A_227 = arith.select %and3A_225, %add3A_226, %rem3A_217 : i32
      %dma_start3A_228 = arith.constant 1 : i32
      %dma_start3A_229 = arith.constant 0 : i32
      %dma_start3A_230 = arith.constant 0 : i32
      %dma_start3A_231 = tpu.memref_slice %arg11[%dma_start3A_228, %dma_start3A_229, %dma_start3A_230] : memref<2x100x128xf32, #tpu.memory_space<vmem>> -> memref<1x100x128xf32, #tpu.memory_space<vmem>>
      %dma_start3A_232 = tpu.memref_squeeze %dma_start3A_231 : memref<1x100x128xf32, #tpu.memory_space<vmem>> -> memref<100x128xf32, #tpu.memory_space<vmem>>
      %dma_start3A_233 = arith.constant 0 : i32
      %dma_start3A_234 = tpu.memref_slice %arg9[%select_n3A_227, %dma_start3A_233] : memref<50x100xi32, #tpu.memory_space<vmem>> -> memref<1x100xi32, #tpu.memory_space<vmem>>
      %dma_start3A_235 = tpu.memref_squeeze %dma_start3A_234 : memref<1x100xi32, #tpu.memory_space<vmem>> -> memref<100xi32, #tpu.memory_space<vmem>>
      %dma_start3A_236 = arith.constant 0 : i32
      %dma_start3A_237 = arith.constant 0 : i32
      %dma_start3A_238 = tpu.memref_slice %arg2[%dma_start3A_236, %dma_start3A_237] : memref<10000x128xf32, #tpu.memory_space<hbm>> -> memref<10000x128xf32, #tpu.memory_space<hbm>>
      tpu.enqueue_indirect_dma source(%dma_start3A_238 : memref<10000x128xf32, #tpu.memory_space<hbm>>) target(%dma_start3A_232 : memref<100x128xf32, #tpu.memory_space<vmem>>) offsets(%dma_start3A_235 : memref<100xi32, #tpu.memory_space<vmem>>) semaphore(%arg14 : memref<!tpu.dma_semaphore, #tpu.memory_space<semaphore_mem>>)
    }
    %scan3A_81 = arith.constant 25 : i32
    %dma_wait3A_82 = arith.constant 0 : i32
    %dma_wait3A_83 = arith.constant 0 : i32
    %dma_wait3A_84 = arith.constant 0 : i32
    %dma_wait3A_85 = arith.constant 0 : i32
    %dma_wait3A_86 = tpu.memref_slice %arg11[%dma_wait3A_83, %dma_wait3A_84, %dma_wait3A_85] : memref<2x100x128xf32, #tpu.memory_space<vmem>> -> memref<1x100x128xf32, #tpu.memory_space<vmem>>
    %dma_wait3A_87 = tpu.memref_squeeze %dma_wait3A_86 : memref<1x100x128xf32, #tpu.memory_space<vmem>> -> memref<100x128xf32, #tpu.memory_space<vmem>>
    %dma_wait3A_88 = arith.constant 0 : i32
    %dma_wait3A_89 = tpu.memref_slice %arg9[%dma_wait3A_82, %dma_wait3A_88] : memref<50x100xi32, #tpu.memory_space<vmem>> -> memref<1x100xi32, #tpu.memory_space<vmem>>
    %dma_wait3A_90 = tpu.memref_squeeze %dma_wait3A_89 : memref<1x100xi32, #tpu.memory_space<vmem>> -> memref<100xi32, #tpu.memory_space<vmem>>
    %dma_wait3A_91 = arith.constant 0 : i32
    %dma_wait3A_92 = arith.constant 0 : i32
    %dma_wait3A_93 = tpu.memref_slice %arg2[%dma_wait3A_91, %dma_wait3A_92] : memref<10000x128xf32, #tpu.memory_space<hbm>> -> memref<10000x128xf32, #tpu.memory_space<hbm>>
    tpu.wait_indirect_dma semaphore(%arg13 : memref<!tpu.dma_semaphore, #tpu.memory_space<semaphore_mem>>) src(%dma_wait3A_93 : memref<10000x128xf32, #tpu.memory_space<hbm>>) dst(%dma_wait3A_87 : memref<100x128xf32, #tpu.memory_space<vmem>>)
    %dma_wait3A_94 = arith.constant 1 : i32
    %dma_wait3A_95 = arith.constant 1 : i32
    %dma_wait3A_96 = arith.constant 0 : i32
    %dma_wait3A_97 = arith.constant 0 : i32
    %dma_wait3A_98 = tpu.memref_slice %arg11[%dma_wait3A_95, %dma_wait3A_96, %dma_wait3A_97] : memref<2x100x128xf32, #tpu.memory_space<vmem>> -> memref<1x100x128xf32, #tpu.memory_space<vmem>>
    %dma_wait3A_99 = tpu.memref_squeeze %dma_wait3A_98 : memref<1x100x128xf32, #tpu.memory_space<vmem>> -> memref<100x128xf32, #tpu.memory_space<vmem>>
    %dma_wait3A_100 = arith.constant 0 : i32
    %dma_wait3A_101 = tpu.memref_slice %arg9[%dma_wait3A_94, %dma_wait3A_100] : memref<50x100xi32, #tpu.memory_space<vmem>> -> memref<1x100xi32, #tpu.memory_space<vmem>>
    %dma_wait3A_102 = tpu.memref_squeeze %dma_wait3A_101 : memref<1x100xi32, #tpu.memory_space<vmem>> -> memref<100xi32, #tpu.memory_space<vmem>>
    %dma_wait3A_103 = arith.constant 0 : i32
    %dma_wait3A_104 = arith.constant 0 : i32
    %dma_wait3A_105 = tpu.memref_slice %arg2[%dma_wait3A_103, %dma_wait3A_104] : memref<10000x128xf32, #tpu.memory_space<hbm>> -> memref<10000x128xf32, #tpu.memory_space<hbm>>
    tpu.wait_indirect_dma semaphore(%arg14 : memref<!tpu.dma_semaphore, #tpu.memory_space<semaphore_mem>>) src(%dma_wait3A_105 : memref<10000x128xf32, #tpu.memory_space<hbm>>) dst(%dma_wait3A_99 : memref<100x128xf32, #tpu.memory_space<vmem>>)
    %barrier3A_106 = arith.constant 0 : index
    tpu.barrier barrier_id(%barrier3A_106)
    %mul3A_107 = arith.constant 640 : i32
    %mul3A_108 = arith.muli %arg1, %mul3A_107 : i32
    %mul3A_109 = arith.constant 640 : i32
    %mul3A_110 = arith.muli %arg1, %mul3A_109 : i32
    "tpu.region"() ({
      %run_scoped3A = tpu.sem_alloc : memref<!tpu.dma_semaphore, #tpu.memory_space<semaphore_mem>>
      %dma_start3A_111 = arith.constant 0 : i32
      %dma_start3A_112 = tpu.memref_slice %arg8[%arg0, %mul3A_110, %dma_start3A_111] : memref<2x10240x128xf32, #tpu.memory_space<hbm>> -> memref<1x640x128xf32, #tpu.memory_space<hbm>>
      %dma_start3A_113 = tpu.memref_squeeze %dma_start3A_112 : memref<1x640x128xf32, #tpu.memory_space<hbm>> -> memref<640x128xf32, #tpu.memory_space<hbm>>
      %dma_start3A_114 = arith.constant 0 : i32
      %dma_start3A_115 = tpu.memref_slice %arg12[%mul3A_108, %dma_start3A_114] : memref<10240x128xf32, #tpu.memory_space<vmem_shared>> -> memref<640x128xf32, #tpu.memory_space<vmem_shared>>
      tpu.enqueue_dma source(%dma_start3A_115 : memref<640x128xf32, #tpu.memory_space<vmem_shared>>) target(%dma_start3A_113 : memref<640x128xf32, #tpu.memory_space<hbm>>) target_semaphore(%run_scoped3A : memref<!tpu.dma_semaphore, #tpu.memory_space<semaphore_mem>>)
      %dma_wait3A_116 = arith.constant 0 : i32
      %dma_wait3A_117 = tpu.memref_slice %arg8[%arg0, %mul3A_110, %dma_wait3A_116] : memref<2x10240x128xf32, #tpu.memory_space<hbm>> -> memref<1x640x128xf32, #tpu.memory_space<hbm>>
      %dma_wait3A_118 = tpu.memref_squeeze %dma_wait3A_117 : memref<1x640x128xf32, #tpu.memory_space<hbm>> -> memref<640x128xf32, #tpu.memory_space<hbm>>
      %dma_wait3A_119 = arith.constant 0 : i32
      %dma_wait3A_120 = tpu.memref_slice %arg12[%mul3A_108, %dma_wait3A_119] : memref<10240x128xf32, #tpu.memory_space<vmem_shared>> -> memref<640x128xf32, #tpu.memory_space<vmem_shared>>
      tpu.wait_dma2 semaphore(%run_scoped3A : memref<!tpu.dma_semaphore, #tpu.memory_space<semaphore_mem>>) src(%dma_wait3A_120 : memref<640x128xf32, #tpu.memory_space<vmem_shared>>) dst(%dma_wait3A_118 : memref<640x128xf32, #tpu.memory_space<hbm>>)
      tpu.yield
    }) : () -> ()
    return
  }
}

module attributes {stable_mosaic.version = 14 : i64} {
  func.func @_tc_input_body(%arg0: i32, %arg1: memref<2000x128xf32, #tpu.memory_space<vmem>>, %arg2: memref<128x128xf32, #tpu.memory_space<vmem>>, %arg3: memref<1x128xf32, #tpu.memory_space<vmem>>, %arg4: memref<2x2000x128xf32, #tpu.memory_space<vmem>>, %arg5: memref<2000x128xf32, #tpu.memory_space<vmem>>, %arg6: memref<2000x128xf32, #tpu.memory_space<vmem>>, %arg7: memref<1x128xf32, #tpu.memory_space<vmem>>, %arg8: memref<1x128xf32, #tpu.memory_space<vmem>>) attributes {dimension_semantics = [#tpu.dimension_semantics<arbitrary>], iteration_bounds = array<i64: 5>, scalar_prefetch = 0 : i64, scratch_operands = 1 : i64, tpu.core_type = #tpu.core_type<tc>, window_params = [{transform_indices = @transform_0, window_bounds = array<i64: 2000, 128>}, {pipeline_mode = #tpu.pipeline_mode<synchronous>, transform_indices = @transform_1, window_bounds = array<i64: 128, 128>}, {pipeline_mode = #tpu.pipeline_mode<synchronous>, transform_indices = @transform_2, window_bounds = array<i64: 1, 128>}, {transform_indices = @transform_3, window_bounds = array<i64: 2, 2000, 128>}, {transform_indices = @transform_4, window_bounds = array<i64: 2000, 128>}, {transform_indices = @transform_5, window_bounds = array<i64: 2000, 128>}, {pipeline_mode = #tpu.pipeline_mode<synchronous>, transform_indices = @transform_6, window_bounds = array<i64: 1, 128>}]} {
    %get3A = arith.constant 0 : index
    %get3A_0 = arith.constant 0 : index
    %get3A_1 = vector.load %arg1[%get3A, %get3A_0] : memref<2000x128xf32, #tpu.memory_space<vmem>>, vector<2000x128xf32>
    %get3A_2 = arith.constant 0 : index
    %get3A_3 = arith.constant 0 : index
    %get3A_4 = vector.load %arg2[%get3A_2, %get3A_3] : memref<128x128xf32, #tpu.memory_space<vmem>>, vector<128x128xf32>
    %dot_general3A = arith.constant dense<0.000000e+00> : vector<2000x128xf32>
    %dot_general3A_5 = tpu.matmul %get3A_1, %get3A_4, %dot_general3A {dimension_numbers = #tpu.dot_dimension_numbers<[1], [0], [0], [1], [0, 0, 1, 1], [], []>, transpose_lhs_hint = false} : vector<2000x128xf32>, vector<128x128xf32>, vector<2000x128xf32> -> vector<2000x128xf32>
    %get3A_6 = arith.constant 0 : index
    %get3A_7 = arith.constant 0 : index
    %get3A_8 = vector.load %arg3[%get3A_6, %get3A_7] : memref<1x128xf32, #tpu.memory_space<vmem>>, vector<1x128xf32>
    %add3A = vector.broadcast %get3A_8 : vector<1x128xf32> to vector<2000x128xf32>
    %add3A_9 = arith.addf %dot_general3A_5, %add3A : vector<2000x128xf32>
    %get3A_10 = arith.constant 0 : index
    %get3A_11 = arith.constant 0 : index
    %get3A_12 = arith.constant 0 : index
    %get3A_13 = vector.load %arg4[%get3A_10, %get3A_11, %get3A_12] : memref<2x2000x128xf32, #tpu.memory_space<vmem>>, vector<1x2000x1xf32>
    %get3A_14 = vector.shape_cast %get3A_13 : vector<1x2000x1xf32> to vector<2000x1xf32>
    %get3A_15 = arith.constant 1 : index
    %get3A_16 = arith.constant 0 : index
    %get3A_17 = arith.constant 0 : index
    %get3A_18 = vector.load %arg4[%get3A_15, %get3A_16, %get3A_17] : memref<2x2000x128xf32, #tpu.memory_space<vmem>>, vector<1x2000x1xf32>
    %get3A_19 = vector.shape_cast %get3A_18 : vector<1x2000x1xf32> to vector<2000x1xf32>
    %add3A_20 = arith.addf %get3A_14, %get3A_19 : vector<2000x1xf32>
    %add3A_21 = arith.constant 1.000000e+00 : f32
    %add3A_22 = vector.broadcast %add3A_21 : f32 to vector<2000x1xf32>
    %add3A_23 = arith.addf %add3A_20, %add3A_22 : vector<2000x1xf32>
    %rsqrt3A = math.rsqrt %add3A_23 : vector<2000x1xf32>
    %swap3A = arith.constant 0 : index
    %swap3A_24 = arith.constant 0 : index
    %swap3A_25 = vector.load %arg5[%swap3A, %swap3A_24] : memref<2000x128xf32, #tpu.memory_space<vmem>>, vector<2000x128xf32>
    tpu.vector_store %arg5[%swap3A, %swap3A_24], %add3A_9 {strides = array<i32>} : memref<2000x128xf32, #tpu.memory_space<vmem>>, vector<2000x128xf32>,
    %mul3A = vector.broadcast %rsqrt3A : vector<2000x1xf32> to vector<2000x128xf32>
    %mul3A_26 = arith.mulf %add3A_9, %mul3A : vector<2000x128xf32>
    %swap3A_27 = arith.constant 0 : index
    %swap3A_28 = arith.constant 0 : index
    %swap3A_29 = vector.load %arg6[%swap3A_27, %swap3A_28] : memref<2000x128xf32, #tpu.memory_space<vmem>>, vector<2000x128xf32>
    tpu.vector_store %arg6[%swap3A_27, %swap3A_28], %mul3A_26 {strides = array<i32>} : memref<2000x128xf32, #tpu.memory_space<vmem>>, vector<2000x128xf32>,
    %eq3A = arith.constant 0 : i32
    %eq3A_30 = arith.cmpi eq, %arg0, %eq3A : i32
    %convert_element_type3A = arith.extui %eq3A_30 : i1 to i32
    %cond3A = arith.constant 0 : i32
    %cond3A_31 = arith.cmpi ne, %convert_element_type3A, %cond3A : i32
    scf.if %cond3A_31 {
      %broadcast_in_dim3A_45 = arith.constant 0.000000e+00 : f32
      %broadcast_in_dim3A_46 = vector.broadcast %broadcast_in_dim3A_45 : f32 to vector<1x128xf32>
      %swap3A_47 = arith.constant 0 : index
      %swap3A_48 = arith.constant 0 : index
      %swap3A_49 = vector.load %arg8[%swap3A_47, %swap3A_48] : memref<1x128xf32, #tpu.memory_space<vmem>>, vector<1x128xf32>
      tpu.vector_store %arg8[%swap3A_47, %swap3A_48], %broadcast_in_dim3A_46 {strides = array<i32>} : memref<1x128xf32, #tpu.memory_space<vmem>>, vector<1x128xf32>,
    } else {
    }
    %get3A_32 = arith.constant 0 : index
    %get3A_33 = arith.constant 0 : index
    %get3A_34 = vector.load %arg8[%get3A_32, %get3A_33] : memref<1x128xf32, #tpu.memory_space<vmem>>, vector<1x128xf32>
    %reduce_sum3A = arith.constant dense<0.000000e+00> : vector<128xf32>
    %reduce_sum3A_35 = vector.multi_reduction <add>, %add3A_9, %reduce_sum3A [0] : vector<2000x128xf32> to vector<128xf32>
    %broadcast_in_dim3A = vector.shape_cast %reduce_sum3A_35 : vector<128xf32> to vector<1x128xf32>
    %add3A_36 = arith.addf %get3A_34, %broadcast_in_dim3A : vector<1x128xf32>
    %swap3A_37 = arith.constant 0 : index
    %swap3A_38 = arith.constant 0 : index
    %swap3A_39 = vector.load %arg8[%swap3A_37, %swap3A_38] : memref<1x128xf32, #tpu.memory_space<vmem>>, vector<1x128xf32>
    tpu.vector_store %arg8[%swap3A_37, %swap3A_38], %add3A_36 {strides = array<i32>} : memref<1x128xf32, #tpu.memory_space<vmem>>, vector<1x128xf32>,
    %eq3A_40 = arith.constant 4 : i32
    %eq3A_41 = arith.cmpi eq, %arg0, %eq3A_40 : i32
    %convert_element_type3A_42 = arith.extui %eq3A_41 : i1 to i32
    %cond3A_43 = arith.constant 0 : i32
    %cond3A_44 = arith.cmpi ne, %convert_element_type3A_42, %cond3A_43 : i32
    scf.if %cond3A_44 {
      %get3A_45 = arith.constant 0 : index
      %get3A_46 = arith.constant 0 : index
      %get3A_47 = vector.load %arg8[%get3A_45, %get3A_46] : memref<1x128xf32, #tpu.memory_space<vmem>>, vector<1x128xf32>
      %mul3A_48 = arith.constant 9.99999974E-5 : f32
      %mul3A_49 = vector.broadcast %mul3A_48 : f32 to vector<1x128xf32>
      %mul3A_50 = arith.mulf %get3A_47, %mul3A_49 : vector<1x128xf32>
      %swap3A_51 = arith.constant 0 : index
      %swap3A_52 = arith.constant 0 : index
      %swap3A_53 = vector.load %arg7[%swap3A_51, %swap3A_52] : memref<1x128xf32, #tpu.memory_space<vmem>>, vector<1x128xf32>
      tpu.vector_store %arg7[%swap3A_51, %swap3A_52], %mul3A_50 {strides = array<i32>} : memref<1x128xf32, #tpu.memory_space<vmem>>, vector<1x128xf32>,
    } else {
    }
    return
  }
  func.func @transform_0(%arg0: i32) -> (i32, i32) {
    %c0_i32 = arith.constant 0 : i32
    %c0_i32_0 = arith.constant 0 : i32
    return %arg0, %c0_i32 : i32, i32
  }
  func.func @transform_1(%arg0: i32) -> (i32, i32) {
    %c0_i32 = arith.constant 0 : i32
    %c0_i32_0 = arith.constant 0 : i32
    %c0_i32_1 = arith.constant 0 : i32
    return %c0_i32, %c0_i32_0 : i32, i32
  }
  func.func @transform_2(%arg0: i32) -> (i32, i32) {
    %c0_i32 = arith.constant 0 : i32
    %c0_i32_0 = arith.constant 0 : i32
    %c0_i32_1 = arith.constant 0 : i32
    return %c0_i32, %c0_i32_0 : i32, i32
  }
  func.func @transform_3(%arg0: i32) -> (i32, i32, i32) {
    %c0_i32 = arith.constant 0 : i32
    %c0_i32_0 = arith.constant 0 : i32
    %c0_i32_1 = arith.constant 0 : i32
    return %c0_i32, %arg0, %c0_i32_0 : i32, i32, i32
  }
  func.func @transform_4(%arg0: i32) -> (i32, i32) {
    %c0_i32 = arith.constant 0 : i32
    %c0_i32_0 = arith.constant 0 : i32
    return %arg0, %c0_i32 : i32, i32
  }
  func.func @transform_5(%arg0: i32) -> (i32, i32) {
    %c0_i32 = arith.constant 0 : i32
    %c0_i32_0 = arith.constant 0 : i32
    return %arg0, %c0_i32 : i32, i32
  }
  func.func @transform_6(%arg0: i32) -> (i32, i32) {
    %c0_i32 = arith.constant 0 : i32
    %c0_i32_0 = arith.constant 0 : i32
    %c0_i32_1 = arith.constant 0 : i32
    return %c0_i32, %c0_i32_0 : i32, i32
  }
}

module attributes {stable_mosaic.version = 14 : i64} {
  func.func @_tc_layer_body(%arg0: i32, %arg1: memref<2000x128xf32, #tpu.memory_space<vmem>>, %arg2: memref<2x2000x128xf32, #tpu.memory_space<vmem>>, %arg3: memref<2x2000x128xf32, #tpu.memory_space<vmem>>, %arg4: memref<1x128xf32, #tpu.memory_space<vmem>>, %arg5: memref<128x128xf32, #tpu.memory_space<vmem>>, %arg6: memref<1x128xf32, #tpu.memory_space<vmem>>, %arg7: memref<128x128xf32, #tpu.memory_space<vmem>>, %arg8: memref<1x128xf32, #tpu.memory_space<vmem>>, %arg9: memref<1x128xf32, #tpu.memory_space<vmem>>, %arg10: memref<1x128xf32, #tpu.memory_space<vmem>>, %arg11: memref<2000x128xf32, #tpu.memory_space<vmem>>, %arg12: memref<2000x128xf32, #tpu.memory_space<vmem>>, %arg13: memref<1x128xf32, #tpu.memory_space<vmem>>, %arg14: memref<1x128xf32, #tpu.memory_space<vmem>>) attributes {dimension_semantics = [#tpu.dimension_semantics<arbitrary>], iteration_bounds = array<i64: 5>, scalar_prefetch = 0 : i64, scratch_operands = 1 : i64, tpu.core_type = #tpu.core_type<tc>, window_params = [{transform_indices = @transform_0, window_bounds = array<i64: 2000, 128>}, {transform_indices = @transform_1, window_bounds = array<i64: 2, 2000, 128>}, {transform_indices = @transform_2, window_bounds = array<i64: 2, 2000, 128>}, {pipeline_mode = #tpu.pipeline_mode<synchronous>, transform_indices = @transform_3, window_bounds = array<i64: 1, 128>}, {pipeline_mode = #tpu.pipeline_mode<synchronous>, transform_indices = @transform_4, window_bounds = array<i64: 128, 128>}, {pipeline_mode = #tpu.pipeline_mode<synchronous>, transform_indices = @transform_5, window_bounds = array<i64: 1, 128>}, {pipeline_mode = #tpu.pipeline_mode<synchronous>, transform_indices = @transform_6, window_bounds = array<i64: 128, 128>}, {pipeline_mode = #tpu.pipeline_mode<synchronous>, transform_indices = @transform_7, window_bounds = array<i64: 1, 128>}, {pipeline_mode = #tpu.pipeline_mode<synchronous>, transform_indices = @transform_8, window_bounds = array<i64: 1, 128>}, {pipeline_mode = #tpu.pipeline_mode<synchronous>, transform_indices = @transform_9, window_bounds = array<i64: 1, 128>}, {transform_indices = @transform_10, window_bounds = array<i64: 2000, 128>}, {transform_indices = @transform_11, window_bounds = array<i64: 2000, 128>}, {pipeline_mode = #tpu.pipeline_mode<synchronous>, transform_indices = @transform_12, window_bounds = array<i64: 1, 128>}]} {
    %get3A = arith.constant 0 : index
    %get3A_0 = arith.constant 0 : index
    %get3A_1 = arith.constant 0 : index
    %get3A_2 = vector.load %arg3[%get3A, %get3A_0, %get3A_1] : memref<2x2000x128xf32, #tpu.memory_space<vmem>>, vector<1x2000x1xf32>
    %get3A_3 = vector.shape_cast %get3A_2 : vector<1x2000x1xf32> to vector<2000x1xf32>
    %get3A_4 = arith.constant 1 : index
    %get3A_5 = arith.constant 0 : index
    %get3A_6 = arith.constant 0 : index
    %get3A_7 = vector.load %arg3[%get3A_4, %get3A_5, %get3A_6] : memref<2x2000x128xf32, #tpu.memory_space<vmem>>, vector<1x2000x1xf32>
    %get3A_8 = vector.shape_cast %get3A_7 : vector<1x2000x1xf32> to vector<2000x1xf32>
    %add3A = arith.addf %get3A_3, %get3A_8 : vector<2000x1xf32>
    %add3A_9 = arith.constant 1.000000e+00 : f32
    %add3A_10 = vector.broadcast %add3A_9 : f32 to vector<2000x1xf32>
    %add3A_11 = arith.addf %add3A, %add3A_10 : vector<2000x1xf32>
    %rsqrt3A = math.rsqrt %add3A_11 : vector<2000x1xf32>
    %get3A_12 = arith.constant 0 : index
    %get3A_13 = arith.constant 0 : index
    %get3A_14 = arith.constant 0 : index
    %get3A_15 = vector.load %arg2[%get3A_12, %get3A_13, %get3A_14] : memref<2x2000x128xf32, #tpu.memory_space<vmem>>, vector<1x2000x128xf32>
    %get3A_16 = vector.shape_cast %get3A_15 : vector<1x2000x128xf32> to vector<2000x128xf32>
    %get3A_17 = arith.constant 1 : index
    %get3A_18 = arith.constant 0 : index
    %get3A_19 = arith.constant 0 : index
    %get3A_20 = vector.load %arg2[%get3A_17, %get3A_18, %get3A_19] : memref<2x2000x128xf32, #tpu.memory_space<vmem>>, vector<1x2000x128xf32>
    %get3A_21 = vector.shape_cast %get3A_20 : vector<1x2000x128xf32> to vector<2000x128xf32>
    %add3A_22 = arith.addf %get3A_16, %get3A_21 : vector<2000x128xf32>
    %mul3A = vector.broadcast %rsqrt3A : vector<2000x1xf32> to vector<2000x128xf32>
    %mul3A_23 = arith.mulf %add3A_22, %mul3A : vector<2000x128xf32>
    %get3A_24 = arith.constant 0 : index
    %get3A_25 = arith.constant 0 : index
    %get3A_26 = vector.load %arg4[%get3A_24, %get3A_25] : memref<1x128xf32, #tpu.memory_space<vmem>>, vector<1x128xf32>
    %get3A_27 = arith.constant 0 : index
    %get3A_28 = arith.constant 0 : index
    %get3A_29 = vector.load %arg5[%get3A_27, %get3A_28] : memref<128x128xf32, #tpu.memory_space<vmem>>, vector<128x128xf32>
    %dot_general3A = arith.constant dense<0.000000e+00> : vector<1x128xf32>
    %dot_general3A_30 = tpu.matmul %get3A_26, %get3A_29, %dot_general3A {dimension_numbers = #tpu.dot_dimension_numbers<[1], [0], [0], [1], [0, 0, 1, 1], [], []>, transpose_lhs_hint = false} : vector<1x128xf32>, vector<128x128xf32>, vector<1x128xf32> -> vector<1x128xf32>
    %get3A_31 = arith.constant 0 : index
    %get3A_32 = arith.constant 0 : index
    %get3A_33 = vector.load %arg6[%get3A_31, %get3A_32] : memref<1x128xf32, #tpu.memory_space<vmem>>, vector<1x128xf32>
    %add3A_34 = arith.addf %dot_general3A_30, %get3A_33 : vector<1x128xf32>
    %get3A_35 = arith.constant 0 : index
    %get3A_36 = arith.constant 0 : index
    %get3A_37 = vector.load %arg1[%get3A_35, %get3A_36] : memref<2000x128xf32, #tpu.memory_space<vmem>>, vector<2000x128xf32>
    %add3A_38 = arith.addf %get3A_37, %mul3A_23 : vector<2000x128xf32>
    %get3A_39 = arith.constant 0 : index
    %get3A_40 = arith.constant 0 : index
    %get3A_41 = vector.load %arg7[%get3A_39, %get3A_40] : memref<128x128xf32, #tpu.memory_space<vmem>>, vector<128x128xf32>
    %dot_general3A_42 = arith.constant dense<0.000000e+00> : vector<2000x128xf32>
    %dot_general3A_43 = tpu.matmul %add3A_38, %get3A_41, %dot_general3A_42 {dimension_numbers = #tpu.dot_dimension_numbers<[1], [0], [0], [1], [0, 0, 1, 1], [], []>, transpose_lhs_hint = false} : vector<2000x128xf32>, vector<128x128xf32>, vector<2000x128xf32> -> vector<2000x128xf32>
    %get3A_44 = arith.constant 0 : index
    %get3A_45 = arith.constant 0 : index
    %get3A_46 = vector.load %arg8[%get3A_44, %get3A_45] : memref<1x128xf32, #tpu.memory_space<vmem>>, vector<1x128xf32>
    %add3A_47 = vector.broadcast %get3A_46 : vector<1x128xf32> to vector<2000x128xf32>
    %add3A_48 = arith.addf %dot_general3A_43, %add3A_47 : vector<2000x128xf32>
    %add3A_49 = vector.broadcast %add3A_34 : vector<1x128xf32> to vector<2000x128xf32>
    %add3A_50 = arith.addf %add3A_48, %add3A_49 : vector<2000x128xf32>
    %max3A = arith.constant 0.000000e+00 : f32
    %max3A_51 = vector.broadcast %max3A : f32 to vector<2000x128xf32>
    %max3A_52 = arith.maximumf %add3A_50, %max3A_51 : vector<2000x128xf32>
    %reduce_sum3A = arith.constant dense<0.000000e+00> : vector<2000xf32>
    %reduce_sum3A_53 = vector.multi_reduction <add>, %max3A_52, %reduce_sum3A [1] : vector<2000x128xf32> to vector<2000xf32>
    %broadcast_in_dim3A = vector.shape_cast %reduce_sum3A_53 : vector<2000xf32> to vector<2000x1xf32>
    %div3A = arith.constant 1.280000e+02 : f32
    %div3A_54 = vector.broadcast %div3A : f32 to vector<2000x1xf32>
    %div3A_55 = arith.divf %broadcast_in_dim3A, %div3A_54 : vector<2000x1xf32>
    %sub3A = vector.broadcast %div3A_55 : vector<2000x1xf32> to vector<2000x128xf32>
    %sub3A_56 = arith.subf %max3A_52, %sub3A : vector<2000x128xf32>
    %square3A = arith.mulf %sub3A_56, %sub3A_56 : vector<2000x128xf32>
    %reduce_sum3A_57 = arith.constant dense<0.000000e+00> : vector<2000xf32>
    %reduce_sum3A_58 = vector.multi_reduction <add>, %square3A, %reduce_sum3A_57 [1] : vector<2000x128xf32> to vector<2000xf32>
    %broadcast_in_dim3A_59 = vector.shape_cast %reduce_sum3A_58 : vector<2000xf32> to vector<2000x1xf32>
    %div3A_60 = arith.constant 1.280000e+02 : f32
    %div3A_61 = vector.broadcast %div3A_60 : f32 to vector<2000x1xf32>
    %div3A_62 = arith.divf %broadcast_in_dim3A_59, %div3A_61 : vector<2000x1xf32>
    %sub3A_63 = vector.broadcast %div3A_55 : vector<2000x1xf32> to vector<2000x128xf32>
    %sub3A_64 = arith.subf %max3A_52, %sub3A_63 : vector<2000x128xf32>
    %add3A_65 = arith.constant 9.99999974E-6 : f32
    %add3A_66 = vector.broadcast %add3A_65 : f32 to vector<2000x1xf32>
    %add3A_67 = arith.addf %div3A_62, %add3A_66 : vector<2000x1xf32>
    %rsqrt3A_68 = math.rsqrt %add3A_67 : vector<2000x1xf32>
    %mul3A_69 = vector.broadcast %rsqrt3A_68 : vector<2000x1xf32> to vector<2000x128xf32>
    %mul3A_70 = arith.mulf %sub3A_64, %mul3A_69 : vector<2000x128xf32>
    %get3A_71 = arith.constant 0 : index
    %get3A_72 = arith.constant 0 : index
    %get3A_73 = vector.load %arg9[%get3A_71, %get3A_72] : memref<1x128xf32, #tpu.memory_space<vmem>>, vector<1x128xf32>
    %mul3A_74 = vector.broadcast %get3A_73 : vector<1x128xf32> to vector<2000x128xf32>
    %mul3A_75 = arith.mulf %mul3A_70, %mul3A_74 : vector<2000x128xf32>
    %get3A_76 = arith.constant 0 : index
    %get3A_77 = arith.constant 0 : index
    %get3A_78 = vector.load %arg10[%get3A_76, %get3A_77] : memref<1x128xf32, #tpu.memory_space<vmem>>, vector<1x128xf32>
    %add3A_79 = vector.broadcast %get3A_78 : vector<1x128xf32> to vector<2000x128xf32>
    %add3A_80 = arith.addf %mul3A_75, %add3A_79 : vector<2000x128xf32>
    %swap3A = arith.constant 0 : index
    %swap3A_81 = arith.constant 0 : index
    %swap3A_82 = vector.load %arg11[%swap3A, %swap3A_81] : memref<2000x128xf32, #tpu.memory_space<vmem>>, vector<2000x128xf32>
    tpu.vector_store %arg11[%swap3A, %swap3A_81], %add3A_80 {strides = array<i32>} : memref<2000x128xf32, #tpu.memory_space<vmem>>, vector<2000x128xf32>,
    %mul3A_83 = vector.broadcast %rsqrt3A : vector<2000x1xf32> to vector<2000x128xf32>
    %mul3A_84 = arith.mulf %add3A_80, %mul3A_83 : vector<2000x128xf32>
    %swap3A_85 = arith.constant 0 : index
    %swap3A_86 = arith.constant 0 : index
    %swap3A_87 = vector.load %arg12[%swap3A_85, %swap3A_86] : memref<2000x128xf32, #tpu.memory_space<vmem>>, vector<2000x128xf32>
    tpu.vector_store %arg12[%swap3A_85, %swap3A_86], %mul3A_84 {strides = array<i32>} : memref<2000x128xf32, #tpu.memory_space<vmem>>, vector<2000x128xf32>,
    %eq3A = arith.constant 0 : i32
    %eq3A_88 = arith.cmpi eq, %arg0, %eq3A : i32
    %convert_element_type3A = arith.extui %eq3A_88 : i1 to i32
    %cond3A = arith.constant 0 : i32
    %cond3A_89 = arith.cmpi ne, %convert_element_type3A, %cond3A : i32
    scf.if %cond3A_89 {
      %broadcast_in_dim3A_105 = arith.constant 0.000000e+00 : f32
      %broadcast_in_dim3A_106 = vector.broadcast %broadcast_in_dim3A_105 : f32 to vector<1x128xf32>
      %swap3A_107 = arith.constant 0 : index
      %swap3A_108 = arith.constant 0 : index
      %swap3A_109 = vector.load %arg14[%swap3A_107, %swap3A_108] : memref<1x128xf32, #tpu.memory_space<vmem>>, vector<1x128xf32>
      tpu.vector_store %arg14[%swap3A_107, %swap3A_108], %broadcast_in_dim3A_106 {strides = array<i32>} : memref<1x128xf32, #tpu.memory_space<vmem>>, vector<1x128xf32>,
    } else {
    }
    %get3A_90 = arith.constant 0 : index
    %get3A_91 = arith.constant 0 : index
    %get3A_92 = vector.load %arg14[%get3A_90, %get3A_91] : memref<1x128xf32, #tpu.memory_space<vmem>>, vector<1x128xf32>
    %reduce_sum3A_93 = arith.constant dense<0.000000e+00> : vector<128xf32>
    %reduce_sum3A_94 = vector.multi_reduction <add>, %add3A_80, %reduce_sum3A_93 [0] : vector<2000x128xf32> to vector<128xf32>
    %broadcast_in_dim3A_95 = vector.shape_cast %reduce_sum3A_94 : vector<128xf32> to vector<1x128xf32>
    %add3A_96 = arith.addf %get3A_92, %broadcast_in_dim3A_95 : vector<1x128xf32>
    %swap3A_97 = arith.constant 0 : index
    %swap3A_98 = arith.constant 0 : index
    %swap3A_99 = vector.load %arg14[%swap3A_97, %swap3A_98] : memref<1x128xf32, #tpu.memory_space<vmem>>, vector<1x128xf32>
    tpu.vector_store %arg14[%swap3A_97, %swap3A_98], %add3A_96 {strides = array<i32>} : memref<1x128xf32, #tpu.memory_space<vmem>>, vector<1x128xf32>,
    %eq3A_100 = arith.constant 4 : i32
    %eq3A_101 = arith.cmpi eq, %arg0, %eq3A_100 : i32
    %convert_element_type3A_102 = arith.extui %eq3A_101 : i1 to i32
    %cond3A_103 = arith.constant 0 : i32
    %cond3A_104 = arith.cmpi ne, %convert_element_type3A_102, %cond3A_103 : i32
    scf.if %cond3A_104 {
      %get3A_105 = arith.constant 0 : index
      %get3A_106 = arith.constant 0 : index
      %get3A_107 = vector.load %arg14[%get3A_105, %get3A_106] : memref<1x128xf32, #tpu.memory_space<vmem>>, vector<1x128xf32>
      %mul3A_108 = arith.constant 9.99999974E-5 : f32
      %mul3A_109 = vector.broadcast %mul3A_108 : f32 to vector<1x128xf32>
      %mul3A_110 = arith.mulf %get3A_107, %mul3A_109 : vector<1x128xf32>
      %swap3A_111 = arith.constant 0 : index
      %swap3A_112 = arith.constant 0 : index
      %swap3A_113 = vector.load %arg13[%swap3A_111, %swap3A_112] : memref<1x128xf32, #tpu.memory_space<vmem>>, vector<1x128xf32>
      tpu.vector_store %arg13[%swap3A_111, %swap3A_112], %mul3A_110 {strides = array<i32>} : memref<1x128xf32, #tpu.memory_space<vmem>>, vector<1x128xf32>,
    } else {
    }
    return
  }
  func.func @transform_0(%arg0: i32) -> (i32, i32) {
    %c0_i32 = arith.constant 0 : i32
    %c0_i32_0 = arith.constant 0 : i32
    return %arg0, %c0_i32 : i32, i32
  }
  func.func @transform_1(%arg0: i32) -> (i32, i32, i32) {
    %c0_i32 = arith.constant 0 : i32
    %c0_i32_0 = arith.constant 0 : i32
    %c0_i32_1 = arith.constant 0 : i32
    return %c0_i32, %arg0, %c0_i32_0 : i32, i32, i32
  }
  func.func @transform_2(%arg0: i32) -> (i32, i32, i32) {
    %c0_i32 = arith.constant 0 : i32
    %c0_i32_0 = arith.constant 0 : i32
    %c0_i32_1 = arith.constant 0 : i32
    return %c0_i32, %arg0, %c0_i32_0 : i32, i32, i32
  }
  func.func @transform_3(%arg0: i32) -> (i32, i32) {
    %c0_i32 = arith.constant 0 : i32
    %c0_i32_0 = arith.constant 0 : i32
    %c0_i32_1 = arith.constant 0 : i32
    return %c0_i32, %c0_i32_0 : i32, i32
  }
  func.func @transform_4(%arg0: i32) -> (i32, i32) {
    %c0_i32 = arith.constant 0 : i32
    %c0_i32_0 = arith.constant 0 : i32
    %c0_i32_1 = arith.constant 0 : i32
    return %c0_i32, %c0_i32_0 : i32, i32
  }
  func.func @transform_5(%arg0: i32) -> (i32, i32) {
    %c0_i32 = arith.constant 0 : i32
    %c0_i32_0 = arith.constant 0 : i32
    %c0_i32_1 = arith.constant 0 : i32
    return %c0_i32, %c0_i32_0 : i32, i32
  }
  func.func @transform_6(%arg0: i32) -> (i32, i32) {
    %c0_i32 = arith.constant 0 : i32
    %c0_i32_0 = arith.constant 0 : i32
    %c0_i32_1 = arith.constant 0 : i32
    return %c0_i32, %c0_i32_0 : i32, i32
  }
  func.func @transform_7(%arg0: i32) -> (i32, i32) {
    %c0_i32 = arith.constant 0 : i32
    %c0_i32_0 = arith.constant 0 : i32
    %c0_i32_1 = arith.constant 0 : i32
    return %c0_i32, %c0_i32_0 : i32, i32
  }
  func.func @transform_8(%arg0: i32) -> (i32, i32) {
    %c0_i32 = arith.constant 0 : i32
    %c0_i32_0 = arith.constant 0 : i32
    %c0_i32_1 = arith.constant 0 : i32
    return %c0_i32, %c0_i32_0 : i32, i32
  }
  func.func @transform_9(%arg0: i32) -> (i32, i32) {
    %c0_i32 = arith.constant 0 : i32
    %c0_i32_0 = arith.constant 0 : i32
    %c0_i32_1 = arith.constant 0 : i32
    return %c0_i32, %c0_i32_0 : i32, i32
  }
  func.func @transform_10(%arg0: i32) -> (i32, i32) {
    %c0_i32 = arith.constant 0 : i32
    %c0_i32_0 = arith.constant 0 : i32
    return %arg0, %c0_i32 : i32, i32
  }
  func.func @transform_11(%arg0: i32) -> (i32, i32) {
    %c0_i32 = arith.constant 0 : i32
    %c0_i32_0 = arith.constant 0 : i32
    return %arg0, %c0_i32 : i32, i32
  }
  func.func @transform_12(%arg0: i32) -> (i32, i32) {
    %c0_i32 = arith.constant 0 : i32
    %c0_i32_0 = arith.constant 0 : i32
    %c0_i32_1 = arith.constant 0 : i32
    return %c0_i32, %c0_i32_0 : i32, i32
  }
}

module attributes {stable_mosaic.version = 14 : i64} {
  func.func @_tc_layer_body(%arg0: i32, %arg1: memref<2000x128xf32, #tpu.memory_space<vmem>>, %arg2: memref<2x2000x128xf32, #tpu.memory_space<vmem>>, %arg3: memref<2x2000x128xf32, #tpu.memory_space<vmem>>, %arg4: memref<1x128xf32, #tpu.memory_space<vmem>>, %arg5: memref<128x128xf32, #tpu.memory_space<vmem>>, %arg6: memref<1x128xf32, #tpu.memory_space<vmem>>, %arg7: memref<128x128xf32, #tpu.memory_space<vmem>>, %arg8: memref<1x128xf32, #tpu.memory_space<vmem>>, %arg9: memref<1x128xf32, #tpu.memory_space<vmem>>, %arg10: memref<1x128xf32, #tpu.memory_space<vmem>>, %arg11: memref<2000x128xf32, #tpu.memory_space<vmem>>, %arg12: memref<2000x128xf32, #tpu.memory_space<vmem>>, %arg13: memref<1x128xf32, #tpu.memory_space<vmem>>, %arg14: memref<1x128xf32, #tpu.memory_space<vmem>>) attributes {dimension_semantics = [#tpu.dimension_semantics<arbitrary>], iteration_bounds = array<i64: 5>, scalar_prefetch = 0 : i64, scratch_operands = 1 : i64, tpu.core_type = #tpu.core_type<tc>, window_params = [{transform_indices = @transform_0, window_bounds = array<i64: 2000, 128>}, {transform_indices = @transform_1, window_bounds = array<i64: 2, 2000, 128>}, {transform_indices = @transform_2, window_bounds = array<i64: 2, 2000, 128>}, {pipeline_mode = #tpu.pipeline_mode<synchronous>, transform_indices = @transform_3, window_bounds = array<i64: 1, 128>}, {pipeline_mode = #tpu.pipeline_mode<synchronous>, transform_indices = @transform_4, window_bounds = array<i64: 128, 128>}, {pipeline_mode = #tpu.pipeline_mode<synchronous>, transform_indices = @transform_5, window_bounds = array<i64: 1, 128>}, {pipeline_mode = #tpu.pipeline_mode<synchronous>, transform_indices = @transform_6, window_bounds = array<i64: 128, 128>}, {pipeline_mode = #tpu.pipeline_mode<synchronous>, transform_indices = @transform_7, window_bounds = array<i64: 1, 128>}, {pipeline_mode = #tpu.pipeline_mode<synchronous>, transform_indices = @transform_8, window_bounds = array<i64: 1, 128>}, {pipeline_mode = #tpu.pipeline_mode<synchronous>, transform_indices = @transform_9, window_bounds = array<i64: 1, 128>}, {transform_indices = @transform_10, window_bounds = array<i64: 2000, 128>}, {transform_indices = @transform_11, window_bounds = array<i64: 2000, 128>}, {pipeline_mode = #tpu.pipeline_mode<synchronous>, transform_indices = @transform_12, window_bounds = array<i64: 1, 128>}]} {
    %get3A = arith.constant 0 : index
    %get3A_0 = arith.constant 0 : index
    %get3A_1 = arith.constant 0 : index
    %get3A_2 = vector.load %arg3[%get3A, %get3A_0, %get3A_1] : memref<2x2000x128xf32, #tpu.memory_space<vmem>>, vector<1x2000x1xf32>
    %get3A_3 = vector.shape_cast %get3A_2 : vector<1x2000x1xf32> to vector<2000x1xf32>
    %get3A_4 = arith.constant 1 : index
    %get3A_5 = arith.constant 0 : index
    %get3A_6 = arith.constant 0 : index
    %get3A_7 = vector.load %arg3[%get3A_4, %get3A_5, %get3A_6] : memref<2x2000x128xf32, #tpu.memory_space<vmem>>, vector<1x2000x1xf32>
    %get3A_8 = vector.shape_cast %get3A_7 : vector<1x2000x1xf32> to vector<2000x1xf32>
    %add3A = arith.addf %get3A_3, %get3A_8 : vector<2000x1xf32>
    %add3A_9 = arith.constant 1.000000e+00 : f32
    %add3A_10 = vector.broadcast %add3A_9 : f32 to vector<2000x1xf32>
    %add3A_11 = arith.addf %add3A, %add3A_10 : vector<2000x1xf32>
    %rsqrt3A = math.rsqrt %add3A_11 : vector<2000x1xf32>
    %get3A_12 = arith.constant 0 : index
    %get3A_13 = arith.constant 0 : index
    %get3A_14 = arith.constant 0 : index
    %get3A_15 = vector.load %arg2[%get3A_12, %get3A_13, %get3A_14] : memref<2x2000x128xf32, #tpu.memory_space<vmem>>, vector<1x2000x128xf32>
    %get3A_16 = vector.shape_cast %get3A_15 : vector<1x2000x128xf32> to vector<2000x128xf32>
    %get3A_17 = arith.constant 1 : index
    %get3A_18 = arith.constant 0 : index
    %get3A_19 = arith.constant 0 : index
    %get3A_20 = vector.load %arg2[%get3A_17, %get3A_18, %get3A_19] : memref<2x2000x128xf32, #tpu.memory_space<vmem>>, vector<1x2000x128xf32>
    %get3A_21 = vector.shape_cast %get3A_20 : vector<1x2000x128xf32> to vector<2000x128xf32>
    %add3A_22 = arith.addf %get3A_16, %get3A_21 : vector<2000x128xf32>
    %mul3A = vector.broadcast %rsqrt3A : vector<2000x1xf32> to vector<2000x128xf32>
    %mul3A_23 = arith.mulf %add3A_22, %mul3A : vector<2000x128xf32>
    %get3A_24 = arith.constant 0 : index
    %get3A_25 = arith.constant 0 : index
    %get3A_26 = vector.load %arg4[%get3A_24, %get3A_25] : memref<1x128xf32, #tpu.memory_space<vmem>>, vector<1x128xf32>
    %get3A_27 = arith.constant 0 : index
    %get3A_28 = arith.constant 0 : index
    %get3A_29 = vector.load %arg5[%get3A_27, %get3A_28] : memref<128x128xf32, #tpu.memory_space<vmem>>, vector<128x128xf32>
    %dot_general3A = arith.constant dense<0.000000e+00> : vector<1x128xf32>
    %dot_general3A_30 = tpu.matmul %get3A_26, %get3A_29, %dot_general3A {dimension_numbers = #tpu.dot_dimension_numbers<[1], [0], [0], [1], [0, 0, 1, 1], [], []>, transpose_lhs_hint = false} : vector<1x128xf32>, vector<128x128xf32>, vector<1x128xf32> -> vector<1x128xf32>
    %get3A_31 = arith.constant 0 : index
    %get3A_32 = arith.constant 0 : index
    %get3A_33 = vector.load %arg6[%get3A_31, %get3A_32] : memref<1x128xf32, #tpu.memory_space<vmem>>, vector<1x128xf32>
    %add3A_34 = arith.addf %dot_general3A_30, %get3A_33 : vector<1x128xf32>
    %get3A_35 = arith.constant 0 : index
    %get3A_36 = arith.constant 0 : index
    %get3A_37 = vector.load %arg1[%get3A_35, %get3A_36] : memref<2000x128xf32, #tpu.memory_space<vmem>>, vector<2000x128xf32>
    %add3A_38 = arith.addf %get3A_37, %mul3A_23 : vector<2000x128xf32>
    %get3A_39 = arith.constant 0 : index
    %get3A_40 = arith.constant 0 : index
    %get3A_41 = vector.load %arg7[%get3A_39, %get3A_40] : memref<128x128xf32, #tpu.memory_space<vmem>>, vector<128x128xf32>
    %dot_general3A_42 = arith.constant dense<0.000000e+00> : vector<2000x128xf32>
    %dot_general3A_43 = tpu.matmul %add3A_38, %get3A_41, %dot_general3A_42 {dimension_numbers = #tpu.dot_dimension_numbers<[1], [0], [0], [1], [0, 0, 1, 1], [], []>, transpose_lhs_hint = false} : vector<2000x128xf32>, vector<128x128xf32>, vector<2000x128xf32> -> vector<2000x128xf32>
    %get3A_44 = arith.constant 0 : index
    %get3A_45 = arith.constant 0 : index
    %get3A_46 = vector.load %arg8[%get3A_44, %get3A_45] : memref<1x128xf32, #tpu.memory_space<vmem>>, vector<1x128xf32>
    %add3A_47 = vector.broadcast %get3A_46 : vector<1x128xf32> to vector<2000x128xf32>
    %add3A_48 = arith.addf %dot_general3A_43, %add3A_47 : vector<2000x128xf32>
    %add3A_49 = vector.broadcast %add3A_34 : vector<1x128xf32> to vector<2000x128xf32>
    %add3A_50 = arith.addf %add3A_48, %add3A_49 : vector<2000x128xf32>
    %max3A = arith.constant 0.000000e+00 : f32
    %max3A_51 = vector.broadcast %max3A : f32 to vector<2000x128xf32>
    %max3A_52 = arith.maximumf %add3A_50, %max3A_51 : vector<2000x128xf32>
    %reduce_sum3A = arith.constant dense<0.000000e+00> : vector<2000xf32>
    %reduce_sum3A_53 = vector.multi_reduction <add>, %max3A_52, %reduce_sum3A [1] : vector<2000x128xf32> to vector<2000xf32>
    %broadcast_in_dim3A = vector.shape_cast %reduce_sum3A_53 : vector<2000xf32> to vector<2000x1xf32>
    %div3A = arith.constant 1.280000e+02 : f32
    %div3A_54 = vector.broadcast %div3A : f32 to vector<2000x1xf32>
    %div3A_55 = arith.divf %broadcast_in_dim3A, %div3A_54 : vector<2000x1xf32>
    %sub3A = vector.broadcast %div3A_55 : vector<2000x1xf32> to vector<2000x128xf32>
    %sub3A_56 = arith.subf %max3A_52, %sub3A : vector<2000x128xf32>
    %square3A = arith.mulf %sub3A_56, %sub3A_56 : vector<2000x128xf32>
    %reduce_sum3A_57 = arith.constant dense<0.000000e+00> : vector<2000xf32>
    %reduce_sum3A_58 = vector.multi_reduction <add>, %square3A, %reduce_sum3A_57 [1] : vector<2000x128xf32> to vector<2000xf32>
    %broadcast_in_dim3A_59 = vector.shape_cast %reduce_sum3A_58 : vector<2000xf32> to vector<2000x1xf32>
    %div3A_60 = arith.constant 1.280000e+02 : f32
    %div3A_61 = vector.broadcast %div3A_60 : f32 to vector<2000x1xf32>
    %div3A_62 = arith.divf %broadcast_in_dim3A_59, %div3A_61 : vector<2000x1xf32>
    %sub3A_63 = vector.broadcast %div3A_55 : vector<2000x1xf32> to vector<2000x128xf32>
    %sub3A_64 = arith.subf %max3A_52, %sub3A_63 : vector<2000x128xf32>
    %add3A_65 = arith.constant 9.99999974E-6 : f32
    %add3A_66 = vector.broadcast %add3A_65 : f32 to vector<2000x1xf32>
    %add3A_67 = arith.addf %div3A_62, %add3A_66 : vector<2000x1xf32>
    %rsqrt3A_68 = math.rsqrt %add3A_67 : vector<2000x1xf32>
    %mul3A_69 = vector.broadcast %rsqrt3A_68 : vector<2000x1xf32> to vector<2000x128xf32>
    %mul3A_70 = arith.mulf %sub3A_64, %mul3A_69 : vector<2000x128xf32>
    %get3A_71 = arith.constant 0 : index
    %get3A_72 = arith.constant 0 : index
    %get3A_73 = vector.load %arg9[%get3A_71, %get3A_72] : memref<1x128xf32, #tpu.memory_space<vmem>>, vector<1x128xf32>
    %mul3A_74 = vector.broadcast %get3A_73 : vector<1x128xf32> to vector<2000x128xf32>
    %mul3A_75 = arith.mulf %mul3A_70, %mul3A_74 : vector<2000x128xf32>
    %get3A_76 = arith.constant 0 : index
    %get3A_77 = arith.constant 0 : index
    %get3A_78 = vector.load %arg10[%get3A_76, %get3A_77] : memref<1x128xf32, #tpu.memory_space<vmem>>, vector<1x128xf32>
    %add3A_79 = vector.broadcast %get3A_78 : vector<1x128xf32> to vector<2000x128xf32>
    %add3A_80 = arith.addf %mul3A_75, %add3A_79 : vector<2000x128xf32>
    %swap3A = arith.constant 0 : index
    %swap3A_81 = arith.constant 0 : index
    %swap3A_82 = vector.load %arg11[%swap3A, %swap3A_81] : memref<2000x128xf32, #tpu.memory_space<vmem>>, vector<2000x128xf32>
    tpu.vector_store %arg11[%swap3A, %swap3A_81], %add3A_80 {strides = array<i32>} : memref<2000x128xf32, #tpu.memory_space<vmem>>, vector<2000x128xf32>,
    %mul3A_83 = vector.broadcast %rsqrt3A : vector<2000x1xf32> to vector<2000x128xf32>
    %mul3A_84 = arith.mulf %add3A_80, %mul3A_83 : vector<2000x128xf32>
    %swap3A_85 = arith.constant 0 : index
    %swap3A_86 = arith.constant 0 : index
    %swap3A_87 = vector.load %arg12[%swap3A_85, %swap3A_86] : memref<2000x128xf32, #tpu.memory_space<vmem>>, vector<2000x128xf32>
    tpu.vector_store %arg12[%swap3A_85, %swap3A_86], %mul3A_84 {strides = array<i32>} : memref<2000x128xf32, #tpu.memory_space<vmem>>, vector<2000x128xf32>,
    %eq3A = arith.constant 0 : i32
    %eq3A_88 = arith.cmpi eq, %arg0, %eq3A : i32
    %convert_element_type3A = arith.extui %eq3A_88 : i1 to i32
    %cond3A = arith.constant 0 : i32
    %cond3A_89 = arith.cmpi ne, %convert_element_type3A, %cond3A : i32
    scf.if %cond3A_89 {
      %broadcast_in_dim3A_105 = arith.constant 0.000000e+00 : f32
      %broadcast_in_dim3A_106 = vector.broadcast %broadcast_in_dim3A_105 : f32 to vector<1x128xf32>
      %swap3A_107 = arith.constant 0 : index
      %swap3A_108 = arith.constant 0 : index
      %swap3A_109 = vector.load %arg14[%swap3A_107, %swap3A_108] : memref<1x128xf32, #tpu.memory_space<vmem>>, vector<1x128xf32>
      tpu.vector_store %arg14[%swap3A_107, %swap3A_108], %broadcast_in_dim3A_106 {strides = array<i32>} : memref<1x128xf32, #tpu.memory_space<vmem>>, vector<1x128xf32>,
    } else {
    }
    %get3A_90 = arith.constant 0 : index
    %get3A_91 = arith.constant 0 : index
    %get3A_92 = vector.load %arg14[%get3A_90, %get3A_91] : memref<1x128xf32, #tpu.memory_space<vmem>>, vector<1x128xf32>
    %reduce_sum3A_93 = arith.constant dense<0.000000e+00> : vector<128xf32>
    %reduce_sum3A_94 = vector.multi_reduction <add>, %add3A_80, %reduce_sum3A_93 [0] : vector<2000x128xf32> to vector<128xf32>
    %broadcast_in_dim3A_95 = vector.shape_cast %reduce_sum3A_94 : vector<128xf32> to vector<1x128xf32>
    %add3A_96 = arith.addf %get3A_92, %broadcast_in_dim3A_95 : vector<1x128xf32>
    %swap3A_97 = arith.constant 0 : index
    %swap3A_98 = arith.constant 0 : index
    %swap3A_99 = vector.load %arg14[%swap3A_97, %swap3A_98] : memref<1x128xf32, #tpu.memory_space<vmem>>, vector<1x128xf32>
    tpu.vector_store %arg14[%swap3A_97, %swap3A_98], %add3A_96 {strides = array<i32>} : memref<1x128xf32, #tpu.memory_space<vmem>>, vector<1x128xf32>,
    %eq3A_100 = arith.constant 4 : i32
    %eq3A_101 = arith.cmpi eq, %arg0, %eq3A_100 : i32
    %convert_element_type3A_102 = arith.extui %eq3A_101 : i1 to i32
    %cond3A_103 = arith.constant 0 : i32
    %cond3A_104 = arith.cmpi ne, %convert_element_type3A_102, %cond3A_103 : i32
    scf.if %cond3A_104 {
      %get3A_105 = arith.constant 0 : index
      %get3A_106 = arith.constant 0 : index
      %get3A_107 = vector.load %arg14[%get3A_105, %get3A_106] : memref<1x128xf32, #tpu.memory_space<vmem>>, vector<1x128xf32>
      %mul3A_108 = arith.constant 9.99999974E-5 : f32
      %mul3A_109 = vector.broadcast %mul3A_108 : f32 to vector<1x128xf32>
      %mul3A_110 = arith.mulf %get3A_107, %mul3A_109 : vector<1x128xf32>
      %swap3A_111 = arith.constant 0 : index
      %swap3A_112 = arith.constant 0 : index
      %swap3A_113 = vector.load %arg13[%swap3A_111, %swap3A_112] : memref<1x128xf32, #tpu.memory_space<vmem>>, vector<1x128xf32>
      tpu.vector_store %arg13[%swap3A_111, %swap3A_112], %mul3A_110 {strides = array<i32>} : memref<1x128xf32, #tpu.memory_space<vmem>>, vector<1x128xf32>,
    } else {
    }
    return
  }
  func.func @transform_0(%arg0: i32) -> (i32, i32) {
    %c0_i32 = arith.constant 0 : i32
    %c0_i32_0 = arith.constant 0 : i32
    return %arg0, %c0_i32 : i32, i32
  }
  func.func @transform_1(%arg0: i32) -> (i32, i32, i32) {
    %c0_i32 = arith.constant 0 : i32
    %c0_i32_0 = arith.constant 0 : i32
    %c0_i32_1 = arith.constant 0 : i32
    return %c0_i32, %arg0, %c0_i32_0 : i32, i32, i32
  }
  func.func @transform_2(%arg0: i32) -> (i32, i32, i32) {
    %c0_i32 = arith.constant 0 : i32
    %c0_i32_0 = arith.constant 0 : i32
    %c0_i32_1 = arith.constant 0 : i32
    return %c0_i32, %arg0, %c0_i32_0 : i32, i32, i32
  }
  func.func @transform_3(%arg0: i32) -> (i32, i32) {
    %c0_i32 = arith.constant 0 : i32
    %c0_i32_0 = arith.constant 0 : i32
    %c0_i32_1 = arith.constant 0 : i32
    return %c0_i32, %c0_i32_0 : i32, i32
  }
  func.func @transform_4(%arg0: i32) -> (i32, i32) {
    %c0_i32 = arith.constant 0 : i32
    %c0_i32_0 = arith.constant 0 : i32
    %c0_i32_1 = arith.constant 0 : i32
    return %c0_i32, %c0_i32_0 : i32, i32
  }
  func.func @transform_5(%arg0: i32) -> (i32, i32) {
    %c0_i32 = arith.constant 0 : i32
    %c0_i32_0 = arith.constant 0 : i32
    %c0_i32_1 = arith.constant 0 : i32
    return %c0_i32, %c0_i32_0 : i32, i32
  }
  func.func @transform_6(%arg0: i32) -> (i32, i32) {
    %c0_i32 = arith.constant 0 : i32
    %c0_i32_0 = arith.constant 0 : i32
    %c0_i32_1 = arith.constant 0 : i32
    return %c0_i32, %c0_i32_0 : i32, i32
  }
  func.func @transform_7(%arg0: i32) -> (i32, i32) {
    %c0_i32 = arith.constant 0 : i32
    %c0_i32_0 = arith.constant 0 : i32
    %c0_i32_1 = arith.constant 0 : i32
    return %c0_i32, %c0_i32_0 : i32, i32
  }
  func.func @transform_8(%arg0: i32) -> (i32, i32) {
    %c0_i32 = arith.constant 0 : i32
    %c0_i32_0 = arith.constant 0 : i32
    %c0_i32_1 = arith.constant 0 : i32
    return %c0_i32, %c0_i32_0 : i32, i32
  }
  func.func @transform_9(%arg0: i32) -> (i32, i32) {
    %c0_i32 = arith.constant 0 : i32
    %c0_i32_0 = arith.constant 0 : i32
    %c0_i32_1 = arith.constant 0 : i32
    return %c0_i32, %c0_i32_0 : i32, i32
  }
  func.func @transform_10(%arg0: i32) -> (i32, i32) {
    %c0_i32 = arith.constant 0 : i32
    %c0_i32_0 = arith.constant 0 : i32
    return %arg0, %c0_i32 : i32, i32
  }
  func.func @transform_11(%arg0: i32) -> (i32, i32) {
    %c0_i32 = arith.constant 0 : i32
    %c0_i32_0 = arith.constant 0 : i32
    return %arg0, %c0_i32 : i32, i32
  }
  func.func @transform_12(%arg0: i32) -> (i32, i32) {
    %c0_i32 = arith.constant 0 : i32
    %c0_i32_0 = arith.constant 0 : i32
    %c0_i32_1 = arith.constant 0 : i32
    return %c0_i32, %c0_i32_0 : i32, i32
  }
}

</mosaic_0001>

<sc_bundles>
// kernel: kernel.11.cloned.1.call-start
scs
__scs_entry_jumppad:
0x0: {  	(pc) =	sbr.rel $0x88, $3  }
0x1: {  	(tag) =	ssettag $0x0;
	lr =	simm.s32 $0x1  }
0x2: {  	[smem:$0x3F97] =	sst lr;
	_ =	strace $0xD0000000  }
0x3: {  	_ = 	snop  }
0x4: {  	_ = 	snop  }
0x5: {  	_ = 	snop  }
0x6: {  	_ = 	snop  }
0x7: {  	_ = 	snop  }
__scs_overlays_trampoline_lowered:
0x8: {  	[smem:$0x3FA6] =	sst s0  }
0x9: {  	[smem:$0x3FA7] =	sst s1  }
0xa: {  	[smem:$0x3FA8] =	sst s2  }
0xb: {  	[smem:$0x3FA9] =	sst s3  }
0xc: {  	[smem:$0x3FAA] =	sst s4  }
0xd: {  	[smem:$0x3FAB] =	sst s5  }
0xe: {  	[smem:$0x3FAC] =	sst s6  }
0xf: {  	[smem:$0x3FAD] =	sst s7  }
0x10: {  	[smem:$0x3FAE] =	sst s8  }
0x11: {  	[smem:$0x3FAF] =	sst s9;
	s0 =	simm.s32 @!p0 $0x0  }
0x12: {  	s1 =	sld [smem:$0x3F95];
	s0 =	simm.s32 @p0 $0x1  }
0x13: {  	[smem:$0x3FB0] =	sst s0;
	s0 =	simm.s32 @!p1 $0x0  }
0x14: {  	s2 =	sld [smem:$0x3F94];
	s0 =	simm.s32 @p1 $0x1  }
0x15: {  	[smem:$0x3FB1] =	sst s0;
	s0 =	simm.s32 @!p2 $0x0  }
0x16: {  	s3 =	sld [smem:$0x3FDB];
	s0 =	simm.s32 @p2 $0x1  }
0x17: {  	s4 =	simm.s32 $0x1BF5;
	[smem:$0x3FB3] =	sst s0  }
0x18: {  	s0 =	sld [smem:$0x3F96];
	_ =	swait.ge [sflag:s4], $0x0  }
0x19: {  	s7 =	sld [smem:$0x3F97]  }
0x1a: {  	s8 =	sadd.s32 $0xFFFFE003, lr  }
0x1b: {  	s9 =	sadd.s32 $0xFFFFFEF7, lr;
	s5 =	simm.s32 $0xFFFFFFFF;
	p2 =	slt.u32 s8, $0xFFFFF086  }
0x1c: {  	p1 =	slt.u32 s9, $0xF7A;
	s5 =	simm.s32 @!p2 $0x0  }
0x1d: {  	s5 =	simm.s32 @p1 $0x1;
	p0 =	seq.s32 s7, s2  }
0x1e: {  	s7 =	smul.u32 @!p0 $0xF7A, s2;
	p2 =	seq.s32 @!p0 s5, $0x0  }
0x1f: {  	s9 =	smul.u32 $0xF7A, s1;
	s8 =	simm.s32 @!p0 $0x1BF5;
	p2 =	por !p2, p0  }
0x20: {  	[sflag:s8] =	ssyncset.s32 @!p0 $0xFFFFF086;
	s6 =	sadd.s32 @!p0 s3, s7;
	s7 =	simm.s32 @!p0 $0x108  }
0x21: {  	s3 =	sadd.s32 s3, s9;
	s6 =	sadd.s32 @!p0 $0x88, s6;
	s7 =	simm.s32 @p2 $0x1082  }
0x22: {  	[simem:s7], [sflag:s8] =	dma.local @!p0 [hbm:s6], $0xF7A  }
0x23: {  	s9 =	sor.u32 $0xD0000000, s2;
	s6 =	simm.s32 $0x108;
	_ =	swait.ge @!p0 [sflag:s8], $0x0  }
0x24: {  	s3 =	sadd.s32 $0x88, s3;
	s6 =	simm.s32 @!p1 $0x1082;
	[sflag:s4] =	ssyncset.s32 $0xFFFFF086  }
0x25: {  	[simem:s6], [sflag:s4] =	dma.local [hbm:s3], $0xF7A  }
0x26: {  	[smem:$0x3F97] =	sst s1;
	(tag) =	ssettag s2;
	_ =	strace s9  }
0x27: {  	s1 =	sld [smem:$0x3FA7]  }
0x28: {  	s2 =	sld [smem:$0x3FA8]  }
0x29: {  	s4 =	sld [smem:$0x3FAA]  }
0x2a: {  	p0 =	seq.s32 s5, $0x0;
	s5 =	sld [smem:$0x3FAB]  }
0x2b: {  	s6 =	sld [smem:$0x3FAC]  }
0x2c: {  	s7 =	sld [smem:$0x3FAD]  }
0x2d: {  	s3 =	simm.s32 $0x108;
	s8 =	sld [smem:$0x3FAE]  }
0x2e: {  	s3 =	simm.s32 @!p0 $0x1082;
	s9 =	sld [smem:$0x3FAF]  }
0x2f: {  	lr =	sadd.s32 s0, s3;
	s0 =	sld [smem:$0x3FA6]  }
0x30: {  	s3 =	sld [smem:$0x3FA9]  }
0x31: {  	[smem:$0x3FB2] =	sst s10  }
0x32: {  	s10 =	sld [smem:$0x3FB0];
	_ =	sdelay $0x3  }
0x33: {  	p0 =	seq.s32 s10, $0x1;
	s10 =	sld [smem:$0x3FB2];
	_ =	sdelay $0x3  }
0x34: {  	[smem:$0x3FB2] =	sst s10  }
0x35: {  	s10 =	sld [smem:$0x3FB1];
	_ =	sdelay $0x3  }
0x36: {  	p1 =	seq.s32 s10, $0x1;
	s10 =	sld [smem:$0x3FB2];
	_ =	sdelay $0x3  }
0x37: {  	[smem:$0x3FB2] =	sst s10  }
0x38: {  	s10 =	sld [smem:$0x3FB3]  }
0x39: {  	_ = 	snop;
	(pc) =	sbr.ind lr, $3  }
0x3a: {  	_ = 	snop  }
0x3b: {  	_ = 	snop  }
0x3c: {  	p2 =	seq.s32 s10, $0x1;
	s10 =	sld [smem:$0x3FB2]  }
0x3d: {  	_ =	shalt  }
0x3e: {  	_ =	shalt  }
0x3f: {  	_ =	shalt  }
0x40: {  	_ =	shalt  }
0x41: {  	_ =	shalt  }
0x42: {  	_ =	shalt  }
0x43: {  	_ =	shalt  }
0x44: {  	_ =	shalt  }
0x45: {  	_ =	shalt  }
0x46: {  	_ =	shalt  }
0x47: {  	_ =	shalt  }
0x48: {  	_ =	shalt  }
0x49: {  	_ =	shalt  }
0x4a: {  	_ =	shalt  }
0x4b: {  	_ =	shalt  }
0x4c: {  	_ =	shalt  }
0x4d: {  	_ =	shalt  }
0x4e: {  	_ =	shalt  }
0x4f: {  	_ =	shalt  }
0x50: {  	_ =	shalt  }
0x51: {  	_ =	shalt  }
0x52: {  	_ =	shalt  }
0x53: {  	_ =	shalt  }
0x54: {  	_ =	shalt  }
0x55: {  	_ =	shalt  }
0x56: {  	_ =	shalt  }
0x57: {  	_ =	shalt  }
0x58: {  	_ =	shalt  }
0x59: {  	_ =	shalt  }
0x5a: {  	_ =	shalt  }
0x5b: {  	_ =	shalt  }
0x5c: {  	_ =	shalt  }
0x5d: {  	_ =	shalt  }
0x5e: {  	_ =	shalt  }
0x5f: {  	_ =	shalt  }
0x60: {  	_ =	shalt  }
0x61: {  	_ =	shalt  }
0x62: {  	_ =	shalt  }
0x63: {  	_ =	shalt  }
0x64: {  	_ =	shalt  }
0x65: {  	_ =	shalt  }
0x66: {  	_ =	shalt  }
0x67: {  	_ =	shalt  }
0x68: {  	_ =	shalt  }
0x69: {  	_ =	shalt  }
0x6a: {  	_ =	shalt  }
0x6b: {  	_ =	shalt  }
0x6c: {  	_ =	shalt  }
0x6d: {  	_ =	shalt  }
0x6e: {  	_ =	shalt  }
0x6f: {  	_ =	shalt  }
0x70: {  	_ =	shalt  }
0x71: {  	_ =	shalt  }
0x72: {  	_ =	shalt  }
0x73: {  	_ =	shalt  }
0x74: {  	_ =	shalt  }
0x75: {  	_ =	shalt  }
0x76: {  	_ =	shalt  }
0x77: {  	_ =	shalt  }
0x78: {  	_ =	shalt  }
0x79: {  	_ =	shalt  }
0x7a: {  	_ =	shalt  }
0x7b: {  	_ =	shalt  }
0x7c: {  	_ =	shalt  }
0x7d: {  	_ =	shalt  }
0x7e: {  	_ =	shalt  }
0x7f: {  	_ =	shalt  }
0x80: {  	_ =	shalt  }
0x81: {  	_ =	shalt  }
0x82: {  	_ =	shalt  }
0x83: {  	_ =	shalt  }
0x84: {  	_ =	shalt  }
0x85: {  	_ =	shalt  }
0x86: {  	_ =	shalt  }
0x87: {  	_ =	shalt  }
.Lfunc_end0:
.L_simem_size_0:
called_computation.1_lowered:
.L_overlay_start_0:
0x88: {  	s2 =	sld [smem:$0x3FD9]  }
0x89: {  	s3 =	sld [smem:$0x3FFE];
	_ =	sdelay $0x1  }
0x8a: {  	s1 =	srdreg.scid  }
0x8b: {  	s0 =	sand.u32 $0x1, s1  }
0x8c: {  	s17 =	sshll.u32 s0, $0xA;
	s2 =	sadd.s32 s3, s2  }
0x8d: {  	s2 =	sadd.s32 s2, s17  }
0x8e: {  	[smem:$0x3FBE] =	sst s2  }
0x8f: {  	_ = 	snop  }
0x90: {  	s2 =	sld [smem:$0x3FD0];
	(tm) =	ssettm $0x1  }
0x91: {  	s18 =	sld [smem:$0x3FFB];
	_ =	sdelay $0x3  }
0x92: {  	_ =	strace s18  }
0x93: {  	s3 =	sld [smem:$0x3FFC];
	_ =	sdelay $0x3  }
0x94: {  	_ =	strace s3  }
0x95: {  	s3 =	sld [smem:$0x3FFD];
	_ =	sdelay $0x3  }
0x96: {  	_ =	strace s3  }
0x97: {  	_ =	strace $0x8FFFFFFF  }
0x98: {  	s19 =	sld [smem:$0x3FDB];
	_ =	sdelay $0x1  }
0x99: {  	s4 =	simm.s32 $_scs_section_size  }
0x9a: {  	s5 =	simm.s32 $_size__tile_overlayer_lowered;
	s6 =	simm.s32 $_tile_overlayer_lowered  }
0x9b: {  	s22 =	simm.s32 $0x1BFF;
	s21 =	sshll.u32 s6, $0x1;
	s3 =	sadd.s32 s4, s19  }
0x9c: {  	s7 =	simm.s32 $0x0;
	s20 =	sshll.u32 s5, $0x1;
	s5 =	sadd.s32 s21, s3  }
0x9d: {  	[timem:s7], [sflag:s22] =	dma.local [hbm:s5], s20  }
0x9e: {  	_ =	swait.ge [sflag:s22], s20  }
0x9f: {  	s4 =	ssub.s32 $0x0, s20;
	[sflag:s22] =	ssyncset.done $0x0  }
0xa0: {  	[sflag:s22] =	ssyncadd.s32 s4;
	_ =	sdelay $0x1  }
0xa1: {  	s23 =	simm.s32 $0x1B8B  }
0xa2: {  	_ =	swait.ge [sflag:s23], $0x1  }
0xa3: {  	[sflag:s23] =	ssyncset.done $0x0  }
0xa4: {  	s25 =	simm.s32 $0x1B8E;
	s24 =	sld [smem:$0x3FFE];
	[sflag:s23] =	ssyncadd.s32 $0xFFFFFFFF  }
0xa5: {  	s26 =	simm.s32 $execute0_lowered;
	[smem:$0x3FD2] =	sst s25  }
0xa6: {  	s5 =	sshll.u32 s26, $0x1;
	_ =	strace $0x80000049;
	[dreg:$0x1] =	wrdreg $0xFFFFFFFF  }
0xa7: {  	s28 =	simm.s32 $_size_execute0_lowered;
	s3 =	sadd.s32 s3, s5;
	[dreg:$0x0] =	wrdreg $0x0  }
0xa8: {  	s5 =	sshll.u32 s28, $0x1;
	[dreg:$0x2] =	wrdreg s3  }
0xa9: {  	[dreg:$0x3] =	wrdreg s5  }
0xaa: {  	[dreg:$0x4] =	wrdreg $0xC0  }
0xab: {  	_ =	task [dreg:s7], $0x5FFFF  }
0xac: {  	[dreg:$0x1] =	wrdreg $0xFFFFFFFF  }
0xad: {  	[dreg:$0x0] =	wrdreg $0x60  }
0xae: {  	[dreg:$0x2] =	wrdreg s2  }
0xaf: {  	[dreg:$0x3] =	wrdreg s24  }
0xb0: {  	[dreg:$0x4] =	wrdreg $0xA0000  }
0xb1: {  	[dreg:$0x5] =	wrdreg $0x9  }
0xb2: {  	_ =	task.clear_ibuf [dreg:s7], $0x6FFFF;
	_ =	strace $0x90000049  }
0xb3: {  	s29 =	simm.s32 $0x9;
	_ =	strace $0x8000004B  }
0xb4: {  	_ =	swait.ge [sflag:s29], $0x1  }
0xb5: {  	[sflag:s29] =	ssyncadd.s32 $0xFFFFFFFF  }
0xb6: {  	_ =	strace $0x9000004B  }
0xb7: {  	_ =	sfence  }
0xb8: {  	s30 =	sld [smem:$0x0];
	_ =	sdelay $0x2  }
0xb9: {  	s31 =	sshll.u32 s1, $0xD;
	s1 =	sshrl.u32 s1, $0x2  }
0xba: {  	s3 =	sand.u32 $0x4000, s31;
	s1 =	sadd.s32 s1, s30  }
0xbb: {  	s0 =	sor.u32 s3, s0;
	s1 =	sshll.u32 s1, $0x11  }
0xbc: {  	s0 =	sor.u32 s1, s0  }
0xbd: {  	s0 =	sadd.s32 $0x8F2B, s0  }
0xbe: {  	[sflag:s0] =	ssyncadd.remote.s32 $0x1  }
0xbf: {  	_ =	sfence.sel $0xFFFF  }
0xc0: {  	[dreg:$0x0] =	wrdreg $0xFFFFFFFF;
	(pc) =	sbr.abs _section_cstart, $3  }
0xc1: {  	[dreg:$0x1] =	wrdreg $0xFFFFFFFF  }
0xc2: {  	_ =	task.clear_ibuf [dreg:s7], $0x2FFFF;
	_ =	strace $0x9FFFFFFF  }
0xc3: {  	(tm) =	ssettm $0x7FFFFFFF  }
tec
execute0_lowered:
.L_overlay_start_1:
0x0: {  	(tag) =	ssettag $0x1  }
0x1: {  	s1 =	rddreg [dreg:$0x0]  }
0x2: {  	s6 =	rddreg [dreg:$0x1]  }
0x3: {  	s3 =	rddreg [dreg:$0x2];
	s2 =	srdreg.scid  }
0x4: {  	s0 =	rddreg [dreg:$0x3];
	s4 =	simm.s32 $0x0;
	s14 =	simm.s32 $0x3  }
0x5: {  	s15 =	simm.s32 $0x1C00;
	s16 =	simm.s32 $0x64;
	s17 =	simm.s32 $0x3800  }
0x6: {  	s18 =	simm.s32 $0x80;
	s19 =	simm.s32 $0x6C00;
	s20 =	simm.s32 $0x1  }
0x7: {  	s21 =	simm.s32 $0x2;
	s22 =	simm.s32 $0x3400;
	s7 =	sand.u32 $0x1, s2  }
0x8: {  	s23 =	simm.s32 $0x3480;
	s2 =	stileid.u32;
	s8 =	smul.u32 $0x140000, s7  }
0x9: {  	s24 =	simm.s32 $0x0;
	[smem:$0x7FF] =	sst s4;
	s9 =	smul.u32 $0x14000, s2  }
0xa: {  	s5 =	sshll.u32 s7, $0x4;
	_ =	strace $0x8000004A;
	s28 =	smul.u32 $0x50000, s2  }
0xb: {  	s29 =	ssub.s32 $0x2, s7;
	s31 =	sshll.u32 s2, $0x6;
	s5 =	sor.u32 s2, s5  }
0xc: {  	s7 =	sshrl.u32 s29, $0x1;
	s5 =	smul.u32 $0x380, s5;
	s8 =	sadd.s32 s9, s8  }
0xd: {  	s30 =	sshrl.u32 s28, $0x2;
	s12 =	ssub.s32 s29, s7;
	s8 =	sshrl.u32 s8, $0x3  }
0xe: {  	s13 =	sadd.s32 s30, s3;
	s12 =	smax.u32 s12, $0x1;
	s10 =	sadd.s32 s5, s6  }
0xf: {  	s5 =	sadd.s32 $0x3000, s6;
	s11 =	sadd.s32 s8, s6;
	s6 =	sor.u32 $0x1C03, s31  }
0x10: {  	s13 =	sshrl.u32 s13, $0x3;
	s7 =	sadd.s32 $0x5C800, s10;
	s8 =	sadd.s32 $0x55800, s10  }
0x11: {  	s9 =	sadd.s32 $0x6A800, s10;
	s10 =	sadd.s32 $0x63800, s10;
	s11 =	sadd.s32 $0x71800, s11  }
.LBB2_1:
0x12: {  	[spmem:s13], [sflag:s6] =	dma.local [hbm:s5], $0x2800  }
0x13: {  	_ =	swait.ge [sflag:s14], $0x2800  }
0x14: {  	[sflag:s14] =	ssyncset.done $0x0  }
0x15: {  	[sflag:s14] =	ssyncadd.s32 $0xFFFFD800  }
0x16: {  	[bflag:$0x0] =	sbarrier.arrive $0xFFFF  }
0x17: {  	[tilespmem:s4], [sflag:$0x3] =	stream.linear.gather [hbm4b:s7+s4], $0x1900, $0x38;
	[tilespmem:$0x1E000] =	vst v63  }
0x18: {  	_ =	swait.ge [sflag:s14], $0x1900  }
0x19: {  	[sflag:s14] =	ssyncset.done $0x0  }
0x1a: {  	[sflag:s14] =	ssyncadd.s32 $0xFFFFE700  }
0x1b: {  	[tilespmem:s15], [sflag:$0x3] =	stream.linear.gather [hbm4b:s8+s4], $0x1900, $0x38;
	[tilespmem:$0x1E000] =	vst v63  }
0x1c: {  	_ =	swait.ge [sflag:s14], $0x1900  }
0x1d: {  	[sflag:s14] =	ssyncset.done $0x0  }
0x1e: {  	[sflag:s14] =	ssyncadd.s32 $0xFFFFE700  }
0x1f: {  	[tilespmem:s17], [sflag:$0x1] =	stream.indirect.gather [hbm4b:s1+s16], $0x80, s4, s16, $0xb8;
	[tilespmem:$0x1E000] =	vst v63  }
0x20: {  	_ = 	snop  }
0x21: {  	[tilespmem:s19], [sflag:$0x2] =	stream.indirect.gather [hbm4b:s1+s16], $0x80, s18, s16, $0xb8;
	[tilespmem:$0x1E000] =	vst v63  }
0x22: {  	_ =	swait.ge [sflag:s20], $0x3200  }
0x23: {  	[sflag:s20] =	ssyncset.done $0x0  }
0x24: {  	s25 =	simm.s32 $0x1C00;
	[sflag:s20] =	ssyncadd.s32 $0xFFFFCE00  }
0x25: {  	[spmem:s3] =	stream.indirect.scatter.add.f32 [tilespmem:s17], [sflag:$0x1], $0x80, s25, s16, $0xb8;
	[tilespmem:$0x1E000] =	vst v63  }
0x26: {  	_ =	swait.ge [sflag:s20], $0x3200  }
0x27: {  	[sflag:s20] =	ssyncset.done $0x0  }
0x28: {  	s30 =	simm.s32 $0x100;
	[sflag:s20] =	ssyncadd.s32 $0xFFFFCE00  }
0x29: {  	[tilespmem:s17], [sflag:$0x1] =	stream.indirect.gather [hbm4b:s1+s16], $0x80, s30, s16, $0xb8;
	[tilespmem:$0x1E000] =	vst v63  }
0x2a: {  	_ =	swait.ge [sflag:s21], $0x3200  }
0x2b: {  	[sflag:s21] =	ssyncset.done $0x0  }
0x2c: {  	s31 =	simm.s32 $0x1C80;
	[sflag:s21] =	ssyncadd.s32 $0xFFFFCE00  }
0x2d: {  	[spmem:s3] =	stream.indirect.scatter.add.f32 [tilespmem:s19], [sflag:$0x2], $0x80, s31, s16, $0xb8;
	[tilespmem:$0x1E000] =	vst v63  }
0x2e: {  	_ =	swait.ge [sflag:s21], $0x3200  }
0x2f: {  	[sflag:s21] =	ssyncset.done $0x0  }
0x30: {  	s26 =	simm.s32 $0x180;
	s25 =	simm.s32 $0x400;
	[sflag:s21] =	ssyncadd.s32 $0xFFFFCE00  }
.LBB2_2:
0x31: {  	[tilespmem:s19], [sflag:$0x2] =	stream.indirect.gather [hbm4b:s1+s16], $0x80, s26, s16, $0xb8;
	[tilespmem:$0x1E000] =	vst v63  }
0x32: {  	s26 =	smov.u32 s25  }
0x33: {  	p0 =	sne.s32 s25, $0x5C00;
	s25 =	sadd.s32 $0x400, s25;
	_ =	swait.ge [sflag:s20], $0x3200  }
0x34: {  	s26 =	sshra.s32 s26, $0x2;
	[sflag:s20] =	ssyncset.done $0x0  }
0x35: {  	s28 =	sadd.s32 $0x1C00, s26;
	[sflag:s20] =	ssyncadd.s32 $0xFFFFCE00  }
0x36: {  	[spmem:s3] =	stream.indirect.scatter.add.f32 [tilespmem:s17], [sflag:$0x1], $0x80, s28, s16, $0xb8;
	[tilespmem:$0x1E000] =	vst v63  }
0x37: {  	_ =	swait.ge [sflag:s20], $0x3200  }
0x38: {  	[sflag:s20] =	ssyncset.done $0x0  }
0x39: {  	s28 =	sadd.s32 $0x100, s26;
	[sflag:s20] =	ssyncadd.s32 $0xFFFFCE00  }
0x3a: {  	[tilespmem:s17], [sflag:$0x1] =	stream.indirect.gather [hbm4b:s1+s16], $0x80, s28, s16, $0xb8;
	[tilespmem:$0x1E000] =	vst v63  }
0x3b: {  	_ =	swait.ge [sflag:s21], $0x3200  }
0x3c: {  	[sflag:s21] =	ssyncset.done $0x0  }
.Ltmp0:
0x3d: {  	s28 =	sadd.s32 $0x1C80, s26;
	[sflag:s21] =	ssyncadd.s32 $0xFFFFCE00;
	(pc) =	sbr.rel @p0 .LBB2_2-.Ltmp0, $4  }
0x3e: {  	[spmem:s3] =	stream.indirect.scatter.add.f32 [tilespmem:s19], [sflag:$0x2], $0x80, s28, s16, $0xb8;
	[tilespmem:$0x1E000] =	vst v63  }
0x3f: {  	_ =	swait.ge [sflag:s21], $0x3200  }
0x40: {  	[sflag:s21] =	ssyncset.done $0x0  }
0x41: {  	s26 =	sadd.s32 $0x180, s26;
	[sflag:s21] =	ssyncadd.s32 $0xFFFFCE00  }
0x42: {  	[tilespmem:s19], [sflag:$0x2] =	stream.indirect.gather [hbm4b:s1+s16], $0x80, s26, s16, $0xb8;
	[tilespmem:$0x1E000] =	vst v63  }
0x43: {  	_ =	swait.ge [sflag:s20], $0x3200  }
0x44: {  	[sflag:s20] =	ssyncset.done $0x0  }
0x45: {  	[sflag:s20] =	ssyncadd.s32 $0xFFFFCE00  }
0x46: {  	[spmem:s3] =	stream.indirect.scatter.add.f32 [tilespmem:s17], [sflag:$0x1], $0x80, s22, s16, $0xb8;
	[tilespmem:$0x1E000] =	vst v63  }
0x47: {  	_ =	swait.ge [sflag:s20], $0x3200  }
0x48: {  	[sflag:s20] =	ssyncset.done $0x0  }
0x49: {  	s25 =	simm.s32 $0x0;
	[sflag:s20] =	ssyncadd.s32 $0xFFFFCE00  }
0x4a: {  	[tilespmem:s17], [sflag:$0x1] =	stream.indirect.gather [hbm4b:s1+s16], $0x80, s25, s16, $0xb8;
	[tilespmem:$0x1E000] =	vst v63  }
0x4b: {  	_ =	swait.ge [sflag:s21], $0x3200  }
0x4c: {  	[sflag:s21] =	ssyncset.done $0x0  }
0x4d: {  	[sflag:s21] =	ssyncadd.s32 $0xFFFFCE00  }
0x4e: {  	[spmem:s3] =	stream.indirect.scatter.add.f32 [tilespmem:s19], [sflag:$0x2], $0x80, s23, s16, $0xb8;
	[tilespmem:$0x1E000] =	vst v63  }
0x4f: {  	_ =	swait.ge [sflag:s21], $0x3200  }
0x50: {  	[sflag:s21] =	ssyncset.done $0x0  }
0x51: {  	[sflag:s21] =	ssyncadd.s32 $0xFFFFCE00  }
0x52: {  	[tilespmem:s19], [sflag:$0x2] =	stream.indirect.gather [hbm4b:s1+s16], $0x80, s18, s16, $0xb8;
	[tilespmem:$0x1E000] =	vst v63  }
0x53: {  	_ =	swait.ge [sflag:s20], $0x3200  }
0x54: {  	[sflag:s20] =	ssyncset.done $0x0  }
0x55: {  	[sflag:s20] =	ssyncadd.s32 $0xFFFFCE00  }
0x56: {  	_ =	swait.ge [sflag:s21], $0x3200  }
0x57: {  	[sflag:s21] =	ssyncset.done $0x0  }
0x58: {  	[sflag:s21] =	ssyncadd.s32 $0xFFFFCE00  }
0x59: {  	[tilespmem:s25], [sflag:$0x3] =	stream.linear.gather [hbm4b:s9+s25], $0x1900, $0x38;
	[tilespmem:$0x1E000] =	vst v63  }
0x5a: {  	_ =	swait.ge [sflag:s14], $0x1900  }
0x5b: {  	[sflag:s14] =	ssyncset.done $0x0  }
0x5c: {  	[sflag:s14] =	ssyncadd.s32 $0xFFFFE700  }
0x5d: {  	[tilespmem:s15], [sflag:$0x3] =	stream.linear.gather [hbm4b:s10+s25], $0x1900, $0x38;
	[tilespmem:$0x1E000] =	vst v63  }
0x5e: {  	_ =	swait.ge [sflag:s14], $0x1900  }
0x5f: {  	[sflag:s14] =	ssyncset.done $0x0  }
0x60: {  	[sflag:s14] =	ssyncadd.s32 $0xFFFFE700  }
0x61: {  	[tilespmem:s17], [sflag:$0x1] =	stream.indirect.gather [hbm4b:s1+s16], $0x80, s25, s16, $0xb8;
	[tilespmem:$0x1E000] =	vst v63  }
0x62: {  	_ = 	snop  }
0x63: {  	[tilespmem:s19], [sflag:$0x2] =	stream.indirect.gather [hbm4b:s1+s16], $0x80, s18, s16, $0xb8;
	[tilespmem:$0x1E000] =	vst v63  }
0x64: {  	_ =	swait.ge [sflag:s20], $0x3200  }
0x65: {  	[sflag:s20] =	ssyncset.done $0x0  }
0x66: {  	s29 =	simm.s32 $0x1C00;
	[sflag:s20] =	ssyncadd.s32 $0xFFFFCE00  }
0x67: {  	[spmem:s3] =	stream.indirect.scatter.add.f32 [tilespmem:s17], [sflag:$0x1], $0x80, s29, s16, $0xb8;
	[tilespmem:$0x1E000] =	vst v63  }
0x68: {  	_ =	swait.ge [sflag:s20], $0x3200  }
0x69: {  	[sflag:s20] =	ssyncset.done $0x0  }
0x6a: {  	s30 =	simm.s32 $0x100;
	[sflag:s20] =	ssyncadd.s32 $0xFFFFCE00  }
0x6b: {  	[tilespmem:s17], [sflag:$0x1] =	stream.indirect.gather [hbm4b:s1+s16], $0x80, s30, s16, $0xb8;
	[tilespmem:$0x1E000] =	vst v63  }
0x6c: {  	_ =	swait.ge [sflag:s21], $0x3200  }
0x6d: {  	[sflag:s21] =	ssyncset.done $0x0  }
0x6e: {  	s31 =	simm.s32 $0x1C80;
	[sflag:s21] =	ssyncadd.s32 $0xFFFFCE00  }
0x6f: {  	[spmem:s3] =	stream.indirect.scatter.add.f32 [tilespmem:s19], [sflag:$0x2], $0x80, s31, s16, $0xb8;
	[tilespmem:$0x1E000] =	vst v63  }
0x70: {  	_ =	swait.ge [sflag:s21], $0x3200  }
0x71: {  	[sflag:s21] =	ssyncset.done $0x0  }
0x72: {  	s26 =	simm.s32 $0x180;
	s25 =	simm.s32 $0x400;
	[sflag:s21] =	ssyncadd.s32 $0xFFFFCE00  }
.LBB2_4:
0x73: {  	[tilespmem:s19], [sflag:$0x2] =	stream.indirect.gather [hbm4b:s1+s16], $0x80, s26, s16, $0xb8;
	[tilespmem:$0x1E000] =	vst v63  }
0x74: {  	s26 =	smov.u32 s25  }
0x75: {  	p0 =	sne.s32 s25, $0x5C00;
	s25 =	sadd.s32 $0x400, s25;
	_ =	swait.ge [sflag:s20], $0x3200  }
0x76: {  	s26 =	sshra.s32 s26, $0x2;
	[sflag:s20] =	ssyncset.done $0x0  }
0x77: {  	s28 =	sadd.s32 $0x1C00, s26;
	[sflag:s20] =	ssyncadd.s32 $0xFFFFCE00  }
0x78: {  	[spmem:s3] =	stream.indirect.scatter.add.f32 [tilespmem:s17], [sflag:$0x1], $0x80, s28, s16, $0xb8;
	[tilespmem:$0x1E000] =	vst v63  }
0x79: {  	_ =	swait.ge [sflag:s20], $0x3200  }
0x7a: {  	[sflag:s20] =	ssyncset.done $0x0  }
0x7b: {  	s28 =	sadd.s32 $0x100, s26;
	[sflag:s20] =	ssyncadd.s32 $0xFFFFCE00  }
0x7c: {  	[tilespmem:s17], [sflag:$0x1] =	stream.indirect.gather [hbm4b:s1+s16], $0x80, s28, s16, $0xb8;
	[tilespmem:$0x1E000] =	vst v63  }
0x7d: {  	_ =	swait.ge [sflag:s21], $0x3200  }
0x7e: {  	[sflag:s21] =	ssyncset.done $0x0  }
.Ltmp1:
0x7f: {  	s28 =	sadd.s32 $0x1C80, s26;
	[sflag:s21] =	ssyncadd.s32 $0xFFFFCE00;
	(pc) =	sbr.rel @p0 .LBB2_4-.Ltmp1, $4  }
0x80: {  	[spmem:s3] =	stream.indirect.scatter.add.f32 [tilespmem:s19], [sflag:$0x2], $0x80, s28, s16, $0xb8;
	[tilespmem:$0x1E000] =	vst v63  }
0x81: {  	_ =	swait.ge [sflag:s21], $0x3200  }
0x82: {  	[sflag:s21] =	ssyncset.done $0x0  }
0x83: {  	s26 =	sadd.s32 $0x180, s26;
	[sflag:s21] =	ssyncadd.s32 $0xFFFFCE00  }
0x84: {  	[tilespmem:s19], [sflag:$0x2] =	stream.indirect.gather [hbm4b:s1+s16], $0x80, s26, s16, $0xb8;
	[tilespmem:$0x1E000] =	vst v63  }
0x85: {  	_ =	swait.ge [sflag:s20], $0x3200  }
0x86: {  	[sflag:s20] =	ssyncset.done $0x0  }
0x87: {  	[sflag:s20] =	ssyncadd.s32 $0xFFFFCE00  }
0x88: {  	[spmem:s3] =	stream.indirect.scatter.add.f32 [tilespmem:s17], [sflag:$0x1], $0x80, s22, s16, $0xb8;
	[tilespmem:$0x1E000] =	vst v63  }
0x89: {  	_ =	swait.ge [sflag:s20], $0x3200  }
0x8a: {  	[sflag:s20] =	ssyncset.done $0x0  }
0x8b: {  	[sflag:s20] =	ssyncadd.s32 $0xFFFFCE00  }
0x8c: {  	[tilespmem:s17], [sflag:$0x1] =	stream.indirect.gather [hbm4b:s1+s16], $0x80, s4, s16, $0xb8;
	[tilespmem:$0x1E000] =	vst v63  }
0x8d: {  	_ =	swait.ge [sflag:s21], $0x3200  }
0x8e: {  	[sflag:s21] =	ssyncset.done $0x0  }
0x8f: {  	[sflag:s21] =	ssyncadd.s32 $0xFFFFCE00  }
0x90: {  	[spmem:s3] =	stream.indirect.scatter.add.f32 [tilespmem:s19], [sflag:$0x2], $0x80, s23, s16, $0xb8;
	[tilespmem:$0x1E000] =	vst v63  }
0x91: {  	_ =	swait.ge [sflag:s21], $0x3200  }
0x92: {  	[sflag:s21] =	ssyncset.done $0x0  }
0x93: {  	[sflag:s21] =	ssyncadd.s32 $0xFFFFCE00  }
0x94: {  	[tilespmem:s19], [sflag:$0x2] =	stream.indirect.gather [hbm4b:s1+s16], $0x80, s18, s16, $0xb8;
	[tilespmem:$0x1E000] =	vst v63  }
0x95: {  	_ =	swait.ge [sflag:s20], $0x3200  }
0x96: {  	[sflag:s20] =	ssyncset.done $0x0  }
0x97: {  	[sflag:s20] =	ssyncadd.s32 $0xFFFFCE00  }
0x98: {  	_ =	swait.ge [sflag:s21], $0x3200  }
0x99: {  	s24 =	sadd.s32 $0x1, s24;
	[sflag:s21] =	ssyncset.done $0x0  }
0x9a: {  	p0 =	sne.s32 s24, s12;
	[sflag:s21] =	ssyncadd.s32 $0xFFFFCE00  }
.Ltmp2:
0x9b: {  	[bflag:$0x0] =	sbarrier.arrive $0xFFFF;
	(pc) =	sbr.rel @p0 .LBB2_1-.Ltmp2, $4  }
0x9c: {  	[hbm:s11], [sflag:s6] =	dma.local [spmem:s13], $0x2800  }
0x9d: {  	_ =	swait.ge [sflag:s14], $0x2800  }
0x9e: {  	[sflag:s14] =	ssyncset.done $0x0  }
0x9f: {  	[sflag:s14] =	ssyncadd.s32 $0xFFFFD800  }
0xa0: {  	_ =	sfence.sel $0x180000  }
0xa1: {  	[bflag:$0x0] =	sbarrier.arrive $0xFFFF  }
0xa2: {  	p0 =	sne.s32 s2, $0x0;
	_ =	strace $0x9000004A  }
0xa3: {  	s0 =	sadd.s32 @!p0 $0x100000, s0;
	[bflag:$0x2] =	sbarrier.arrive $0xFFFF  }
0xa4: {  	[sflag:s0] =	ssyncadd.tile.s32 @!p0 $0x1;
	_ =	shalt  }
.Lfunc_end2:
_tile_overlayer_lowered:
.L_overlay_start_2:
0xa5: {  	(tag) =	ssettag $0x2  }
0xa6: {  	s0 =	rddreg [dreg:$0x0];
	s2 =	stileid.u32  }
0xa7: {  	s1 =	rddreg [dreg:$0x1];
	p0 =	sne.s32 s2, $0x0  }
0xa8: {  	s3 =	rddreg [dreg:$0x2];
	[bflag:$0x3] =	sbarrier.arrive $0xFFFF;
	s2 =	simm.s32 @!p0 $0x1C03  }
0xa9: {  	[timem:s3], [sflag:s2] =	dma.local @!p0 [hbm:s0], s1  }
0xaa: {  	s0 =	simm.s32 @!p0 $0x3  }
0xab: {  	_ =	swait.ge @!p0 [sflag:s0], s1  }
0xac: {  	s1 =	ssub.s32 @!p0 $0x0, s1;
	[sflag:s0] =	ssyncset.done @!p0 $0x0  }
0xad: {  	[sflag:s0] =	ssyncadd.s32 @!p0 s1  }
0xae: {  	[bflag:$0x3] =	sbarrier.arrive $0xFFFF  }
0xaf: {  	_ =	shalt  }

// kernel: kernel.14.cloned.1.call-start
scs
__scs_entry_jumppad:
0x0: {  	(pc) =	sbr.rel $0x88, $3  }
0x1: {  	(tag) =	ssettag $0x0;
	lr =	simm.s32 $0x1  }
0x2: {  	[smem:$0x3F97] =	sst lr;
	_ =	strace $0xD0000000  }
0x3: {  	_ = 	snop  }
0x4: {  	_ = 	snop  }
0x5: {  	_ = 	snop  }
0x6: {  	_ = 	snop  }
0x7: {  	_ = 	snop  }
__scs_overlays_trampoline_lowered:
0x8: {  	[smem:$0x3FA6] =	sst s0  }
0x9: {  	[smem:$0x3FA7] =	sst s1  }
0xa: {  	[smem:$0x3FA8] =	sst s2  }
0xb: {  	[smem:$0x3FA9] =	sst s3  }
0xc: {  	[smem:$0x3FAA] =	sst s4  }
0xd: {  	[smem:$0x3FAB] =	sst s5  }
0xe: {  	[smem:$0x3FAC] =	sst s6  }
0xf: {  	[smem:$0x3FAD] =	sst s7  }
0x10: {  	[smem:$0x3FAE] =	sst s8  }
0x11: {  	[smem:$0x3FAF] =	sst s9;
	s0 =	simm.s32 @!p0 $0x0  }
0x12: {  	s1 =	sld [smem:$0x3F95];
	s0 =	simm.s32 @p0 $0x1  }
0x13: {  	[smem:$0x3FB0] =	sst s0;
	s0 =	simm.s32 @!p1 $0x0  }
0x14: {  	s2 =	sld [smem:$0x3F94];
	s0 =	simm.s32 @p1 $0x1  }
0x15: {  	[smem:$0x3FB1] =	sst s0;
	s0 =	simm.s32 @!p2 $0x0  }
0x16: {  	s3 =	sld [smem:$0x3FDB];
	s0 =	simm.s32 @p2 $0x1  }
0x17: {  	s4 =	simm.s32 $0x1BF5;
	[smem:$0x3FB3] =	sst s0  }
0x18: {  	s0 =	sld [smem:$0x3F96];
	_ =	swait.ge [sflag:s4], $0x0  }
0x19: {  	s7 =	sld [smem:$0x3F97]  }
0x1a: {  	s8 =	sadd.s32 $0xFFFFE003, lr  }
0x1b: {  	s9 =	sadd.s32 $0xFFFFFEF7, lr;
	s5 =	simm.s32 $0xFFFFFFFF;
	p2 =	slt.u32 s8, $0xFFFFF086  }
0x1c: {  	p1 =	slt.u32 s9, $0xF7A;
	s5 =	simm.s32 @!p2 $0x0  }
0x1d: {  	s5 =	simm.s32 @p1 $0x1;
	p0 =	seq.s32 s7, s2  }
0x1e: {  	s7 =	smul.u32 @!p0 $0xF7A, s2;
	p2 =	seq.s32 @!p0 s5, $0x0  }
0x1f: {  	s9 =	smul.u32 $0xF7A, s1;
	s8 =	simm.s32 @!p0 $0x1BF5;
	p2 =	por !p2, p0  }
0x20: {  	[sflag:s8] =	ssyncset.s32 @!p0 $0xFFFFF086;
	s6 =	sadd.s32 @!p0 s3, s7;
	s7 =	simm.s32 @!p0 $0x108  }
0x21: {  	s3 =	sadd.s32 s3, s9;
	s6 =	sadd.s32 @!p0 $0x88, s6;
	s7 =	simm.s32 @p2 $0x1082  }
0x22: {  	[simem:s7], [sflag:s8] =	dma.local @!p0 [hbm:s6], $0xF7A  }
0x23: {  	s9 =	sor.u32 $0xD0000000, s2;
	s6 =	simm.s32 $0x108;
	_ =	swait.ge @!p0 [sflag:s8], $0x0  }
0x24: {  	s3 =	sadd.s32 $0x88, s3;
	s6 =	simm.s32 @!p1 $0x1082;
	[sflag:s4] =	ssyncset.s32 $0xFFFFF086  }
0x25: {  	[simem:s6], [sflag:s4] =	dma.local [hbm:s3], $0xF7A  }
0x26: {  	[smem:$0x3F97] =	sst s1;
	(tag) =	ssettag s2;
	_ =	strace s9  }
0x27: {  	s1 =	sld [smem:$0x3FA7]  }
0x28: {  	s2 =	sld [smem:$0x3FA8]  }
0x29: {  	s4 =	sld [smem:$0x3FAA]  }
0x2a: {  	p0 =	seq.s32 s5, $0x0;
	s5 =	sld [smem:$0x3FAB]  }
0x2b: {  	s6 =	sld [smem:$0x3FAC]  }
0x2c: {  	s7 =	sld [smem:$0x3FAD]  }
0x2d: {  	s3 =	simm.s32 $0x108;
	s8 =	sld [smem:$0x3FAE]  }
0x2e: {  	s3 =	simm.s32 @!p0 $0x1082;
	s9 =	sld [smem:$0x3FAF]  }
0x2f: {  	lr =	sadd.s32 s0, s3;
	s0 =	sld [smem:$0x3FA6]  }
0x30: {  	s3 =	sld [smem:$0x3FA9]  }
0x31: {  	[smem:$0x3FB2] =	sst s10  }
0x32: {  	s10 =	sld [smem:$0x3FB0];
	_ =	sdelay $0x3  }
0x33: {  	p0 =	seq.s32 s10, $0x1;
	s10 =	sld [smem:$0x3FB2];
	_ =	sdelay $0x3  }
0x34: {  	[smem:$0x3FB2] =	sst s10  }
0x35: {  	s10 =	sld [smem:$0x3FB1];
	_ =	sdelay $0x3  }
0x36: {  	p1 =	seq.s32 s10, $0x1;
	s10 =	sld [smem:$0x3FB2];
	_ =	sdelay $0x3  }
0x37: {  	[smem:$0x3FB2] =	sst s10  }
0x38: {  	s10 =	sld [smem:$0x3FB3]  }
0x39: {  	_ = 	snop;
	(pc) =	sbr.ind lr, $3  }
0x3a: {  	_ = 	snop  }
0x3b: {  	_ = 	snop  }
0x3c: {  	p2 =	seq.s32 s10, $0x1;
	s10 =	sld [smem:$0x3FB2]  }
0x3d: {  	_ =	shalt  }
0x3e: {  	_ =	shalt  }
0x3f: {  	_ =	shalt  }
0x40: {  	_ =	shalt  }
0x41: {  	_ =	shalt  }
0x42: {  	_ =	shalt  }
0x43: {  	_ =	shalt  }
0x44: {  	_ =	shalt  }
0x45: {  	_ =	shalt  }
0x46: {  	_ =	shalt  }
0x47: {  	_ =	shalt  }
0x48: {  	_ =	shalt  }
0x49: {  	_ =	shalt  }
0x4a: {  	_ =	shalt  }
0x4b: {  	_ =	shalt  }
0x4c: {  	_ =	shalt  }
0x4d: {  	_ =	shalt  }
0x4e: {  	_ =	shalt  }
0x4f: {  	_ =	shalt  }
0x50: {  	_ =	shalt  }
0x51: {  	_ =	shalt  }
0x52: {  	_ =	shalt  }
0x53: {  	_ =	shalt  }
0x54: {  	_ =	shalt  }
0x55: {  	_ =	shalt  }
0x56: {  	_ =	shalt  }
0x57: {  	_ =	shalt  }
0x58: {  	_ =	shalt  }
0x59: {  	_ =	shalt  }
0x5a: {  	_ =	shalt  }
0x5b: {  	_ =	shalt  }
0x5c: {  	_ =	shalt  }
0x5d: {  	_ =	shalt  }
0x5e: {  	_ =	shalt  }
0x5f: {  	_ =	shalt  }
0x60: {  	_ =	shalt  }
0x61: {  	_ =	shalt  }
0x62: {  	_ =	shalt  }
0x63: {  	_ =	shalt  }
0x64: {  	_ =	shalt  }
0x65: {  	_ =	shalt  }
0x66: {  	_ =	shalt  }
0x67: {  	_ =	shalt  }
0x68: {  	_ =	shalt  }
0x69: {  	_ =	shalt  }
0x6a: {  	_ =	shalt  }
0x6b: {  	_ =	shalt  }
0x6c: {  	_ =	shalt  }
0x6d: {  	_ =	shalt  }
0x6e: {  	_ =	shalt  }
0x6f: {  	_ =	shalt  }
0x70: {  	_ =	shalt  }
0x71: {  	_ =	shalt  }
0x72: {  	_ =	shalt  }
0x73: {  	_ =	shalt  }
0x74: {  	_ =	shalt  }
0x75: {  	_ =	shalt  }
0x76: {  	_ =	shalt  }
0x77: {  	_ =	shalt  }
0x78: {  	_ =	shalt  }
0x79: {  	_ =	shalt  }
0x7a: {  	_ =	shalt  }
0x7b: {  	_ =	shalt  }
0x7c: {  	_ =	shalt  }
0x7d: {  	_ =	shalt  }
0x7e: {  	_ =	shalt  }
0x7f: {  	_ =	shalt  }
0x80: {  	_ =	shalt  }
0x81: {  	_ =	shalt  }
0x82: {  	_ =	shalt  }
0x83: {  	_ =	shalt  }
0x84: {  	_ =	shalt  }
0x85: {  	_ =	shalt  }
0x86: {  	_ =	shalt  }
0x87: {  	_ =	shalt  }
.Lfunc_end0:
.L_simem_size_0:
called_computation.2_lowered:
.L_overlay_start_0:
0x88: {  	s2 =	sld [smem:$0x3FD9]  }
0x89: {  	s3 =	sld [smem:$0x3FFE];
	_ =	sdelay $0x1  }
0x8a: {  	s1 =	srdreg.scid  }
0x8b: {  	s0 =	sand.u32 $0x1, s1  }
0x8c: {  	s17 =	sshll.u32 s0, $0xA;
	s2 =	sadd.s32 s3, s2  }
0x8d: {  	s2 =	sadd.s32 s2, s17  }
0x8e: {  	[smem:$0x3FBE] =	sst s2  }
0x8f: {  	_ = 	snop  }
0x90: {  	s2 =	sld [smem:$0x3FD0];
	(tm) =	ssettm $0x1  }
0x91: {  	s18 =	sld [smem:$0x3FFB];
	_ =	sdelay $0x3  }
0x92: {  	_ =	strace s18  }
0x93: {  	s3 =	sld [smem:$0x3FFC];
	_ =	sdelay $0x3  }
0x94: {  	_ =	strace s3  }
0x95: {  	s3 =	sld [smem:$0x3FFD];
	_ =	sdelay $0x3  }
0x96: {  	_ =	strace s3  }
0x97: {  	_ =	strace $0x8FFFFFFF  }
0x98: {  	s19 =	sld [smem:$0x3FDB];
	_ =	sdelay $0x1  }
0x99: {  	s4 =	simm.s32 $_scs_section_size  }
0x9a: {  	s5 =	simm.s32 $_size__tile_overlayer_lowered;
	s6 =	simm.s32 $_tile_overlayer_lowered  }
0x9b: {  	s22 =	simm.s32 $0x1BFF;
	s21 =	sshll.u32 s6, $0x1;
	s3 =	sadd.s32 s4, s19  }
0x9c: {  	s7 =	simm.s32 $0x0;
	s20 =	sshll.u32 s5, $0x1;
	s5 =	sadd.s32 s21, s3  }
0x9d: {  	[timem:s7], [sflag:s22] =	dma.local [hbm:s5], s20  }
0x9e: {  	_ =	swait.ge [sflag:s22], s20  }
0x9f: {  	s4 =	ssub.s32 $0x0, s20;
	[sflag:s22] =	ssyncset.done $0x0  }
0xa0: {  	[sflag:s22] =	ssyncadd.s32 s4;
	_ =	sdelay $0x1  }
0xa1: {  	s23 =	simm.s32 $0x1B8B  }
0xa2: {  	_ =	swait.ge [sflag:s23], $0x1  }
0xa3: {  	[sflag:s23] =	ssyncset.done $0x0  }
0xa4: {  	s25 =	simm.s32 $0x1B8E;
	s24 =	sld [smem:$0x3FFE];
	[sflag:s23] =	ssyncadd.s32 $0xFFFFFFFF  }
0xa5: {  	s26 =	simm.s32 $execute0_lowered;
	[smem:$0x3FD2] =	sst s25  }
0xa6: {  	s5 =	sshll.u32 s26, $0x1;
	_ =	strace $0x8000004C;
	[dreg:$0x1] =	wrdreg $0xFFFFFFFF  }
0xa7: {  	s28 =	simm.s32 $_size_execute0_lowered;
	s3 =	sadd.s32 s3, s5;
	[dreg:$0x0] =	wrdreg $0x0  }
0xa8: {  	s5 =	sshll.u32 s28, $0x1;
	[dreg:$0x2] =	wrdreg s3  }
0xa9: {  	[dreg:$0x3] =	wrdreg s5  }
0xaa: {  	[dreg:$0x4] =	wrdreg $0xC0  }
0xab: {  	_ =	task [dreg:s7], $0x5FFFF  }
0xac: {  	[dreg:$0x1] =	wrdreg $0xFFFFFFFF  }
0xad: {  	[dreg:$0x0] =	wrdreg $0x60  }
0xae: {  	[dreg:$0x2] =	wrdreg s2  }
0xaf: {  	[dreg:$0x3] =	wrdreg s24  }
0xb0: {  	[dreg:$0x4] =	wrdreg $0xA0000  }
0xb1: {  	[dreg:$0x5] =	wrdreg $0x9  }
0xb2: {  	_ =	task.clear_ibuf [dreg:s7], $0x6FFFF;
	_ =	strace $0x9000004C  }
0xb3: {  	s29 =	simm.s32 $0x9;
	_ =	strace $0x8000004E  }
0xb4: {  	_ =	swait.ge [sflag:s29], $0x1  }
0xb5: {  	[sflag:s29] =	ssyncadd.s32 $0xFFFFFFFF  }
0xb6: {  	_ =	strace $0x9000004E  }
0xb7: {  	_ =	sfence  }
0xb8: {  	s30 =	sld [smem:$0x0];
	_ =	sdelay $0x2  }
0xb9: {  	s31 =	sshll.u32 s1, $0xD;
	s1 =	sshrl.u32 s1, $0x2  }
0xba: {  	s3 =	sand.u32 $0x4000, s31;
	s1 =	sadd.s32 s1, s30  }
0xbb: {  	s0 =	sor.u32 s3, s0;
	s1 =	sshll.u32 s1, $0x11  }
0xbc: {  	s0 =	sor.u32 s1, s0  }
0xbd: {  	s0 =	sadd.s32 $0x8F2B, s0  }
0xbe: {  	[sflag:s0] =	ssyncadd.remote.s32 $0x1  }
0xbf: {  	_ =	sfence.sel $0xFFFF  }
0xc0: {  	[dreg:$0x0] =	wrdreg $0xFFFFFFFF;
	(pc) =	sbr.abs _section_cstart, $3  }
0xc1: {  	[dreg:$0x1] =	wrdreg $0xFFFFFFFF  }
0xc2: {  	_ =	task.clear_ibuf [dreg:s7], $0x2FFFF;
	_ =	strace $0x9FFFFFFF  }
0xc3: {  	(tm) =	ssettm $0x7FFFFFFF  }
tec
execute0_lowered:
.L_overlay_start_1:
0x0: {  	(tag) =	ssettag $0x1  }
0x1: {  	s1 =	rddreg [dreg:$0x0]  }
0x2: {  	s6 =	rddreg [dreg:$0x1]  }
0x3: {  	s3 =	rddreg [dreg:$0x2];
	s2 =	srdreg.scid  }
0x4: {  	s0 =	rddreg [dreg:$0x3];
	s4 =	simm.s32 $0x0;
	s14 =	simm.s32 $0x3  }
0x5: {  	s15 =	simm.s32 $0x1C00;
	s16 =	simm.s32 $0x64;
	s17 =	simm.s32 $0x3800  }
0x6: {  	s18 =	simm.s32 $0x80;
	s19 =	simm.s32 $0x6C00;
	s20 =	simm.s32 $0x1  }
0x7: {  	s21 =	simm.s32 $0x2;
	s22 =	simm.s32 $0x3400;
	s7 =	sand.u32 $0x1, s2  }
0x8: {  	s23 =	simm.s32 $0x3480;
	s2 =	stileid.u32;
	s8 =	smul.u32 $0x140000, s7  }
0x9: {  	s24 =	simm.s32 $0x0;
	[smem:$0x7FF] =	sst s4;
	s9 =	smul.u32 $0x14000, s2  }
0xa: {  	s5 =	sshll.u32 s7, $0x4;
	_ =	strace $0x8000004D;
	s28 =	smul.u32 $0x50000, s2  }
0xb: {  	s29 =	ssub.s32 $0x2, s7;
	s31 =	sshll.u32 s2, $0x6;
	s5 =	sor.u32 s2, s5  }
0xc: {  	s7 =	sshrl.u32 s29, $0x1;
	s5 =	smul.u32 $0x380, s5;
	s8 =	sadd.s32 s9, s8  }
0xd: {  	s30 =	sshrl.u32 s28, $0x2;
	s12 =	ssub.s32 s29, s7;
	s8 =	sshrl.u32 s8, $0x3  }
0xe: {  	s13 =	sadd.s32 s30, s3;
	s12 =	smax.u32 s12, $0x1;
	s10 =	sadd.s32 s5, s6  }
0xf: {  	s5 =	sadd.s32 $0x3000, s6;
	s11 =	sadd.s32 s8, s6;
	s6 =	sor.u32 $0x1C03, s31  }
0x10: {  	s13 =	sshrl.u32 s13, $0x3;
	s7 =	sadd.s32 $0x5C800, s10;
	s8 =	sadd.s32 $0x55800, s10  }
0x11: {  	s9 =	sadd.s32 $0x6A800, s10;
	s10 =	sadd.s32 $0x63800, s10;
	s11 =	sadd.s32 $0x71800, s11  }
.LBB2_1:
0x12: {  	[spmem:s13], [sflag:s6] =	dma.local [hbm:s5], $0x2800  }
0x13: {  	_ =	swait.ge [sflag:s14], $0x2800  }
0x14: {  	[sflag:s14] =	ssyncset.done $0x0  }
0x15: {  	[sflag:s14] =	ssyncadd.s32 $0xFFFFD800  }
0x16: {  	[bflag:$0x0] =	sbarrier.arrive $0xFFFF  }
0x17: {  	[tilespmem:s4], [sflag:$0x3] =	stream.linear.gather [hbm4b:s7+s4], $0x1900, $0x38;
	[tilespmem:$0x1E000] =	vst v63  }
0x18: {  	_ =	swait.ge [sflag:s14], $0x1900  }
0x19: {  	[sflag:s14] =	ssyncset.done $0x0  }
0x1a: {  	[sflag:s14] =	ssyncadd.s32 $0xFFFFE700  }
0x1b: {  	[tilespmem:s15], [sflag:$0x3] =	stream.linear.gather [hbm4b:s8+s4], $0x1900, $0x38;
	[tilespmem:$0x1E000] =	vst v63  }
0x1c: {  	_ =	swait.ge [sflag:s14], $0x1900  }
0x1d: {  	[sflag:s14] =	ssyncset.done $0x0  }
0x1e: {  	[sflag:s14] =	ssyncadd.s32 $0xFFFFE700  }
0x1f: {  	[tilespmem:s17], [sflag:$0x1] =	stream.indirect.gather [hbm4b:s1+s16], $0x80, s4, s16, $0xb8;
	[tilespmem:$0x1E000] =	vst v63  }
0x20: {  	_ = 	snop  }
0x21: {  	[tilespmem:s19], [sflag:$0x2] =	stream.indirect.gather [hbm4b:s1+s16], $0x80, s18, s16, $0xb8;
	[tilespmem:$0x1E000] =	vst v63  }
0x22: {  	_ =	swait.ge [sflag:s20], $0x3200  }
0x23: {  	[sflag:s20] =	ssyncset.done $0x0  }
0x24: {  	s25 =	simm.s32 $0x1C00;
	[sflag:s20] =	ssyncadd.s32 $0xFFFFCE00  }
0x25: {  	[spmem:s3] =	stream.indirect.scatter.add.f32 [tilespmem:s17], [sflag:$0x1], $0x80, s25, s16, $0xb8;
	[tilespmem:$0x1E000] =	vst v63  }
0x26: {  	_ =	swait.ge [sflag:s20], $0x3200  }
0x27: {  	[sflag:s20] =	ssyncset.done $0x0  }
0x28: {  	s30 =	simm.s32 $0x100;
	[sflag:s20] =	ssyncadd.s32 $0xFFFFCE00  }
0x29: {  	[tilespmem:s17], [sflag:$0x1] =	stream.indirect.gather [hbm4b:s1+s16], $0x80, s30, s16, $0xb8;
	[tilespmem:$0x1E000] =	vst v63  }
0x2a: {  	_ =	swait.ge [sflag:s21], $0x3200  }
0x2b: {  	[sflag:s21] =	ssyncset.done $0x0  }
0x2c: {  	s31 =	simm.s32 $0x1C80;
	[sflag:s21] =	ssyncadd.s32 $0xFFFFCE00  }
0x2d: {  	[spmem:s3] =	stream.indirect.scatter.add.f32 [tilespmem:s19], [sflag:$0x2], $0x80, s31, s16, $0xb8;
	[tilespmem:$0x1E000] =	vst v63  }
0x2e: {  	_ =	swait.ge [sflag:s21], $0x3200  }
0x2f: {  	[sflag:s21] =	ssyncset.done $0x0  }
0x30: {  	s26 =	simm.s32 $0x180;
	s25 =	simm.s32 $0x400;
	[sflag:s21] =	ssyncadd.s32 $0xFFFFCE00  }
.LBB2_2:
0x31: {  	[tilespmem:s19], [sflag:$0x2] =	stream.indirect.gather [hbm4b:s1+s16], $0x80, s26, s16, $0xb8;
	[tilespmem:$0x1E000] =	vst v63  }
0x32: {  	s26 =	smov.u32 s25  }
0x33: {  	p0 =	sne.s32 s25, $0x5C00;
	s25 =	sadd.s32 $0x400, s25;
	_ =	swait.ge [sflag:s20], $0x3200  }
0x34: {  	s26 =	sshra.s32 s26, $0x2;
	[sflag:s20] =	ssyncset.done $0x0  }
0x35: {  	s28 =	sadd.s32 $0x1C00, s26;
	[sflag:s20] =	ssyncadd.s32 $0xFFFFCE00  }
0x36: {  	[spmem:s3] =	stream.indirect.scatter.add.f32 [tilespmem:s17], [sflag:$0x1], $0x80, s28, s16, $0xb8;
	[tilespmem:$0x1E000] =	vst v63  }
0x37: {  	_ =	swait.ge [sflag:s20], $0x3200  }
0x38: {  	[sflag:s20] =	ssyncset.done $0x0  }
0x39: {  	s28 =	sadd.s32 $0x100, s26;
	[sflag:s20] =	ssyncadd.s32 $0xFFFFCE00  }
0x3a: {  	[tilespmem:s17], [sflag:$0x1] =	stream.indirect.gather [hbm4b:s1+s16], $0x80, s28, s16, $0xb8;
	[tilespmem:$0x1E000] =	vst v63  }
0x3b: {  	_ =	swait.ge [sflag:s21], $0x3200  }
0x3c: {  	[sflag:s21] =	ssyncset.done $0x0  }
.Ltmp0:
0x3d: {  	s28 =	sadd.s32 $0x1C80, s26;
	[sflag:s21] =	ssyncadd.s32 $0xFFFFCE00;
	(pc) =	sbr.rel @p0 .LBB2_2-.Ltmp0, $4  }
0x3e: {  	[spmem:s3] =	stream.indirect.scatter.add.f32 [tilespmem:s19], [sflag:$0x2], $0x80, s28, s16, $0xb8;
	[tilespmem:$0x1E000] =	vst v63  }
0x3f: {  	_ =	swait.ge [sflag:s21], $0x3200  }
0x40: {  	[sflag:s21] =	ssyncset.done $0x0  }
0x41: {  	s26 =	sadd.s32 $0x180, s26;
	[sflag:s21] =	ssyncadd.s32 $0xFFFFCE00  }
0x42: {  	[tilespmem:s19], [sflag:$0x2] =	stream.indirect.gather [hbm4b:s1+s16], $0x80, s26, s16, $0xb8;
	[tilespmem:$0x1E000] =	vst v63  }
0x43: {  	_ =	swait.ge [sflag:s20], $0x3200  }
0x44: {  	[sflag:s20] =	ssyncset.done $0x0  }
0x45: {  	[sflag:s20] =	ssyncadd.s32 $0xFFFFCE00  }
0x46: {  	[spmem:s3] =	stream.indirect.scatter.add.f32 [tilespmem:s17], [sflag:$0x1], $0x80, s22, s16, $0xb8;
	[tilespmem:$0x1E000] =	vst v63  }
0x47: {  	_ =	swait.ge [sflag:s20], $0x3200  }
0x48: {  	[sflag:s20] =	ssyncset.done $0x0  }
0x49: {  	s25 =	simm.s32 $0x0;
	[sflag:s20] =	ssyncadd.s32 $0xFFFFCE00  }
0x4a: {  	[tilespmem:s17], [sflag:$0x1] =	stream.indirect.gather [hbm4b:s1+s16], $0x80, s25, s16, $0xb8;
	[tilespmem:$0x1E000] =	vst v63  }
0x4b: {  	_ =	swait.ge [sflag:s21], $0x3200  }
0x4c: {  	[sflag:s21] =	ssyncset.done $0x0  }
0x4d: {  	[sflag:s21] =	ssyncadd.s32 $0xFFFFCE00  }
0x4e: {  	[spmem:s3] =	stream.indirect.scatter.add.f32 [tilespmem:s19], [sflag:$0x2], $0x80, s23, s16, $0xb8;
	[tilespmem:$0x1E000] =	vst v63  }
0x4f: {  	_ =	swait.ge [sflag:s21], $0x3200  }
0x50: {  	[sflag:s21] =	ssyncset.done $0x0  }
0x51: {  	[sflag:s21] =	ssyncadd.s32 $0xFFFFCE00  }
0x52: {  	[tilespmem:s19], [sflag:$0x2] =	stream.indirect.gather [hbm4b:s1+s16], $0x80, s18, s16, $0xb8;
	[tilespmem:$0x1E000] =	vst v63  }
0x53: {  	_ =	swait.ge [sflag:s20], $0x3200  }
0x54: {  	[sflag:s20] =	ssyncset.done $0x0  }
0x55: {  	[sflag:s20] =	ssyncadd.s32 $0xFFFFCE00  }
0x56: {  	_ =	swait.ge [sflag:s21], $0x3200  }
0x57: {  	[sflag:s21] =	ssyncset.done $0x0  }
0x58: {  	[sflag:s21] =	ssyncadd.s32 $0xFFFFCE00  }
0x59: {  	[tilespmem:s25], [sflag:$0x3] =	stream.linear.gather [hbm4b:s9+s25], $0x1900, $0x38;
	[tilespmem:$0x1E000] =	vst v63  }
0x5a: {  	_ =	swait.ge [sflag:s14], $0x1900  }
0x5b: {  	[sflag:s14] =	ssyncset.done $0x0  }
0x5c: {  	[sflag:s14] =	ssyncadd.s32 $0xFFFFE700  }
0x5d: {  	[tilespmem:s15], [sflag:$0x3] =	stream.linear.gather [hbm4b:s10+s25], $0x1900, $0x38;
	[tilespmem:$0x1E000] =	vst v63  }
0x5e: {  	_ =	swait.ge [sflag:s14], $0x1900  }
0x5f: {  	[sflag:s14] =	ssyncset.done $0x0  }
0x60: {  	[sflag:s14] =	ssyncadd.s32 $0xFFFFE700  }
0x61: {  	[tilespmem:s17], [sflag:$0x1] =	stream.indirect.gather [hbm4b:s1+s16], $0x80, s25, s16, $0xb8;
	[tilespmem:$0x1E000] =	vst v63  }
0x62: {  	_ = 	snop  }
0x63: {  	[tilespmem:s19], [sflag:$0x2] =	stream.indirect.gather [hbm4b:s1+s16], $0x80, s18, s16, $0xb8;
	[tilespmem:$0x1E000] =	vst v63  }
0x64: {  	_ =	swait.ge [sflag:s20], $0x3200  }
0x65: {  	[sflag:s20] =	ssyncset.done $0x0  }
0x66: {  	s29 =	simm.s32 $0x1C00;
	[sflag:s20] =	ssyncadd.s32 $0xFFFFCE00  }
0x67: {  	[spmem:s3] =	stream.indirect.scatter.add.f32 [tilespmem:s17], [sflag:$0x1], $0x80, s29, s16, $0xb8;
	[tilespmem:$0x1E000] =	vst v63  }
0x68: {  	_ =	swait.ge [sflag:s20], $0x3200  }
0x69: {  	[sflag:s20] =	ssyncset.done $0x0  }
0x6a: {  	s30 =	simm.s32 $0x100;
	[sflag:s20] =	ssyncadd.s32 $0xFFFFCE00  }
0x6b: {  	[tilespmem:s17], [sflag:$0x1] =	stream.indirect.gather [hbm4b:s1+s16], $0x80, s30, s16, $0xb8;
	[tilespmem:$0x1E000] =	vst v63  }
0x6c: {  	_ =	swait.ge [sflag:s21], $0x3200  }
0x6d: {  	[sflag:s21] =	ssyncset.done $0x0  }
0x6e: {  	s31 =	simm.s32 $0x1C80;
	[sflag:s21] =	ssyncadd.s32 $0xFFFFCE00  }
0x6f: {  	[spmem:s3] =	stream.indirect.scatter.add.f32 [tilespmem:s19], [sflag:$0x2], $0x80, s31, s16, $0xb8;
	[tilespmem:$0x1E000] =	vst v63  }
0x70: {  	_ =	swait.ge [sflag:s21], $0x3200  }
0x71: {  	[sflag:s21] =	ssyncset.done $0x0  }
0x72: {  	s26 =	simm.s32 $0x180;
	s25 =	simm.s32 $0x400;
	[sflag:s21] =	ssyncadd.s32 $0xFFFFCE00  }
.LBB2_4:
0x73: {  	[tilespmem:s19], [sflag:$0x2] =	stream.indirect.gather [hbm4b:s1+s16], $0x80, s26, s16, $0xb8;
	[tilespmem:$0x1E000] =	vst v63  }
0x74: {  	s26 =	smov.u32 s25  }
0x75: {  	p0 =	sne.s32 s25, $0x5C00;
	s25 =	sadd.s32 $0x400, s25;
	_ =	swait.ge [sflag:s20], $0x3200  }
0x76: {  	s26 =	sshra.s32 s26, $0x2;
	[sflag:s20] =	ssyncset.done $0x0  }
0x77: {  	s28 =	sadd.s32 $0x1C00, s26;
	[sflag:s20] =	ssyncadd.s32 $0xFFFFCE00  }
0x78: {  	[spmem:s3] =	stream.indirect.scatter.add.f32 [tilespmem:s17], [sflag:$0x1], $0x80, s28, s16, $0xb8;
	[tilespmem:$0x1E000] =	vst v63  }
0x79: {  	_ =	swait.ge [sflag:s20], $0x3200  }
0x7a: {  	[sflag:s20] =	ssyncset.done $0x0  }
0x7b: {  	s28 =	sadd.s32 $0x100, s26;
	[sflag:s20] =	ssyncadd.s32 $0xFFFFCE00  }
0x7c: {  	[tilespmem:s17], [sflag:$0x1] =	stream.indirect.gather [hbm4b:s1+s16], $0x80, s28, s16, $0xb8;
	[tilespmem:$0x1E000] =	vst v63  }
0x7d: {  	_ =	swait.ge [sflag:s21], $0x3200  }
0x7e: {  	[sflag:s21] =	ssyncset.done $0x0  }
.Ltmp1:
0x7f: {  	s28 =	sadd.s32 $0x1C80, s26;
	[sflag:s21] =	ssyncadd.s32 $0xFFFFCE00;
	(pc) =	sbr.rel @p0 .LBB2_4-.Ltmp1, $4  }
0x80: {  	[spmem:s3] =	stream.indirect.scatter.add.f32 [tilespmem:s19], [sflag:$0x2], $0x80, s28, s16, $0xb8;
	[tilespmem:$0x1E000] =	vst v63  }
0x81: {  	_ =	swait.ge [sflag:s21], $0x3200  }
0x82: {  	[sflag:s21] =	ssyncset.done $0x0  }
0x83: {  	s26 =	sadd.s32 $0x180, s26;
	[sflag:s21] =	ssyncadd.s32 $0xFFFFCE00  }
0x84: {  	[tilespmem:s19], [sflag:$0x2] =	stream.indirect.gather [hbm4b:s1+s16], $0x80, s26, s16, $0xb8;
	[tilespmem:$0x1E000] =	vst v63  }
0x85: {  	_ =	swait.ge [sflag:s20], $0x3200  }
0x86: {  	[sflag:s20] =	ssyncset.done $0x0  }
0x87: {  	[sflag:s20] =	ssyncadd.s32 $0xFFFFCE00  }
0x88: {  	[spmem:s3] =	stream.indirect.scatter.add.f32 [tilespmem:s17], [sflag:$0x1], $0x80, s22, s16, $0xb8;
	[tilespmem:$0x1E000] =	vst v63  }
0x89: {  	_ =	swait.ge [sflag:s20], $0x3200  }
0x8a: {  	[sflag:s20] =	ssyncset.done $0x0  }
0x8b: {  	[sflag:s20] =	ssyncadd.s32 $0xFFFFCE00  }
0x8c: {  	[tilespmem:s17], [sflag:$0x1] =	stream.indirect.gather [hbm4b:s1+s16], $0x80, s4, s16, $0xb8;
	[tilespmem:$0x1E000] =	vst v63  }
0x8d: {  	_ =	swait.ge [sflag:s21], $0x3200  }
0x8e: {  	[sflag:s21] =	ssyncset.done $0x0  }
0x8f: {  	[sflag:s21] =	ssyncadd.s32 $0xFFFFCE00  }
0x90: {  	[spmem:s3] =	stream.indirect.scatter.add.f32 [tilespmem:s19], [sflag:$0x2], $0x80, s23, s16, $0xb8;
	[tilespmem:$0x1E000] =	vst v63  }
0x91: {  	_ =	swait.ge [sflag:s21], $0x3200  }
0x92: {  	[sflag:s21] =	ssyncset.done $0x0  }
0x93: {  	[sflag:s21] =	ssyncadd.s32 $0xFFFFCE00  }
0x94: {  	[tilespmem:s19], [sflag:$0x2] =	stream.indirect.gather [hbm4b:s1+s16], $0x80, s18, s16, $0xb8;
	[tilespmem:$0x1E000] =	vst v63  }
0x95: {  	_ =	swait.ge [sflag:s20], $0x3200  }
0x96: {  	[sflag:s20] =	ssyncset.done $0x0  }
0x97: {  	[sflag:s20] =	ssyncadd.s32 $0xFFFFCE00  }
0x98: {  	_ =	swait.ge [sflag:s21], $0x3200  }
0x99: {  	s24 =	sadd.s32 $0x1, s24;
	[sflag:s21] =	ssyncset.done $0x0  }
0x9a: {  	p0 =	sne.s32 s24, s12;
	[sflag:s21] =	ssyncadd.s32 $0xFFFFCE00  }
.Ltmp2:
0x9b: {  	[bflag:$0x0] =	sbarrier.arrive $0xFFFF;
	(pc) =	sbr.rel @p0 .LBB2_1-.Ltmp2, $4  }
0x9c: {  	[hbm:s11], [sflag:s6] =	dma.local [spmem:s13], $0x2800  }
0x9d: {  	_ =	swait.ge [sflag:s14], $0x2800  }
0x9e: {  	[sflag:s14] =	ssyncset.done $0x0  }
0x9f: {  	[sflag:s14] =	ssyncadd.s32 $0xFFFFD800  }
0xa0: {  	_ =	sfence.sel $0x180000  }
0xa1: {  	[bflag:$0x0] =	sbarrier.arrive $0xFFFF  }
0xa2: {  	p0 =	sne.s32 s2, $0x0;
	_ =	strace $0x9000004D  }
0xa3: {  	s0 =	sadd.s32 @!p0 $0x100000, s0;
	[bflag:$0x2] =	sbarrier.arrive $0xFFFF  }
0xa4: {  	[sflag:s0] =	ssyncadd.tile.s32 @!p0 $0x1;
	_ =	shalt  }
.Lfunc_end2:
_tile_overlayer_lowered:
.L_overlay_start_2:
0xa5: {  	(tag) =	ssettag $0x2  }
0xa6: {  	s0 =	rddreg [dreg:$0x0];
	s2 =	stileid.u32  }
0xa7: {  	s1 =	rddreg [dreg:$0x1];
	p0 =	sne.s32 s2, $0x0  }
0xa8: {  	s3 =	rddreg [dreg:$0x2];
	[bflag:$0x3] =	sbarrier.arrive $0xFFFF;
	s2 =	simm.s32 @!p0 $0x1C03  }
0xa9: {  	[timem:s3], [sflag:s2] =	dma.local @!p0 [hbm:s0], s1  }
0xaa: {  	s0 =	simm.s32 @!p0 $0x3  }
0xab: {  	_ =	swait.ge @!p0 [sflag:s0], s1  }
0xac: {  	s1 =	ssub.s32 @!p0 $0x0, s1;
	[sflag:s0] =	ssyncset.done @!p0 $0x0  }
0xad: {  	[sflag:s0] =	ssyncadd.s32 @!p0 s1  }
0xae: {  	[bflag:$0x3] =	sbarrier.arrive $0xFFFF  }
0xaf: {  	_ =	shalt  }

// kernel: kernel.8.cloned.1.call-start
scs
__scs_entry_jumppad:
0x0: {  	(pc) =	sbr.rel $0x88, $3  }
0x1: {  	(tag) =	ssettag $0x0;
	lr =	simm.s32 $0x1  }
0x2: {  	[smem:$0x3F97] =	sst lr;
	_ =	strace $0xD0000000  }
0x3: {  	_ = 	snop  }
0x4: {  	_ = 	snop  }
0x5: {  	_ = 	snop  }
0x6: {  	_ = 	snop  }
0x7: {  	_ = 	snop  }
__scs_overlays_trampoline_lowered:
0x8: {  	[smem:$0x3FA6] =	sst s0  }
0x9: {  	[smem:$0x3FA7] =	sst s1  }
0xa: {  	[smem:$0x3FA8] =	sst s2  }
0xb: {  	[smem:$0x3FA9] =	sst s3  }
0xc: {  	[smem:$0x3FAA] =	sst s4  }
0xd: {  	[smem:$0x3FAB] =	sst s5  }
0xe: {  	[smem:$0x3FAC] =	sst s6  }
0xf: {  	[smem:$0x3FAD] =	sst s7  }
0x10: {  	[smem:$0x3FAE] =	sst s8  }
0x11: {  	[smem:$0x3FAF] =	sst s9;
	s0 =	simm.s32 @!p0 $0x0  }
0x12: {  	s1 =	sld [smem:$0x3F95];
	s0 =	simm.s32 @p0 $0x1  }
0x13: {  	[smem:$0x3FB0] =	sst s0;
	s0 =	simm.s32 @!p1 $0x0  }
0x14: {  	s2 =	sld [smem:$0x3F94];
	s0 =	simm.s32 @p1 $0x1  }
0x15: {  	[smem:$0x3FB1] =	sst s0;
	s0 =	simm.s32 @!p2 $0x0  }
0x16: {  	s3 =	sld [smem:$0x3FDB];
	s0 =	simm.s32 @p2 $0x1  }
0x17: {  	s4 =	simm.s32 $0x1BF5;
	[smem:$0x3FB3] =	sst s0  }
0x18: {  	s0 =	sld [smem:$0x3F96];
	_ =	swait.ge [sflag:s4], $0x0  }
0x19: {  	s7 =	sld [smem:$0x3F97]  }
0x1a: {  	s8 =	sadd.s32 $0xFFFFE003, lr  }
0x1b: {  	s9 =	sadd.s32 $0xFFFFFEF7, lr;
	s5 =	simm.s32 $0xFFFFFFFF;
	p2 =	slt.u32 s8, $0xFFFFF086  }
0x1c: {  	p1 =	slt.u32 s9, $0xF7A;
	s5 =	simm.s32 @!p2 $0x0  }
0x1d: {  	s5 =	simm.s32 @p1 $0x1;
	p0 =	seq.s32 s7, s2  }
0x1e: {  	s7 =	smul.u32 @!p0 $0xF7A, s2;
	p2 =	seq.s32 @!p0 s5, $0x0  }
0x1f: {  	s9 =	smul.u32 $0xF7A, s1;
	s8 =	simm.s32 @!p0 $0x1BF5;
	p2 =	por !p2, p0  }
0x20: {  	[sflag:s8] =	ssyncset.s32 @!p0 $0xFFFFF086;
	s6 =	sadd.s32 @!p0 s3, s7;
	s7 =	simm.s32 @!p0 $0x108  }
0x21: {  	s3 =	sadd.s32 s3, s9;
	s6 =	sadd.s32 @!p0 $0x88, s6;
	s7 =	simm.s32 @p2 $0x1082  }
0x22: {  	[simem:s7], [sflag:s8] =	dma.local @!p0 [hbm:s6], $0xF7A  }
0x23: {  	s9 =	sor.u32 $0xD0000000, s2;
	s6 =	simm.s32 $0x108;
	_ =	swait.ge @!p0 [sflag:s8], $0x0  }
0x24: {  	s3 =	sadd.s32 $0x88, s3;
	s6 =	simm.s32 @!p1 $0x1082;
	[sflag:s4] =	ssyncset.s32 $0xFFFFF086  }
0x25: {  	[simem:s6], [sflag:s4] =	dma.local [hbm:s3], $0xF7A  }
0x26: {  	[smem:$0x3F97] =	sst s1;
	(tag) =	ssettag s2;
	_ =	strace s9  }
0x27: {  	s1 =	sld [smem:$0x3FA7]  }
0x28: {  	s2 =	sld [smem:$0x3FA8]  }
0x29: {  	s4 =	sld [smem:$0x3FAA]  }
0x2a: {  	p0 =	seq.s32 s5, $0x0;
	s5 =	sld [smem:$0x3FAB]  }
0x2b: {  	s6 =	sld [smem:$0x3FAC]  }
0x2c: {  	s7 =	sld [smem:$0x3FAD]  }
0x2d: {  	s3 =	simm.s32 $0x108;
	s8 =	sld [smem:$0x3FAE]  }
0x2e: {  	s3 =	simm.s32 @!p0 $0x1082;
	s9 =	sld [smem:$0x3FAF]  }
0x2f: {  	lr =	sadd.s32 s0, s3;
	s0 =	sld [smem:$0x3FA6]  }
0x30: {  	s3 =	sld [smem:$0x3FA9]  }
0x31: {  	[smem:$0x3FB2] =	sst s10  }
0x32: {  	s10 =	sld [smem:$0x3FB0];
	_ =	sdelay $0x3  }
0x33: {  	p0 =	seq.s32 s10, $0x1;
	s10 =	sld [smem:$0x3FB2];
	_ =	sdelay $0x3  }
0x34: {  	[smem:$0x3FB2] =	sst s10  }
0x35: {  	s10 =	sld [smem:$0x3FB1];
	_ =	sdelay $0x3  }
0x36: {  	p1 =	seq.s32 s10, $0x1;
	s10 =	sld [smem:$0x3FB2];
	_ =	sdelay $0x3  }
0x37: {  	[smem:$0x3FB2] =	sst s10  }
0x38: {  	s10 =	sld [smem:$0x3FB3]  }
0x39: {  	_ = 	snop;
	(pc) =	sbr.ind lr, $3  }
0x3a: {  	_ = 	snop  }
0x3b: {  	_ = 	snop  }
0x3c: {  	p2 =	seq.s32 s10, $0x1;
	s10 =	sld [smem:$0x3FB2]  }
0x3d: {  	_ =	shalt  }
0x3e: {  	_ =	shalt  }
0x3f: {  	_ =	shalt  }
0x40: {  	_ =	shalt  }
0x41: {  	_ =	shalt  }
0x42: {  	_ =	shalt  }
0x43: {  	_ =	shalt  }
0x44: {  	_ =	shalt  }
0x45: {  	_ =	shalt  }
0x46: {  	_ =	shalt  }
0x47: {  	_ =	shalt  }
0x48: {  	_ =	shalt  }
0x49: {  	_ =	shalt  }
0x4a: {  	_ =	shalt  }
0x4b: {  	_ =	shalt  }
0x4c: {  	_ =	shalt  }
0x4d: {  	_ =	shalt  }
0x4e: {  	_ =	shalt  }
0x4f: {  	_ =	shalt  }
0x50: {  	_ =	shalt  }
0x51: {  	_ =	shalt  }
0x52: {  	_ =	shalt  }
0x53: {  	_ =	shalt  }
0x54: {  	_ =	shalt  }
0x55: {  	_ =	shalt  }
0x56: {  	_ =	shalt  }
0x57: {  	_ =	shalt  }
0x58: {  	_ =	shalt  }
0x59: {  	_ =	shalt  }
0x5a: {  	_ =	shalt  }
0x5b: {  	_ =	shalt  }
0x5c: {  	_ =	shalt  }
0x5d: {  	_ =	shalt  }
0x5e: {  	_ =	shalt  }
0x5f: {  	_ =	shalt  }
0x60: {  	_ =	shalt  }
0x61: {  	_ =	shalt  }
0x62: {  	_ =	shalt  }
0x63: {  	_ =	shalt  }
0x64: {  	_ =	shalt  }
0x65: {  	_ =	shalt  }
0x66: {  	_ =	shalt  }
0x67: {  	_ =	shalt  }
0x68: {  	_ =	shalt  }
0x69: {  	_ =	shalt  }
0x6a: {  	_ =	shalt  }
0x6b: {  	_ =	shalt  }
0x6c: {  	_ =	shalt  }
0x6d: {  	_ =	shalt  }
0x6e: {  	_ =	shalt  }
0x6f: {  	_ =	shalt  }
0x70: {  	_ =	shalt  }
0x71: {  	_ =	shalt  }
0x72: {  	_ =	shalt  }
0x73: {  	_ =	shalt  }
0x74: {  	_ =	shalt  }
0x75: {  	_ =	shalt  }
0x76: {  	_ =	shalt  }
0x77: {  	_ =	shalt  }
0x78: {  	_ =	shalt  }
0x79: {  	_ =	shalt  }
0x7a: {  	_ =	shalt  }
0x7b: {  	_ =	shalt  }
0x7c: {  	_ =	shalt  }
0x7d: {  	_ =	shalt  }
0x7e: {  	_ =	shalt  }
0x7f: {  	_ =	shalt  }
0x80: {  	_ =	shalt  }
0x81: {  	_ =	shalt  }
0x82: {  	_ =	shalt  }
0x83: {  	_ =	shalt  }
0x84: {  	_ =	shalt  }
0x85: {  	_ =	shalt  }
0x86: {  	_ =	shalt  }
0x87: {  	_ =	shalt  }
.Lfunc_end0:
.L_simem_size_0:
called_computation_lowered:
.L_overlay_start_0:
0x88: {  	s2 =	sld [smem:$0x3FD9]  }
0x89: {  	s3 =	sld [smem:$0x3FFE];
	_ =	sdelay $0x1  }
0x8a: {  	s1 =	srdreg.scid  }
0x8b: {  	s0 =	sand.u32 $0x1, s1  }
0x8c: {  	s17 =	sshll.u32 s0, $0xA;
	s2 =	sadd.s32 s3, s2  }
0x8d: {  	s2 =	sadd.s32 s2, s17  }
0x8e: {  	[smem:$0x3FBE] =	sst s2  }
0x8f: {  	_ = 	snop  }
0x90: {  	s2 =	sld [smem:$0x3FD0];
	(tm) =	ssettm $0x1  }
0x91: {  	s18 =	sld [smem:$0x3FFB];
	_ =	sdelay $0x3  }
0x92: {  	_ =	strace s18  }
0x93: {  	s3 =	sld [smem:$0x3FFC];
	_ =	sdelay $0x3  }
0x94: {  	_ =	strace s3  }
0x95: {  	s3 =	sld [smem:$0x3FFD];
	_ =	sdelay $0x3  }
0x96: {  	_ =	strace s3  }
0x97: {  	_ =	strace $0x8FFFFFFF  }
0x98: {  	s19 =	sld [smem:$0x3FDB];
	_ =	sdelay $0x1  }
0x99: {  	s4 =	simm.s32 $_scs_section_size  }
0x9a: {  	s5 =	simm.s32 $_size__tile_overlayer_lowered;
	s6 =	simm.s32 $_tile_overlayer_lowered  }
0x9b: {  	s22 =	simm.s32 $0x1BFF;
	s21 =	sshll.u32 s6, $0x1;
	s3 =	sadd.s32 s4, s19  }
0x9c: {  	s7 =	simm.s32 $0x0;
	s20 =	sshll.u32 s5, $0x1;
	s5 =	sadd.s32 s21, s3  }
0x9d: {  	[timem:s7], [sflag:s22] =	dma.local [hbm:s5], s20  }
0x9e: {  	_ =	swait.ge [sflag:s22], s20  }
0x9f: {  	s4 =	ssub.s32 $0x0, s20;
	[sflag:s22] =	ssyncset.done $0x0  }
0xa0: {  	[sflag:s22] =	ssyncadd.s32 s4;
	_ =	sdelay $0x1  }
0xa1: {  	s23 =	simm.s32 $0x1B8B  }
0xa2: {  	_ =	swait.ge [sflag:s23], $0x1  }
0xa3: {  	[sflag:s23] =	ssyncset.done $0x0  }
0xa4: {  	s25 =	simm.s32 $0x1B8E;
	s24 =	sld [smem:$0x3FFE];
	[sflag:s23] =	ssyncadd.s32 $0xFFFFFFFF  }
0xa5: {  	s26 =	simm.s32 $execute0_lowered;
	[smem:$0x3FD2] =	sst s25  }
0xa6: {  	s5 =	sshll.u32 s26, $0x1;
	_ =	strace $0x80000046;
	[dreg:$0x1] =	wrdreg $0xFFFFFFFF  }
0xa7: {  	s28 =	simm.s32 $_size_execute0_lowered;
	s3 =	sadd.s32 s3, s5;
	[dreg:$0x0] =	wrdreg $0x0  }
0xa8: {  	s5 =	sshll.u32 s28, $0x1;
	[dreg:$0x2] =	wrdreg s3  }
0xa9: {  	[dreg:$0x3] =	wrdreg s5  }
0xaa: {  	[dreg:$0x4] =	wrdreg $0xC0  }
0xab: {  	_ =	task [dreg:s7], $0x5FFFF  }
0xac: {  	[dreg:$0x1] =	wrdreg $0xFFFFFFFF  }
0xad: {  	[dreg:$0x0] =	wrdreg $0x60  }
0xae: {  	[dreg:$0x2] =	wrdreg s2  }
0xaf: {  	[dreg:$0x3] =	wrdreg s24  }
0xb0: {  	[dreg:$0x4] =	wrdreg $0x68000  }
0xb1: {  	[dreg:$0x5] =	wrdreg $0x9  }
0xb2: {  	_ =	task.clear_ibuf [dreg:s7], $0x6FFFF;
	_ =	strace $0x90000046  }
0xb3: {  	s29 =	simm.s32 $0x9;
	_ =	strace $0x80000048  }
0xb4: {  	_ =	swait.ge [sflag:s29], $0x1  }
0xb5: {  	[sflag:s29] =	ssyncadd.s32 $0xFFFFFFFF  }
0xb6: {  	_ =	strace $0x90000048  }
0xb7: {  	_ =	sfence  }
0xb8: {  	s30 =	sld [smem:$0x0];
	_ =	sdelay $0x2  }
0xb9: {  	s31 =	sshll.u32 s1, $0xD;
	s1 =	sshrl.u32 s1, $0x2  }
0xba: {  	s3 =	sand.u32 $0x4000, s31;
	s1 =	sadd.s32 s1, s30  }
0xbb: {  	s0 =	sor.u32 s3, s0;
	s1 =	sshll.u32 s1, $0x11  }
0xbc: {  	s0 =	sor.u32 s1, s0  }
0xbd: {  	s0 =	sadd.s32 $0x8F2B, s0  }
0xbe: {  	[sflag:s0] =	ssyncadd.remote.s32 $0x1  }
0xbf: {  	_ =	sfence.sel $0xFFFF  }
0xc0: {  	[dreg:$0x0] =	wrdreg $0xFFFFFFFF;
	(pc) =	sbr.abs _section_cstart, $3  }
0xc1: {  	[dreg:$0x1] =	wrdreg $0xFFFFFFFF  }
0xc2: {  	_ =	task.clear_ibuf [dreg:s7], $0x2FFFF;
	_ =	strace $0x9FFFFFFF  }
0xc3: {  	(tm) =	ssettm $0x7FFFFFFF  }
tec
execute0_lowered:
.L_overlay_start_1:
0x0: {  	(tag) =	ssettag $0x1  }
0x1: {  	s7 =	rddreg [dreg:$0x0]  }
0x2: {  	s6 =	rddreg [dreg:$0x1]  }
0x3: {  	s1 =	rddreg [dreg:$0x2]  }
0x4: {  	s2 =	srdreg.scid;
	s0 =	rddreg [dreg:$0x3];
	s3 =	simm.s32 $0x0  }
0x5: {  	s12 =	simm.s32 $0x3400;
	s13 =	simm.s32 $0x64;
	s14 =	simm.s32 $0x80  }
0x6: {  	s15 =	simm.s32 $0x1;
	s16 =	simm.s32 $0x2;
	s8 =	sand.u32 $0x1, s2  }
0x7: {  	s17 =	simm.s32 $0x0;
	s2 =	stileid.u32;
	s9 =	smul.u32 $0x140000, s8  }
0x8: {  	[smem:$0x7FF] =	sst s3;
	s4 =	sadd.s32 $0x2800, s6;
	s10 =	smul.u32 $0x14000, s2  }
0x9: {  	s5 =	sadd.s32 $0x3000, s6;
	_ =	strace $0x80000047;
	s26 =	smul.u32 $0x50000, s2  }
0xa: {  	s11 =	sshll.u32 s8, $0x4;
	s28 =	ssub.s32 $0x2, s8;
	s31 =	sshll.u32 s2, $0x6  }
0xb: {  	s29 =	sor.u32 s2, s11;
	s30 =	sshrl.u32 s28, $0x1;
	s9 =	sadd.s32 s10, s9  }
0xc: {  	s10 =	sshrl.u32 s26, $0x2;
	s8 =	smul.u32 $0x680, s29;
	s9 =	sshrl.u32 s9, $0x3  }
0xd: {  	s11 =	ssub.s32 s28, s30;
	s10 =	sadd.s32 s10, s1;
	s9 =	sadd.s32 s9, s6  }
0xe: {  	s6 =	sor.u32 $0x1C03, s31;
	s7 =	sadd.s32 s7, s8;
	s10 =	sshrl.u32 s10, $0x3  }
0xf: {  	s8 =	sadd.s32 $0x5800, s9;
	s9 =	smax.u32 s11, $0x1;
	s11 =	simm.s32 $0x3  }
.LBB2_1:
0x10: {  	[spmem:s10], [sflag:s6] =	dma.local [hbm:s5], $0x2800  }
0x11: {  	_ =	swait.ge [sflag:s11], $0x2800  }
0x12: {  	[sflag:s11] =	ssyncset.done $0x0  }
0x13: {  	[sflag:s11] =	ssyncadd.s32 $0xFFFFD800  }
0x14: {  	[tilespmem:s12], [sflag:$0x3] =	stream.linear.gather [hbm4b:s4+s3], $0x3200, $0x38;
	[tilespmem:$0x1A800] =	vst v63  }
0x15: {  	_ =	swait.ge [sflag:s11], $0x3200  }
0x16: {  	[sflag:s11] =	ssyncset.done $0x0  }
0x17: {  	[sflag:s11] =	ssyncadd.s32 $0xFFFFCE00  }
0x18: {  	[tilespmem:s3], [sflag:$0x3] =	stream.linear.gather [hbm4b:s7+s3], $0x3200, $0x38;
	[tilespmem:$0x1A800] =	vst v63  }
0x19: {  	_ =	swait.ge [sflag:s11], $0x3200  }
0x1a: {  	[sflag:s11] =	ssyncset.done $0x0  }
0x1b: {  	[sflag:s11] =	ssyncadd.s32 $0xFFFFCE00  }
0x1c: {  	[bflag:$0x0] =	sbarrier.arrive $0xFFFF  }
0x1d: {  	[spmem:s1] =	stream.indirect.scatter.add.f32 [tilespmem:s12], [sflag:$0x1], $0x80, s3, s13, $0xb8;
	[tilespmem:$0x1A800] =	vst v63  }
0x1e: {  	_ = 	snop  }
0x1f: {  	[spmem:s1] =	stream.indirect.scatter.add.f32 [tilespmem:s12], [sflag:$0x2], $0x80, s14, s13, $0xb8;
	[tilespmem:$0x1A800] =	vst v63  }
0x20: {  	_ =	swait.ge [sflag:s15], $0x3200  }
0x21: {  	[sflag:s15] =	ssyncset.done $0x0  }
0x22: {  	s18 =	simm.s32 $0x100;
	[sflag:s15] =	ssyncadd.s32 $0xFFFFCE00  }
0x23: {  	[spmem:s1] =	stream.indirect.scatter.add.f32 [tilespmem:s12], [sflag:$0x1], $0x80, s18, s13, $0xb8;
	[tilespmem:$0x1A800] =	vst v63  }
0x24: {  	_ =	swait.ge [sflag:s16], $0x3200  }
0x25: {  	[sflag:s16] =	ssyncset.done $0x0  }
0x26: {  	s19 =	simm.s32 $0x180;
	s18 =	simm.s32 $0xFFFF4000;
	[sflag:s16] =	ssyncadd.s32 $0xFFFFCE00  }
.LBB2_2:
0x27: {  	[spmem:s1] =	stream.indirect.scatter.add.f32 [tilespmem:s12], [sflag:$0x2], $0x80, s19, s13, $0xb8;
	[tilespmem:$0x1A800] =	vst v63  }
0x28: {  	s19 =	smov.u32 s18  }
0x29: {  	p0 =	sne.s32 s18, $0xFFFFFC00;
	s18 =	sadd.s32 $0x400, s18;
	_ =	swait.ge [sflag:s15], $0x3200  }
0x2a: {  	s19 =	sshra.s32 s19, $0x2;
	[sflag:s15] =	ssyncset.done $0x0  }
.Ltmp0:
0x2b: {  	s20 =	sadd.s32 $0x3200, s19;
	[sflag:s15] =	ssyncadd.s32 $0xFFFFCE00;
	(pc) =	sbr.rel @p0 .LBB2_2-.Ltmp0, $4  }
0x2c: {  	[spmem:s1] =	stream.indirect.scatter.add.f32 [tilespmem:s12], [sflag:$0x1], $0x80, s20, s13, $0xb8;
	[tilespmem:$0x1A800] =	vst v63  }
0x2d: {  	_ =	swait.ge [sflag:s16], $0x3200  }
0x2e: {  	[sflag:s16] =	ssyncset.done $0x0  }
0x2f: {  	s19 =	sadd.s32 $0x3280, s19;
	[sflag:s16] =	ssyncadd.s32 $0xFFFFCE00  }
0x30: {  	[spmem:s1] =	stream.indirect.scatter.add.f32 [tilespmem:s12], [sflag:$0x2], $0x80, s19, s13, $0xb8;
	[tilespmem:$0x1A800] =	vst v63  }
0x31: {  	_ =	swait.ge [sflag:s15], $0x3200  }
0x32: {  	[sflag:s15] =	ssyncset.done $0x0  }
0x33: {  	[sflag:s15] =	ssyncadd.s32 $0xFFFFCE00  }
0x34: {  	_ =	swait.ge [sflag:s16], $0x3200  }
0x35: {  	s17 =	sadd.s32 $0x1, s17;
	[sflag:s16] =	ssyncset.done $0x0  }
0x36: {  	p0 =	sne.s32 s17, s9;
	[sflag:s16] =	ssyncadd.s32 $0xFFFFCE00  }
.Ltmp1:
0x37: {  	[bflag:$0x0] =	sbarrier.arrive $0xFFFF;
	(pc) =	sbr.rel @p0 .LBB2_1-.Ltmp1, $4  }
0x38: {  	[hbm:s8], [sflag:s6] =	dma.local [spmem:s10], $0x2800  }
0x39: {  	_ =	swait.ge [sflag:s11], $0x2800  }
0x3a: {  	[sflag:s11] =	ssyncset.done $0x0  }
0x3b: {  	[sflag:s11] =	ssyncadd.s32 $0xFFFFD800  }
0x3c: {  	_ =	sfence.sel $0x180000  }
0x3d: {  	[bflag:$0x0] =	sbarrier.arrive $0xFFFF  }
0x3e: {  	p0 =	sne.s32 s2, $0x0;
	_ =	strace $0x90000047  }
0x3f: {  	s0 =	sadd.s32 @!p0 $0x100000, s0;
	[bflag:$0x2] =	sbarrier.arrive $0xFFFF  }
0x40: {  	[sflag:s0] =	ssyncadd.tile.s32 @!p0 $0x1;
	_ =	shalt  }
.Lfunc_end2:
_tile_overlayer_lowered:
.L_overlay_start_2:
0x41: {  	(tag) =	ssettag $0x2  }
0x42: {  	s0 =	rddreg [dreg:$0x0];
	s2 =	stileid.u32  }
0x43: {  	s1 =	rddreg [dreg:$0x1];
	p0 =	sne.s32 s2, $0x0  }
0x44: {  	s3 =	rddreg [dreg:$0x2];
	[bflag:$0x3] =	sbarrier.arrive $0xFFFF;
	s2 =	simm.s32 @!p0 $0x1C03  }
0x45: {  	[timem:s3], [sflag:s2] =	dma.local @!p0 [hbm:s0], s1  }
0x46: {  	s0 =	simm.s32 @!p0 $0x3  }
0x47: {  	_ =	swait.ge @!p0 [sflag:s0], s1  }
0x48: {  	s1 =	ssub.s32 @!p0 $0x0, s1;
	[sflag:s0] =	ssyncset.done @!p0 $0x0  }
0x49: {  	[sflag:s0] =	ssyncadd.s32 @!p0 s1  }
0x4a: {  	[bflag:$0x3] =	sbarrier.arrive $0xFFFF  }
0x4b: {  	_ =	shalt  }

</sc_bundles>
